<compile_context>
chip_gen: v7x
topology: tpu7x:2x2x1
jax: 0.10.2.dev20260603
libtpu: 0.0.44.dev20260713+nightly
codegen_flags: <defaults>
</compile_context>

<pallas_src>
import functools

import jax
import jax.numpy as jnp
from jax import lax
from jax.experimental import pallas as pl
from jax.experimental.pallas import tpu as pltpu
from jax.experimental.pallas import tpu_sc as plsc

_N = 10000
_G = 16
_K = 4
_NPAD = 10240
_RB = 256
_CB = 256
_NPADC = _NPAD + _CB
_BIG = 1e30
_MASKV = 1e10


def _leaky(v):
    return jnp.where(v >= 0, v, 0.01 * v)



def _bounds_body(bcol_ref, out_ref):
    b = bcol_ref[...]
    gi = lax.broadcasted_iota(jnp.int32, (1, 32), 1)
    acc = jnp.zeros((1, 32), jnp.int32)
    for g in range(_G + 3):
        c = jnp.sum((b < g).astype(jnp.int32))
        acc = jnp.where(gi == g, c, acc)
    out_ref[...] = acc


def _bounds(bcol):
    return pl.pallas_call(
        _bounds_body,
        in_specs=[pl.BlockSpec((1, _NPAD), lambda: (0, 0))],
        out_specs=pl.BlockSpec((1, 32), lambda: (0, 0)),
        out_shape=jax.ShapeDtypeStruct((1, 32), jnp.int32),
    )(bcol)


def _knn_body(pos_ref, post_ref, brow_ref, starts_ref, bsub_ref, out_ref):
    pid = pl.program_id(0)
    row0 = pid * _RB
    brow = brow_ref[...]
    g_first = jnp.min(brow)
    g_last = jnp.max(brow)
    st = starts_ref[...]
    gi = lax.broadcasted_iota(jnp.int32, (1, 32), 1)
    cs = jnp.sum(jnp.where(gi == g_first, st, 0))
    ce = jnp.sum(jnp.where(gi == g_last + 1, st, 0))
    base = (cs // 8) * 8
    nch = (ce - base + _CB - 1) // _CB

    pt_r = post_ref[...]
    sq_r = jnp.sum(pt_r * pt_r, axis=0, keepdims=True)
    ridf = (row0 + lax.broadcasted_iota(jnp.int32, (1, _RB), 1)).astype(jnp.float32)

    def chunk(c, carry):
        b0, i0, b1, i1, b2, i2, b3, i3 = carry
        col = pl.multiple_of(base + c * _CB, 8)
        pc = pos_ref[pl.ds(col, _CB), :]
        bc = bsub_ref[pl.ds(col, _CB), :]
        sq_c = jnp.sum(pc * pc, axis=1, keepdims=True)
        mm = jnp.dot(pc, pt_r, preferred_element_type=jnp.float32)
        dsq = (sq_c + sq_r) - 2.0 * mm
        colf = (col + lax.broadcasted_iota(jnp.int32, (_CB, 1), 0)).astype(jnp.float32)
        dsq = jnp.where(bc == brow, dsq, _BIG)
        dsq = jnp.where(colf == ridf, _MASKV, dsq)
        for _t in range(_K):
            m = jnp.min(dsq, axis=0, keepdims=True)
            am = jnp.min(jnp.where(dsq == m, colf, _BIG),
                         axis=0, keepdims=True)
            if _t < _K - 1:
                dsq = jnp.where(colf == am, _BIG, dsq)
            lt = m < b0
            nb0 = jnp.minimum(b0, m)
            ni0 = jnp.where(lt, am, i0)
            pd = jnp.maximum(b0, m)
            pi = jnp.where(lt, i0, am)
            lt = pd < b1
            nb1 = jnp.minimum(b1, pd)
            ni1 = jnp.where(lt, pi, i1)
            pd2 = jnp.maximum(b1, pd)
            pi = jnp.where(lt, i1, pi)
            lt = pd2 < b2
            nb2 = jnp.minimum(b2, pd2)
            ni2 = jnp.where(lt, pi, i2)
            pd3 = jnp.maximum(b2, pd2)
            pi = jnp.where(lt, i2, pi)
            lt = pd3 < b3
            nb3 = jnp.minimum(b3, pd3)
            ni3 = jnp.where(lt, pi, i3)
            b0, i0, b1, i1, b2, i2, b3, i3 = nb0, ni0, nb1, ni1, nb2, ni2, nb3, ni3
        return b0, i0, b1, i1, b2, i2, b3, i3

    zi = jnp.zeros((1, _RB), jnp.float32)
    bf = jnp.full((1, _RB), _BIG, jnp.float32)
    b0, i0, b1, i1, b2, i2, b3, i3 = lax.fori_loop(
        0, nch, chunk, (bf, zi, bf, zi, bf, zi, bf, zi))
    nmax = jnp.int32(_N - 1)
    out_ref[0:1, :] = jnp.minimum(i0.astype(jnp.int32), nmax)
    out_ref[1:2, :] = jnp.minimum(i1.astype(jnp.int32), nmax)
    out_ref[2:3, :] = jnp.minimum(i2.astype(jnp.int32), nmax)
    out_ref[3:4, :] = jnp.minimum(i3.astype(jnp.int32), nmax)


def _knn(pos, post, bcol, bsub, starts):
    return pl.pallas_call(
        _knn_body,
        grid=(_NPAD // _RB,),
        in_specs=[
            pl.BlockSpec((_NPADC, 3), lambda i: (0, 0)),
            pl.BlockSpec((3, _RB), lambda i: (0, i)),
            pl.BlockSpec((1, _RB), lambda i: (0, i)),
            pl.BlockSpec((1, 32), lambda i: (0, 0)),
            pl.BlockSpec((_NPADC, 1), lambda i: (0, 0)),
        ],
        out_specs=pl.BlockSpec((_K, _RB), lambda i: (0, i)),
        out_shape=jax.ShapeDtypeStruct((_K, _NPAD), jnp.int32),
    )(pos, post, bcol, starts, bsub)



def _uv_body(x_ref, wu_ref, wv_ref, bu_ref, u_ref, v_ref):
    xv = x_ref[...]
    u_ref[...] = jnp.dot(xv, wu_ref[...], preferred_element_type=jnp.float32) + bu_ref[...]
    v_ref[...] = jnp.dot(xv, wv_ref[...], preferred_element_type=jnp.float32)


def _uv(x, wu, wv, bu, bm=2048):
    f = x.shape[1]
    return pl.pallas_call(
        _uv_body,
        grid=(_NPAD // bm,),
        in_specs=[
            pl.BlockSpec((bm, f), lambda i: (i, 0)),
            pl.BlockSpec((f, 16), lambda i: (0, 0)),
            pl.BlockSpec((f, 16), lambda i: (0, 0)),
            pl.BlockSpec((1, 16), lambda i: (0, 0)),
        ],
        out_specs=[pl.BlockSpec((bm, 16), lambda i: (i, 0)),
                   pl.BlockSpec((bm, 16), lambda i: (i, 0))],
        out_shape=[jax.ShapeDtypeStruct((_NPAD, 16), jnp.float32)] * 2,
    )(x, wu, wv, bu)



_SC_B = _NPAD * _K
_NW = 32
_BPW = _SC_B // _NW
_CHUNK = 128


def _gather_rows(table, idx):
    mesh = plsc.VectorSubcoreMesh(core_axis_name="c", subcore_axis_name="s")

    @functools.partial(
        pl.kernel, mesh=mesh,
        compiler_params=pltpu.CompilerParams(use_tc_tiling_on_sc=False),
        out_type=jax.ShapeDtypeStruct((_SC_B, 16), jnp.float32),
        scratch_types=[
            pltpu.VMEM((_BPW,), jnp.int32),
            pltpu.VMEM((_BPW, 16), jnp.float32),
            pltpu.SemaphoreType.DMA,
        ],
    )
    def gk(table_hbm, idx_hbm, out_hbm, idx_v, rows_v, sem):
        wid = lax.axis_index("s") * 2 + lax.axis_index("c")
        base = wid * _BPW
        pltpu.sync_copy(idx_hbm.at[pl.ds(base, _BPW)], idx_v)
        handles = []
        for j in range(_BPW // _CHUNK):
            handles.append(pltpu.async_copy(
                table_hbm.at[idx_v.at[pl.ds(j * _CHUNK, _CHUNK)]],
                rows_v.at[pl.ds(j * _CHUNK, _CHUNK)], sem))
        for h in handles:
            h.wait()
        pltpu.sync_copy(rows_v, out_hbm.at[pl.ds(base, _BPW)])

    return gk(table, idx)



def _edge_body(u_ref, vg_ref, wb_ref, bb_ref, out_ref):
    u = u_ref[...]
    wb = wb_ref[...]
    bb = bb_ref[...]
    acc = jnp.zeros(u.shape, jnp.float32)
    for j in range(_K):
        t = _leaky(u + vg_ref[:, j * 16:(j + 1) * 16])
        acc = acc + _leaky(jnp.dot(t, wb, preferred_element_type=jnp.float32) + bb)
    out_ref[...] = acc


def _edge(u, vg, wb, bb, bm=2048):
    return pl.pallas_call(
        _edge_body,
        grid=(_NPAD // bm,),
        in_specs=[
            pl.BlockSpec((bm, 16), lambda i: (i, 0)),
            pl.BlockSpec((bm, 64), lambda i: (i, 0)),
            pl.BlockSpec((16, 16), lambda i: (0, 0)),
            pl.BlockSpec((1, 16), lambda i: (0, 0)),
        ],
        out_specs=pl.BlockSpec((bm, 16), lambda i: (i, 0)),
        out_shape=jax.ShapeDtypeStruct((_NPAD, 16), jnp.float32),
    )(u, vg, wb, bb)



_RF = 2048


def _final_body(xt_ref, h1t_ref, h2t_ref, bl_ref,
                w1x_ref, w1a_ref, w1b_ref, bp1_ref, wp2_ref, bp2_ref,
                wmin_ref, wmax_ref, wmean_ref, br1_ref, wr2_ref, br2_ref,
                out_ref, smin, smax, ssum, scnt):
    pid = pl.program_id(0)

    @pl.when(pid == 0)
    def _init():
        smin[...] = jnp.full((16, _G), jnp.inf, jnp.float32)
        smax[...] = jnp.full((16, _G), -jnp.inf, jnp.float32)
        ssum[...] = jnp.zeros((16, _G), jnp.float32)
        scnt[...] = jnp.zeros((8, _G), jnp.float32)

    p = _leaky(jnp.dot(w1x_ref[...], xt_ref[...], preferred_element_type=jnp.float32)
               + jnp.dot(w1a_ref[...], h1t_ref[...], preferred_element_type=jnp.float32)
               + jnp.dot(w1b_ref[...], h2t_ref[...], preferred_element_type=jnp.float32)
               + bp1_ref[...])
    p = _leaky(jnp.dot(wp2_ref[...], p, preferred_element_type=jnp.float32) + bp2_ref[...])

    bl = bl_ref[...]
    mn = smin[...]
    mx = smax[...]
    sm = ssum[...]
    ct = scnt[...]
    gl = lax.broadcasted_iota(jnp.int32, (1, _G), 1)
    for g in range(_G):
        mg = bl == g
        col_min = jnp.min(jnp.where(mg, p, jnp.inf), axis=1, keepdims=True)
        col_max = jnp.max(jnp.where(mg, p, -jnp.inf), axis=1, keepdims=True)
        col_sum = jnp.sum(jnp.where(mg, p, 0.0), axis=1, keepdims=True)
        cnt_g = jnp.sum(mg.astype(jnp.float32), axis=1, keepdims=True)
        lm = gl == g
        mn = jnp.where(lm, jnp.minimum(mn, col_min), mn)
        mx = jnp.where(lm, jnp.maximum(mx, col_max), mx)
        sm = jnp.where(lm, sm + col_sum, sm)
        ct = jnp.where(lm, ct + cnt_g, ct)
    smin[...] = mn
    smax[...] = mx
    ssum[...] = sm
    scnt[...] = ct

    @pl.when(pid == pl.num_programs(0) - 1)
    def _fin():
        inv = 1.0 / jnp.maximum(scnt[0:1, :], 1.0)
        meant = ssum[...] * inv
        r1 = _leaky(jnp.dot(wmin_ref[...], smin[...], preferred_element_type=jnp.float32)
                    + jnp.dot(wmax_ref[...], smax[...], preferred_element_type=jnp.float32)
                    + jnp.dot(wmean_ref[...], meant, preferred_element_type=jnp.float32)
                    + br1_ref[...])
        out_ref[...] = jnp.dot(wr2_ref[...], r1, preferred_element_type=jnp.float32) + br2_ref[...]


def _final(xt, h1t, h2t, bl, wp1, bp1, wp2, bp2, wr1, br1, wr2, br2):
    full = lambda a, b: pl.BlockSpec((a, b), lambda i: (0, 0))
    return pl.pallas_call(
        _final_body,
        grid=(_NPAD // _RF,),
        in_specs=[
            pl.BlockSpec((3, _RF), lambda i: (0, i)),
            pl.BlockSpec((16, _RF), lambda i: (0, i)),
            pl.BlockSpec((16, _RF), lambda i: (0, i)),
            pl.BlockSpec((1, _RF), lambda i: (0, i)),
            full(16, 3), full(16, 16), full(16, 16), full(16, 1),
            full(16, 16), full(16, 1),
            full(128, 16), full(128, 16), full(128, 16), full(128, 1),
            full(10, 128), full(10, 1),
        ],
        out_specs=pl.BlockSpec((10, _G), lambda i: (0, 0)),
        out_shape=jax.ShapeDtypeStruct((10, _G), jnp.float32),
        scratch_shapes=[
            pltpu.VMEM((16, _G), jnp.float32),
            pltpu.VMEM((16, _G), jnp.float32),
            pltpu.VMEM((16, _G), jnp.float32),
            pltpu.VMEM((8, _G), jnp.float32),
        ],
    )(xt, h1t, h2t, bl,
      wp1[:3].T, wp1[3:19].T, wp1[19:35].T, bp1.reshape(16, 1),
      wp2.T, bp2.reshape(16, 1),
      wr1[:16].T, wr1[16:32].T, wr1[32:48].T, br1.reshape(128, 1),
      wr2.T, br2.reshape(10, 1))



def kernel(x, edge_index, batch, W1a, b1a, W1b, b1b, W2a, b2a, W2b, b2b,
           Wp1, bp1, Wp2, bp2, Wr1, br1, Wr2, br2):
    del edge_index
    xp = jnp.zeros((_NPAD, 3), jnp.float32).at[:_N].set(x)
    bcol = jnp.full((1, _NPAD), _G + 1, jnp.int32).at[0, :_N].set(batch)
    bsub = jnp.full((_NPADC, 1), _G + 1, jnp.int32).at[:_N, 0].set(batch)

    starts = _bounds(bcol)

    def layer(h, f, wa, ba, wb, bb_):
        pos = h[:, :3]
        pos_c = jnp.zeros((_NPADC, 3), jnp.float32).at[:_NPAD].set(pos)
        nbrs = _knn(pos_c, pos.T, bcol, bsub, starts)
        u, v = _uv(h, wa[:f] - wa[f:], wa[f:], ba.reshape(1, 16))
        vg = _gather_rows(v, nbrs.T.reshape(-1))
        return _edge(u, vg.reshape(_NPAD, 4 * 16), wb, bb_.reshape(1, 16))

    h1 = layer(xp, 3, W1a, b1a, W1b, b1b)
    h2 = layer(h1, 16, W2a, b2a, W2b, b2b)
    out_t = _final(xp.T, h1.T, h2.T, bcol, Wp1, bp1, Wp2, bp2, Wr1, br1, Wr2, br2)
    return out_t.T

# --- scband reference (transcript-rebuilt; emitter-appended) ---
"""Pipeline reference for scband-graph-net-76854144795115 (READ-ONLY COPY).

The authoritative reference and input builder live on the scoring server;
editing this copy changes nothing except your own understanding.
"""

import jax, jax.numpy as jnp
import numpy as np

N = 10000
K = 4
G = 16

def _leaky(x):
    return jax.nn.leaky_relu(x, negative_slope=0.01)

def _knn_edges(h, batch, k, block=2000):
    # knn_graph on h[:, :3] within each batch segment, excluding self (PyG knn_graph, flow source_to_target)
    pos = h[:, :3]
    n = pos.shape[0]
    sq = jnp.sum(pos * pos, axis=1)
    idx_list = []
    for s in range(0, n, block):
        pb = pos[s:s + block]
        bb = batch[s:s + block]
        m = pb.shape[0]
        db = jnp.sum(pb * pb, axis=1)[:, None] + sq[None, :] - 2.0 * (pb @ pos.T)
        db = db + jnp.where(bb[:, None] != batch[None, :], 1e10, 0.0)
        db = db.at[jnp.arange(m), jnp.arange(s, s + m)].set(1e10)
        _, idx = jax.lax.top_k(-db, k)
        idx_list.append(idx)
    nbrs = jnp.concatenate(idx_list, axis=0)
    src = nbrs.reshape(-1)
    dst = jnp.repeat(jnp.arange(n), k)
    return src, dst

def _edge_conv(x, src, dst, Wa, ba, Wb, bb):
    # EdgeConv with aggr='add': nn(cat([x_i, x_j - x_i])) summed at dst
    xi = x[dst]
    xj = x[src]
    msg = jnp.concatenate([xi, xj - xi], axis=1)
    h = _leaky(msg @ Wa + ba)
    h = _leaky(h @ Wb + bb)
    return jax.ops.segment_sum(h, dst, num_segments=x.shape[0])

def setup_inputs(seed: int = 0):
    key = jax.random.key(seed)
    ks = jax.random.split(key, 20)
    def w(i, shape):
        return 0.1 * jax.random.normal(ks[i], shape, dtype=jnp.float32)
    inp = {}
    inp["x"] = jax.random.normal(ks[0], (N, 3), dtype=jnp.float32)
    inp["edge_index"] = jax.random.randint(ks[1], (2, N * K), 0, N, dtype=jnp.int32)
    inp["batch"] = jnp.sort(jax.random.randint(ks[2], (N,), 0, G, dtype=jnp.int32))
    inp["W1a"] = w(3, (6, 16));   inp["b1a"] = jnp.zeros((16,), jnp.float32)
    inp["W1b"] = w(4, (16, 16));  inp["b1b"] = jnp.zeros((16,), jnp.float32)
    inp["W2a"] = w(5, (32, 16));  inp["b2a"] = jnp.zeros((16,), jnp.float32)
    inp["W2b"] = w(6, (16, 16));  inp["b2b"] = jnp.zeros((16,), jnp.float32)
    inp["Wp1"] = w(7, (35, 16));  inp["bp1"] = jnp.zeros((16,), jnp.float32)
    inp["Wp2"] = w(8, (16, 16));  inp["bp2"] = jnp.zeros((16,), jnp.float32)
    inp["Wr1"] = w(9, (48, 128)); inp["br1"] = jnp.zeros((128,), jnp.float32)
    inp["Wr2"] = w(10, (128, 10)); inp["br2"] = jnp.zeros((10,), jnp.float32)
    return inp

def reference(x, edge_index, batch, W1a, b1a, W1b, b1b, W2a, b2a, W2b, b2b, Wp1, bp1, Wp2, bp2, Wr1, br1, Wr2, br2):
    # edge_index is immediately replaced since update_adjacency=True in every DynEdgeConv
    skips = [x]
    h = x
    for (Wa, ba, Wb, bb) in ((W1a, b1a, W1b, b1b), (W2a, b2a, W2b, b2b)):
        src, dst = _knn_edges(jax.lax.stop_gradient(h), batch, K)
        h = _edge_conv(h, src, dst, Wa, ba, Wb, bb)
        skips.append(h)
    xc = jnp.concatenate(skips, axis=1)  # [N, 3+16+16]
    p = _leaky(xc @ Wp1 + bp1)
    p = _leaky(p @ Wp2 + bp2)
    pmin = jax.ops.segment_min(p, batch, num_segments=G)
    pmax = jax.ops.segment_max(p, batch, num_segments=G)
    psum = jax.ops.segment_sum(p, batch, num_segments=G)
    cnt = jax.ops.segment_sum(jnp.ones((p.shape[0],), p.dtype), batch, num_segments=G)
    pmean = psum / jnp.maximum(cnt, 1.0)[:, None]
    pooled = jnp.concatenate([pmin, pmax, pmean], axis=1)  # [G, 48]
    r = _leaky(pooled @ Wr1 + br1)
    return r @ Wr2 + br2  # [G, 10]

if __name__ == "__main__":
    import jax
    _d = setup_inputs()
    print(jax.jit(kernel)(*tuple(_d.values())))

</pallas_src>

<mosaic_0001>
#map = affine_map<(d0, d1) -> (0, 0)>
#map1 = affine_map<(d0, d1) -> (0)>
module attributes {stable_mosaic.version = 14 : i64} {
  func.func @gk(%arg0: i32, %arg1: i32, %arg2: memref<10240x16xf32, #tpu.memory_space<hbm>>, %arg3: memref<40960xi32, #tpu.memory_space<hbm>>, %arg4: memref<40960x16xf32, #tpu.memory_space<hbm>>, %arg5: memref<1280xi32, #tpu.memory_space<vmem>>, %arg6: memref<1280x16xf32, #tpu.memory_space<vmem>>, %arg7: memref<!tpu.dma_semaphore, #tpu.memory_space<semaphore_mem>>) attributes {dimension_semantics = [#tpu.dimension_semantics<core_parallel>, #tpu.dimension_semantics<subcore_parallel>], iteration_bounds = array<i64: 2, 16>, scalar_prefetch = 0 : i64, scratch_operands = 3 : i64, tpu.core_type = #tpu.core_type<sc_vector_subcore>, window_params = [{transform_indices = #map}, {transform_indices = #map1}, {transform_indices = #map}]} {
    %mul3A = arith.constant 2 : i32
    %mul3A_0 = arith.muli %arg1, %mul3A : i32
    %add3A = arith.addi %mul3A_0, %arg0 : i32
    %mul3A_1 = arith.constant 1280 : i32
    %mul3A_2 = arith.muli %add3A, %mul3A_1 : i32
    "tpu.region"() ({
      %run_scoped3A = tpu.sem_alloc : memref<!tpu.dma_semaphore, #tpu.memory_space<semaphore_mem>>
      %dma_start3A_161 = tpu.memref_slice %arg3[%mul3A_2] : memref<40960xi32, #tpu.memory_space<hbm>> -> memref<1280xi32, #tpu.memory_space<hbm>>
      %dma_start3A_162 = tpu.memref_slice %arg3[%mul3A_2] : memref<40960xi32, #tpu.memory_space<hbm>> -> memref<1280xi32, #tpu.memory_space<hbm>>
      tpu.enqueue_dma source(%dma_start3A_162 : memref<1280xi32, #tpu.memory_space<hbm>>) target(%arg5 : memref<1280xi32, #tpu.memory_space<vmem>>) target_semaphore(%run_scoped3A : memref<!tpu.dma_semaphore, #tpu.memory_space<semaphore_mem>>)
      %dma_wait3A_163 = tpu.memref_slice %arg3[%mul3A_2] : memref<40960xi32, #tpu.memory_space<hbm>> -> memref<1280xi32, #tpu.memory_space<hbm>>
      %dma_wait3A_164 = tpu.memref_slice %arg3[%mul3A_2] : memref<40960xi32, #tpu.memory_space<hbm>> -> memref<1280xi32, #tpu.memory_space<hbm>>
      tpu.wait_dma2 semaphore(%run_scoped3A : memref<!tpu.dma_semaphore, #tpu.memory_space<semaphore_mem>>) src(%dma_wait3A_164 : memref<1280xi32, #tpu.memory_space<hbm>>) dst(%arg5 : memref<1280xi32, #tpu.memory_space<vmem>>)
      tpu.yield
    }) : () -> ()
    %dma_start3A = arith.constant 0 : i32
    %dma_start3A_3 = arith.constant 0 : i32
    %dma_start3A_4 = tpu.memref_slice %arg6[%dma_start3A, %dma_start3A_3] : memref<1280x16xf32, #tpu.memory_space<vmem>> -> memref<128x16xf32, #tpu.memory_space<vmem>>
    %dma_start3A_5 = arith.constant 0 : i32
    %dma_start3A_6 = tpu.memref_slice %arg5[%dma_start3A_5] : memref<1280xi32, #tpu.memory_space<vmem>> -> memref<128xi32, #tpu.memory_space<vmem>>
    %dma_start3A_7 = arith.constant 0 : i32
    %dma_start3A_8 = arith.constant 0 : i32
    %dma_start3A_9 = tpu.memref_slice %arg2[%dma_start3A_7, %dma_start3A_8] : memref<10240x16xf32, #tpu.memory_space<hbm>> -> memref<10240x16xf32, #tpu.memory_space<hbm>>
    tpu.enqueue_indirect_dma source(%dma_start3A_9 : memref<10240x16xf32, #tpu.memory_space<hbm>>) target(%dma_start3A_4 : memref<128x16xf32, #tpu.memory_space<vmem>>) offsets(%dma_start3A_6 : memref<128xi32, #tpu.memory_space<vmem>>) semaphore(%arg7 : memref<!tpu.dma_semaphore, #tpu.memory_space<semaphore_mem>>)
    %dma_start3A_10 = arith.constant 128 : i32
    %dma_start3A_11 = arith.constant 0 : i32
    %dma_start3A_12 = tpu.memref_slice %arg6[%dma_start3A_10, %dma_start3A_11] : memref<1280x16xf32, #tpu.memory_space<vmem>> -> memref<128x16xf32, #tpu.memory_space<vmem>>
    %dma_start3A_13 = arith.constant 128 : i32
    %dma_start3A_14 = tpu.memref_slice %arg5[%dma_start3A_13] : memref<1280xi32, #tpu.memory_space<vmem>> -> memref<128xi32, #tpu.memory_space<vmem>>
    %dma_start3A_15 = arith.constant 0 : i32
    %dma_start3A_16 = arith.constant 0 : i32
    %dma_start3A_17 = tpu.memref_slice %arg2[%dma_start3A_15, %dma_start3A_16] : memref<10240x16xf32, #tpu.memory_space<hbm>> -> memref<10240x16xf32, #tpu.memory_space<hbm>>
    tpu.enqueue_indirect_dma source(%dma_start3A_17 : memref<10240x16xf32, #tpu.memory_space<hbm>>) target(%dma_start3A_12 : memref<128x16xf32, #tpu.memory_space<vmem>>) offsets(%dma_start3A_14 : memref<128xi32, #tpu.memory_space<vmem>>) semaphore(%arg7 : memref<!tpu.dma_semaphore, #tpu.memory_space<semaphore_mem>>)
    %dma_start3A_18 = arith.constant 256 : i32
    %dma_start3A_19 = arith.constant 0 : i32
    %dma_start3A_20 = tpu.memref_slice %arg6[%dma_start3A_18, %dma_start3A_19] : memref<1280x16xf32, #tpu.memory_space<vmem>> -> memref<128x16xf32, #tpu.memory_space<vmem>>
    %dma_start3A_21 = arith.constant 256 : i32
    %dma_start3A_22 = tpu.memref_slice %arg5[%dma_start3A_21] : memref<1280xi32, #tpu.memory_space<vmem>> -> memref<128xi32, #tpu.memory_space<vmem>>
    %dma_start3A_23 = arith.constant 0 : i32
    %dma_start3A_24 = arith.constant 0 : i32
    %dma_start3A_25 = tpu.memref_slice %arg2[%dma_start3A_23, %dma_start3A_24] : memref<10240x16xf32, #tpu.memory_space<hbm>> -> memref<10240x16xf32, #tpu.memory_space<hbm>>
    tpu.enqueue_indirect_dma source(%dma_start3A_25 : memref<10240x16xf32, #tpu.memory_space<hbm>>) target(%dma_start3A_20 : memref<128x16xf32, #tpu.memory_space<vmem>>) offsets(%dma_start3A_22 : memref<128xi32, #tpu.memory_space<vmem>>) semaphore(%arg7 : memref<!tpu.dma_semaphore, #tpu.memory_space<semaphore_mem>>)
    %dma_start3A_26 = arith.constant 384 : i32
    %dma_start3A_27 = arith.constant 0 : i32
    %dma_start3A_28 = tpu.memref_slice %arg6[%dma_start3A_26, %dma_start3A_27] : memref<1280x16xf32, #tpu.memory_space<vmem>> -> memref<128x16xf32, #tpu.memory_space<vmem>>
    %dma_start3A_29 = arith.constant 384 : i32
    %dma_start3A_30 = tpu.memref_slice %arg5[%dma_start3A_29] : memref<1280xi32, #tpu.memory_space<vmem>> -> memref<128xi32, #tpu.memory_space<vmem>>
    %dma_start3A_31 = arith.constant 0 : i32
    %dma_start3A_32 = arith.constant 0 : i32
    %dma_start3A_33 = tpu.memref_slice %arg2[%dma_start3A_31, %dma_start3A_32] : memref<10240x16xf32, #tpu.memory_space<hbm>> -> memref<10240x16xf32, #tpu.memory_space<hbm>>
    tpu.enqueue_indirect_dma source(%dma_start3A_33 : memref<10240x16xf32, #tpu.memory_space<hbm>>) target(%dma_start3A_28 : memref<128x16xf32, #tpu.memory_space<vmem>>) offsets(%dma_start3A_30 : memref<128xi32, #tpu.memory_space<vmem>>) semaphore(%arg7 : memref<!tpu.dma_semaphore, #tpu.memory_space<semaphore_mem>>)
    %dma_start3A_34 = arith.constant 512 : i32
    %dma_start3A_35 = arith.constant 0 : i32
    %dma_start3A_36 = tpu.memref_slice %arg6[%dma_start3A_34, %dma_start3A_35] : memref<1280x16xf32, #tpu.memory_space<vmem>> -> memref<128x16xf32, #tpu.memory_space<vmem>>
    %dma_start3A_37 = arith.constant 512 : i32
    %dma_start3A_38 = tpu.memref_slice %arg5[%dma_start3A_37] : memref<1280xi32, #tpu.memory_space<vmem>> -> memref<128xi32, #tpu.memory_space<vmem>>
    %dma_start3A_39 = arith.constant 0 : i32
    %dma_start3A_40 = arith.constant 0 : i32
    %dma_start3A_41 = tpu.memref_slice %arg2[%dma_start3A_39, %dma_start3A_40] : memref<10240x16xf32, #tpu.memory_space<hbm>> -> memref<10240x16xf32, #tpu.memory_space<hbm>>
    tpu.enqueue_indirect_dma source(%dma_start3A_41 : memref<10240x16xf32, #tpu.memory_space<hbm>>) target(%dma_start3A_36 : memref<128x16xf32, #tpu.memory_space<vmem>>) offsets(%dma_start3A_38 : memref<128xi32, #tpu.memory_space<vmem>>) semaphore(%arg7 : memref<!tpu.dma_semaphore, #tpu.memory_space<semaphore_mem>>)
    %dma_start3A_42 = arith.constant 640 : i32
    %dma_start3A_43 = arith.constant 0 : i32
    %dma_start3A_44 = tpu.memref_slice %arg6[%dma_start3A_42, %dma_start3A_43] : memref<1280x16xf32, #tpu.memory_space<vmem>> -> memref<128x16xf32, #tpu.memory_space<vmem>>
    %dma_start3A_45 = arith.constant 640 : i32
    %dma_start3A_46 = tpu.memref_slice %arg5[%dma_start3A_45] : memref<1280xi32, #tpu.memory_space<vmem>> -> memref<128xi32, #tpu.memory_space<vmem>>
    %dma_start3A_47 = arith.constant 0 : i32
    %dma_start3A_48 = arith.constant 0 : i32
    %dma_start3A_49 = tpu.memref_slice %arg2[%dma_start3A_47, %dma_start3A_48] : memref<10240x16xf32, #tpu.memory_space<hbm>> -> memref<10240x16xf32, #tpu.memory_space<hbm>>
    tpu.enqueue_indirect_dma source(%dma_start3A_49 : memref<10240x16xf32, #tpu.memory_space<hbm>>) target(%dma_start3A_44 : memref<128x16xf32, #tpu.memory_space<vmem>>) offsets(%dma_start3A_46 : memref<128xi32, #tpu.memory_space<vmem>>) semaphore(%arg7 : memref<!tpu.dma_semaphore, #tpu.memory_space<semaphore_mem>>)
    %dma_start3A_50 = arith.constant 768 : i32
    %dma_start3A_51 = arith.constant 0 : i32
    %dma_start3A_52 = tpu.memref_slice %arg6[%dma_start3A_50, %dma_start3A_51] : memref<1280x16xf32, #tpu.memory_space<vmem>> -> memref<128x16xf32, #tpu.memory_space<vmem>>
    %dma_start3A_53 = arith.constant 768 : i32
    %dma_start3A_54 = tpu.memref_slice %arg5[%dma_start3A_53] : memref<1280xi32, #tpu.memory_space<vmem>> -> memref<128xi32, #tpu.memory_space<vmem>>
    %dma_start3A_55 = arith.constant 0 : i32
    %dma_start3A_56 = arith.constant 0 : i32
    %dma_start3A_57 = tpu.memref_slice %arg2[%dma_start3A_55, %dma_start3A_56] : memref<10240x16xf32, #tpu.memory_space<hbm>> -> memref<10240x16xf32, #tpu.memory_space<hbm>>
    tpu.enqueue_indirect_dma source(%dma_start3A_57 : memref<10240x16xf32, #tpu.memory_space<hbm>>) target(%dma_start3A_52 : memref<128x16xf32, #tpu.memory_space<vmem>>) offsets(%dma_start3A_54 : memref<128xi32, #tpu.memory_space<vmem>>) semaphore(%arg7 : memref<!tpu.dma_semaphore, #tpu.memory_space<semaphore_mem>>)
    %dma_start3A_58 = arith.constant 896 : i32
    %dma_start3A_59 = arith.constant 0 : i32
    %dma_start3A_60 = tpu.memref_slice %arg6[%dma_start3A_58, %dma_start3A_59] : memref<1280x16xf32, #tpu.memory_space<vmem>> -> memref<128x16xf32, #tpu.memory_space<vmem>>
    %dma_start3A_61 = arith.constant 896 : i32
    %dma_start3A_62 = tpu.memref_slice %arg5[%dma_start3A_61] : memref<1280xi32, #tpu.memory_space<vmem>> -> memref<128xi32, #tpu.memory_space<vmem>>
    %dma_start3A_63 = arith.constant 0 : i32
    %dma_start3A_64 = arith.constant 0 : i32
    %dma_start3A_65 = tpu.memref_slice %arg2[%dma_start3A_63, %dma_start3A_64] : memref<10240x16xf32, #tpu.memory_space<hbm>> -> memref<10240x16xf32, #tpu.memory_space<hbm>>
    tpu.enqueue_indirect_dma source(%dma_start3A_65 : memref<10240x16xf32, #tpu.memory_space<hbm>>) target(%dma_start3A_60 : memref<128x16xf32, #tpu.memory_space<vmem>>) offsets(%dma_start3A_62 : memref<128xi32, #tpu.memory_space<vmem>>) semaphore(%arg7 : memref<!tpu.dma_semaphore, #tpu.memory_space<semaphore_mem>>)
    %dma_start3A_66 = arith.constant 1024 : i32
    %dma_start3A_67 = arith.constant 0 : i32
    %dma_start3A_68 = tpu.memref_slice %arg6[%dma_start3A_66, %dma_start3A_67] : memref<1280x16xf32, #tpu.memory_space<vmem>> -> memref<128x16xf32, #tpu.memory_space<vmem>>
    %dma_start3A_69 = arith.constant 1024 : i32
    %dma_start3A_70 = tpu.memref_slice %arg5[%dma_start3A_69] : memref<1280xi32, #tpu.memory_space<vmem>> -> memref<128xi32, #tpu.memory_space<vmem>>
    %dma_start3A_71 = arith.constant 0 : i32
    %dma_start3A_72 = arith.constant 0 : i32
    %dma_start3A_73 = tpu.memref_slice %arg2[%dma_start3A_71, %dma_start3A_72] : memref<10240x16xf32, #tpu.memory_space<hbm>> -> memref<10240x16xf32, #tpu.memory_space<hbm>>
    tpu.enqueue_indirect_dma source(%dma_start3A_73 : memref<10240x16xf32, #tpu.memory_space<hbm>>) target(%dma_start3A_68 : memref<128x16xf32, #tpu.memory_space<vmem>>) offsets(%dma_start3A_70 : memref<128xi32, #tpu.memory_space<vmem>>) semaphore(%arg7 : memref<!tpu.dma_semaphore, #tpu.memory_space<semaphore_mem>>)
    %dma_start3A_74 = arith.constant 1152 : i32
    %dma_start3A_75 = arith.constant 0 : i32
    %dma_start3A_76 = tpu.memref_slice %arg6[%dma_start3A_74, %dma_start3A_75] : memref<1280x16xf32, #tpu.memory_space<vmem>> -> memref<128x16xf32, #tpu.memory_space<vmem>>
    %dma_start3A_77 = arith.constant 1152 : i32
    %dma_start3A_78 = tpu.memref_slice %arg5[%dma_start3A_77] : memref<1280xi32, #tpu.memory_space<vmem>> -> memref<128xi32, #tpu.memory_space<vmem>>
    %dma_start3A_79 = arith.constant 0 : i32
    %dma_start3A_80 = arith.constant 0 : i32
    %dma_start3A_81 = tpu.memref_slice %arg2[%dma_start3A_79, %dma_start3A_80] : memref<10240x16xf32, #tpu.memory_space<hbm>> -> memref<10240x16xf32, #tpu.memory_space<hbm>>
    tpu.enqueue_indirect_dma source(%dma_start3A_81 : memref<10240x16xf32, #tpu.memory_space<hbm>>) target(%dma_start3A_76 : memref<128x16xf32, #tpu.memory_space<vmem>>) offsets(%dma_start3A_78 : memref<128xi32, #tpu.memory_space<vmem>>) semaphore(%arg7 : memref<!tpu.dma_semaphore, #tpu.memory_space<semaphore_mem>>)
    %dma_wait3A = arith.constant 0 : i32
    %dma_wait3A_82 = arith.constant 0 : i32
    %dma_wait3A_83 = tpu.memref_slice %arg6[%dma_wait3A, %dma_wait3A_82] : memref<1280x16xf32, #tpu.memory_space<vmem>> -> memref<128x16xf32, #tpu.memory_space<vmem>>
    %dma_wait3A_84 = arith.constant 0 : i32
    %dma_wait3A_85 = tpu.memref_slice %arg5[%dma_wait3A_84] : memref<1280xi32, #tpu.memory_space<vmem>> -> memref<128xi32, #tpu.memory_space<vmem>>
    %dma_wait3A_86 = arith.constant 0 : i32
    %dma_wait3A_87 = arith.constant 0 : i32
    %dma_wait3A_88 = tpu.memref_slice %arg2[%dma_wait3A_86, %dma_wait3A_87] : memref<10240x16xf32, #tpu.memory_space<hbm>> -> memref<10240x16xf32, #tpu.memory_space<hbm>>
    tpu.wait_indirect_dma semaphore(%arg7 : memref<!tpu.dma_semaphore, #tpu.memory_space<semaphore_mem>>) src(%dma_wait3A_88 : memref<10240x16xf32, #tpu.memory_space<hbm>>) dst(%dma_wait3A_83 : memref<128x16xf32, #tpu.memory_space<vmem>>)
    %dma_wait3A_89 = arith.constant 128 : i32
    %dma_wait3A_90 = arith.constant 0 : i32
    %dma_wait3A_91 = tpu.memref_slice %arg6[%dma_wait3A_89, %dma_wait3A_90] : memref<1280x16xf32, #tpu.memory_space<vmem>> -> memref<128x16xf32, #tpu.memory_space<vmem>>
    %dma_wait3A_92 = arith.constant 128 : i32
    %dma_wait3A_93 = tpu.memref_slice %arg5[%dma_wait3A_92] : memref<1280xi32, #tpu.memory_space<vmem>> -> memref<128xi32, #tpu.memory_space<vmem>>
    %dma_wait3A_94 = arith.constant 0 : i32
    %dma_wait3A_95 = arith.constant 0 : i32
    %dma_wait3A_96 = tpu.memref_slice %arg2[%dma_wait3A_94, %dma_wait3A_95] : memref<10240x16xf32, #tpu.memory_space<hbm>> -> memref<10240x16xf32, #tpu.memory_space<hbm>>
    tpu.wait_indirect_dma semaphore(%arg7 : memref<!tpu.dma_semaphore, #tpu.memory_space<semaphore_mem>>) src(%dma_wait3A_96 : memref<10240x16xf32, #tpu.memory_space<hbm>>) dst(%dma_wait3A_91 : memref<128x16xf32, #tpu.memory_space<vmem>>)
    %dma_wait3A_97 = arith.constant 256 : i32
    %dma_wait3A_98 = arith.constant 0 : i32
    %dma_wait3A_99 = tpu.memref_slice %arg6[%dma_wait3A_97, %dma_wait3A_98] : memref<1280x16xf32, #tpu.memory_space<vmem>> -> memref<128x16xf32, #tpu.memory_space<vmem>>
    %dma_wait3A_100 = arith.constant 256 : i32
    %dma_wait3A_101 = tpu.memref_slice %arg5[%dma_wait3A_100] : memref<1280xi32, #tpu.memory_space<vmem>> -> memref<128xi32, #tpu.memory_space<vmem>>
    %dma_wait3A_102 = arith.constant 0 : i32
    %dma_wait3A_103 = arith.constant 0 : i32
    %dma_wait3A_104 = tpu.memref_slice %arg2[%dma_wait3A_102, %dma_wait3A_103] : memref<10240x16xf32, #tpu.memory_space<hbm>> -> memref<10240x16xf32, #tpu.memory_space<hbm>>
    tpu.wait_indirect_dma semaphore(%arg7 : memref<!tpu.dma_semaphore, #tpu.memory_space<semaphore_mem>>) src(%dma_wait3A_104 : memref<10240x16xf32, #tpu.memory_space<hbm>>) dst(%dma_wait3A_99 : memref<128x16xf32, #tpu.memory_space<vmem>>)
    %dma_wait3A_105 = arith.constant 384 : i32
    %dma_wait3A_106 = arith.constant 0 : i32
    %dma_wait3A_107 = tpu.memref_slice %arg6[%dma_wait3A_105, %dma_wait3A_106] : memref<1280x16xf32, #tpu.memory_space<vmem>> -> memref<128x16xf32, #tpu.memory_space<vmem>>
    %dma_wait3A_108 = arith.constant 384 : i32
    %dma_wait3A_109 = tpu.memref_slice %arg5[%dma_wait3A_108] : memref<1280xi32, #tpu.memory_space<vmem>> -> memref<128xi32, #tpu.memory_space<vmem>>
    %dma_wait3A_110 = arith.constant 0 : i32
    %dma_wait3A_111 = arith.constant 0 : i32
    %dma_wait3A_112 = tpu.memref_slice %arg2[%dma_wait3A_110, %dma_wait3A_111] : memref<10240x16xf32, #tpu.memory_space<hbm>> -> memref<10240x16xf32, #tpu.memory_space<hbm>>
    tpu.wait_indirect_dma semaphore(%arg7 : memref<!tpu.dma_semaphore, #tpu.memory_space<semaphore_mem>>) src(%dma_wait3A_112 : memref<10240x16xf32, #tpu.memory_space<hbm>>) dst(%dma_wait3A_107 : memref<128x16xf32, #tpu.memory_space<vmem>>)
    %dma_wait3A_113 = arith.constant 512 : i32
    %dma_wait3A_114 = arith.constant 0 : i32
    %dma_wait3A_115 = tpu.memref_slice %arg6[%dma_wait3A_113, %dma_wait3A_114] : memref<1280x16xf32, #tpu.memory_space<vmem>> -> memref<128x16xf32, #tpu.memory_space<vmem>>
    %dma_wait3A_116 = arith.constant 512 : i32
    %dma_wait3A_117 = tpu.memref_slice %arg5[%dma_wait3A_116] : memref<1280xi32, #tpu.memory_space<vmem>> -> memref<128xi32, #tpu.memory_space<vmem>>
    %dma_wait3A_118 = arith.constant 0 : i32
    %dma_wait3A_119 = arith.constant 0 : i32
    %dma_wait3A_120 = tpu.memref_slice %arg2[%dma_wait3A_118, %dma_wait3A_119] : memref<10240x16xf32, #tpu.memory_space<hbm>> -> memref<10240x16xf32, #tpu.memory_space<hbm>>
    tpu.wait_indirect_dma semaphore(%arg7 : memref<!tpu.dma_semaphore, #tpu.memory_space<semaphore_mem>>) src(%dma_wait3A_120 : memref<10240x16xf32, #tpu.memory_space<hbm>>) dst(%dma_wait3A_115 : memref<128x16xf32, #tpu.memory_space<vmem>>)
    %dma_wait3A_121 = arith.constant 640 : i32
    %dma_wait3A_122 = arith.constant 0 : i32
    %dma_wait3A_123 = tpu.memref_slice %arg6[%dma_wait3A_121, %dma_wait3A_122] : memref<1280x16xf32, #tpu.memory_space<vmem>> -> memref<128x16xf32, #tpu.memory_space<vmem>>
    %dma_wait3A_124 = arith.constant 640 : i32
    %dma_wait3A_125 = tpu.memref_slice %arg5[%dma_wait3A_124] : memref<1280xi32, #tpu.memory_space<vmem>> -> memref<128xi32, #tpu.memory_space<vmem>>
    %dma_wait3A_126 = arith.constant 0 : i32
    %dma_wait3A_127 = arith.constant 0 : i32
    %dma_wait3A_128 = tpu.memref_slice %arg2[%dma_wait3A_126, %dma_wait3A_127] : memref<10240x16xf32, #tpu.memory_space<hbm>> -> memref<10240x16xf32, #tpu.memory_space<hbm>>
    tpu.wait_indirect_dma semaphore(%arg7 : memref<!tpu.dma_semaphore, #tpu.memory_space<semaphore_mem>>) src(%dma_wait3A_128 : memref<10240x16xf32, #tpu.memory_space<hbm>>) dst(%dma_wait3A_123 : memref<128x16xf32, #tpu.memory_space<vmem>>)
    %dma_wait3A_129 = arith.constant 768 : i32
    %dma_wait3A_130 = arith.constant 0 : i32
    %dma_wait3A_131 = tpu.memref_slice %arg6[%dma_wait3A_129, %dma_wait3A_130] : memref<1280x16xf32, #tpu.memory_space<vmem>> -> memref<128x16xf32, #tpu.memory_space<vmem>>
    %dma_wait3A_132 = arith.constant 768 : i32
    %dma_wait3A_133 = tpu.memref_slice %arg5[%dma_wait3A_132] : memref<1280xi32, #tpu.memory_space<vmem>> -> memref<128xi32, #tpu.memory_space<vmem>>
    %dma_wait3A_134 = arith.constant 0 : i32
    %dma_wait3A_135 = arith.constant 0 : i32
    %dma_wait3A_136 = tpu.memref_slice %arg2[%dma_wait3A_134, %dma_wait3A_135] : memref<10240x16xf32, #tpu.memory_space<hbm>> -> memref<10240x16xf32, #tpu.memory_space<hbm>>
    tpu.wait_indirect_dma semaphore(%arg7 : memref<!tpu.dma_semaphore, #tpu.memory_space<semaphore_mem>>) src(%dma_wait3A_136 : memref<10240x16xf32, #tpu.memory_space<hbm>>) dst(%dma_wait3A_131 : memref<128x16xf32, #tpu.memory_space<vmem>>)
    %dma_wait3A_137 = arith.constant 896 : i32
    %dma_wait3A_138 = arith.constant 0 : i32
    %dma_wait3A_139 = tpu.memref_slice %arg6[%dma_wait3A_137, %dma_wait3A_138] : memref<1280x16xf32, #tpu.memory_space<vmem>> -> memref<128x16xf32, #tpu.memory_space<vmem>>
    %dma_wait3A_140 = arith.constant 896 : i32
    %dma_wait3A_141 = tpu.memref_slice %arg5[%dma_wait3A_140] : memref<1280xi32, #tpu.memory_space<vmem>> -> memref<128xi32, #tpu.memory_space<vmem>>
    %dma_wait3A_142 = arith.constant 0 : i32
    %dma_wait3A_143 = arith.constant 0 : i32
    %dma_wait3A_144 = tpu.memref_slice %arg2[%dma_wait3A_142, %dma_wait3A_143] : memref<10240x16xf32, #tpu.memory_space<hbm>> -> memref<10240x16xf32, #tpu.memory_space<hbm>>
    tpu.wait_indirect_dma semaphore(%arg7 : memref<!tpu.dma_semaphore, #tpu.memory_space<semaphore_mem>>) src(%dma_wait3A_144 : memref<10240x16xf32, #tpu.memory_space<hbm>>) dst(%dma_wait3A_139 : memref<128x16xf32, #tpu.memory_space<vmem>>)
    %dma_wait3A_145 = arith.constant 1024 : i32
    %dma_wait3A_146 = arith.constant 0 : i32
    %dma_wait3A_147 = tpu.memref_slice %arg6[%dma_wait3A_145, %dma_wait3A_146] : memref<1280x16xf32, #tpu.memory_space<vmem>> -> memref<128x16xf32, #tpu.memory_space<vmem>>
    %dma_wait3A_148 = arith.constant 1024 : i32
    %dma_wait3A_149 = tpu.memref_slice %arg5[%dma_wait3A_148] : memref<1280xi32, #tpu.memory_space<vmem>> -> memref<128xi32, #tpu.memory_space<vmem>>
    %dma_wait3A_150 = arith.constant 0 : i32
    %dma_wait3A_151 = arith.constant 0 : i32
    %dma_wait3A_152 = tpu.memref_slice %arg2[%dma_wait3A_150, %dma_wait3A_151] : memref<10240x16xf32, #tpu.memory_space<hbm>> -> memref<10240x16xf32, #tpu.memory_space<hbm>>
    tpu.wait_indirect_dma semaphore(%arg7 : memref<!tpu.dma_semaphore, #tpu.memory_space<semaphore_mem>>) src(%dma_wait3A_152 : memref<10240x16xf32, #tpu.memory_space<hbm>>) dst(%dma_wait3A_147 : memref<128x16xf32, #tpu.memory_space<vmem>>)
    %dma_wait3A_153 = arith.constant 1152 : i32
    %dma_wait3A_154 = arith.constant 0 : i32
    %dma_wait3A_155 = tpu.memref_slice %arg6[%dma_wait3A_153, %dma_wait3A_154] : memref<1280x16xf32, #tpu.memory_space<vmem>> -> memref<128x16xf32, #tpu.memory_space<vmem>>
    %dma_wait3A_156 = arith.constant 1152 : i32
    %dma_wait3A_157 = tpu.memref_slice %arg5[%dma_wait3A_156] : memref<1280xi32, #tpu.memory_space<vmem>> -> memref<128xi32, #tpu.memory_space<vmem>>
    %dma_wait3A_158 = arith.constant 0 : i32
    %dma_wait3A_159 = arith.constant 0 : i32
    %dma_wait3A_160 = tpu.memref_slice %arg2[%dma_wait3A_158, %dma_wait3A_159] : memref<10240x16xf32, #tpu.memory_space<hbm>> -> memref<10240x16xf32, #tpu.memory_space<hbm>>
    tpu.wait_indirect_dma semaphore(%arg7 : memref<!tpu.dma_semaphore, #tpu.memory_space<semaphore_mem>>) src(%dma_wait3A_160 : memref<10240x16xf32, #tpu.memory_space<hbm>>) dst(%dma_wait3A_155 : memref<128x16xf32, #tpu.memory_space<vmem>>)
    "tpu.region"() ({
      %run_scoped3A = tpu.sem_alloc : memref<!tpu.dma_semaphore, #tpu.memory_space<semaphore_mem>>
      %dma_start3A_161 = arith.constant 0 : i32
      %dma_start3A_162 = tpu.memref_slice %arg4[%mul3A_2, %dma_start3A_161] : memref<40960x16xf32, #tpu.memory_space<hbm>> -> memref<1280x16xf32, #tpu.memory_space<hbm>>
      %dma_start3A_163 = arith.constant 0 : i32
      %dma_start3A_164 = tpu.memref_slice %arg4[%mul3A_2, %dma_start3A_163] : memref<40960x16xf32, #tpu.memory_space<hbm>> -> memref<1280x16xf32, #tpu.memory_space<hbm>>
      tpu.enqueue_dma source(%arg6 : memref<1280x16xf32, #tpu.memory_space<vmem>>) target(%dma_start3A_164 : memref<1280x16xf32, #tpu.memory_space<hbm>>) target_semaphore(%run_scoped3A : memref<!tpu.dma_semaphore, #tpu.memory_space<semaphore_mem>>)
      %dma_wait3A_165 = arith.constant 0 : i32
      %dma_wait3A_166 = tpu.memref_slice %arg4[%mul3A_2, %dma_wait3A_165] : memref<40960x16xf32, #tpu.memory_space<hbm>> -> memref<1280x16xf32, #tpu.memory_space<hbm>>
      %dma_wait3A_167 = arith.constant 0 : i32
      %dma_wait3A_168 = tpu.memref_slice %arg4[%mul3A_2, %dma_wait3A_167] : memref<40960x16xf32, #tpu.memory_space<hbm>> -> memref<1280x16xf32, #tpu.memory_space<hbm>>
      tpu.wait_dma2 semaphore(%run_scoped3A : memref<!tpu.dma_semaphore, #tpu.memory_space<semaphore_mem>>) src(%arg6 : memref<1280x16xf32, #tpu.memory_space<vmem>>) dst(%dma_wait3A_168 : memref<1280x16xf32, #tpu.memory_space<hbm>>)
      tpu.yield
    }) : () -> ()
    return
  }
}

#map = affine_map<(d0, d1) -> (0, 0)>
#map1 = affine_map<(d0, d1) -> (0)>
module attributes {stable_mosaic.version = 14 : i64} {
  func.func @gk(%arg0: i32, %arg1: i32, %arg2: memref<10240x16xf32, #tpu.memory_space<hbm>>, %arg3: memref<40960xi32, #tpu.memory_space<hbm>>, %arg4: memref<40960x16xf32, #tpu.memory_space<hbm>>, %arg5: memref<1280xi32, #tpu.memory_space<vmem>>, %arg6: memref<1280x16xf32, #tpu.memory_space<vmem>>, %arg7: memref<!tpu.dma_semaphore, #tpu.memory_space<semaphore_mem>>) attributes {dimension_semantics = [#tpu.dimension_semantics<core_parallel>, #tpu.dimension_semantics<subcore_parallel>], iteration_bounds = array<i64: 2, 16>, scalar_prefetch = 0 : i64, scratch_operands = 3 : i64, tpu.core_type = #tpu.core_type<sc_vector_subcore>, window_params = [{transform_indices = #map}, {transform_indices = #map1}, {transform_indices = #map}]} {
    %mul3A = arith.constant 2 : i32
    %mul3A_0 = arith.muli %arg1, %mul3A : i32
    %add3A = arith.addi %mul3A_0, %arg0 : i32
    %mul3A_1 = arith.constant 1280 : i32
    %mul3A_2 = arith.muli %add3A, %mul3A_1 : i32
    "tpu.region"() ({
      %run_scoped3A = tpu.sem_alloc : memref<!tpu.dma_semaphore, #tpu.memory_space<semaphore_mem>>
      %dma_start3A_161 = tpu.memref_slice %arg3[%mul3A_2] : memref<40960xi32, #tpu.memory_space<hbm>> -> memref<1280xi32, #tpu.memory_space<hbm>>
      %dma_start3A_162 = tpu.memref_slice %arg3[%mul3A_2] : memref<40960xi32, #tpu.memory_space<hbm>> -> memref<1280xi32, #tpu.memory_space<hbm>>
      tpu.enqueue_dma source(%dma_start3A_162 : memref<1280xi32, #tpu.memory_space<hbm>>) target(%arg5 : memref<1280xi32, #tpu.memory_space<vmem>>) target_semaphore(%run_scoped3A : memref<!tpu.dma_semaphore, #tpu.memory_space<semaphore_mem>>)
      %dma_wait3A_163 = tpu.memref_slice %arg3[%mul3A_2] : memref<40960xi32, #tpu.memory_space<hbm>> -> memref<1280xi32, #tpu.memory_space<hbm>>
      %dma_wait3A_164 = tpu.memref_slice %arg3[%mul3A_2] : memref<40960xi32, #tpu.memory_space<hbm>> -> memref<1280xi32, #tpu.memory_space<hbm>>
      tpu.wait_dma2 semaphore(%run_scoped3A : memref<!tpu.dma_semaphore, #tpu.memory_space<semaphore_mem>>) src(%dma_wait3A_164 : memref<1280xi32, #tpu.memory_space<hbm>>) dst(%arg5 : memref<1280xi32, #tpu.memory_space<vmem>>)
      tpu.yield
    }) : () -> ()
    %dma_start3A = arith.constant 0 : i32
    %dma_start3A_3 = arith.constant 0 : i32
    %dma_start3A_4 = tpu.memref_slice %arg6[%dma_start3A, %dma_start3A_3] : memref<1280x16xf32, #tpu.memory_space<vmem>> -> memref<128x16xf32, #tpu.memory_space<vmem>>
    %dma_start3A_5 = arith.constant 0 : i32
    %dma_start3A_6 = tpu.memref_slice %arg5[%dma_start3A_5] : memref<1280xi32, #tpu.memory_space<vmem>> -> memref<128xi32, #tpu.memory_space<vmem>>
    %dma_start3A_7 = arith.constant 0 : i32
    %dma_start3A_8 = arith.constant 0 : i32
    %dma_start3A_9 = tpu.memref_slice %arg2[%dma_start3A_7, %dma_start3A_8] : memref<10240x16xf32, #tpu.memory_space<hbm>> -> memref<10240x16xf32, #tpu.memory_space<hbm>>
    tpu.enqueue_indirect_dma source(%dma_start3A_9 : memref<10240x16xf32, #tpu.memory_space<hbm>>) target(%dma_start3A_4 : memref<128x16xf32, #tpu.memory_space<vmem>>) offsets(%dma_start3A_6 : memref<128xi32, #tpu.memory_space<vmem>>) semaphore(%arg7 : memref<!tpu.dma_semaphore, #tpu.memory_space<semaphore_mem>>)
    %dma_start3A_10 = arith.constant 128 : i32
    %dma_start3A_11 = arith.constant 0 : i32
    %dma_start3A_12 = tpu.memref_slice %arg6[%dma_start3A_10, %dma_start3A_11] : memref<1280x16xf32, #tpu.memory_space<vmem>> -> memref<128x16xf32, #tpu.memory_space<vmem>>
    %dma_start3A_13 = arith.constant 128 : i32
    %dma_start3A_14 = tpu.memref_slice %arg5[%dma_start3A_13] : memref<1280xi32, #tpu.memory_space<vmem>> -> memref<128xi32, #tpu.memory_space<vmem>>
    %dma_start3A_15 = arith.constant 0 : i32
    %dma_start3A_16 = arith.constant 0 : i32
    %dma_start3A_17 = tpu.memref_slice %arg2[%dma_start3A_15, %dma_start3A_16] : memref<10240x16xf32, #tpu.memory_space<hbm>> -> memref<10240x16xf32, #tpu.memory_space<hbm>>
    tpu.enqueue_indirect_dma source(%dma_start3A_17 : memref<10240x16xf32, #tpu.memory_space<hbm>>) target(%dma_start3A_12 : memref<128x16xf32, #tpu.memory_space<vmem>>) offsets(%dma_start3A_14 : memref<128xi32, #tpu.memory_space<vmem>>) semaphore(%arg7 : memref<!tpu.dma_semaphore, #tpu.memory_space<semaphore_mem>>)
    %dma_start3A_18 = arith.constant 256 : i32
    %dma_start3A_19 = arith.constant 0 : i32
    %dma_start3A_20 = tpu.memref_slice %arg6[%dma_start3A_18, %dma_start3A_19] : memref<1280x16xf32, #tpu.memory_space<vmem>> -> memref<128x16xf32, #tpu.memory_space<vmem>>
    %dma_start3A_21 = arith.constant 256 : i32
    %dma_start3A_22 = tpu.memref_slice %arg5[%dma_start3A_21] : memref<1280xi32, #tpu.memory_space<vmem>> -> memref<128xi32, #tpu.memory_space<vmem>>
    %dma_start3A_23 = arith.constant 0 : i32
    %dma_start3A_24 = arith.constant 0 : i32
    %dma_start3A_25 = tpu.memref_slice %arg2[%dma_start3A_23, %dma_start3A_24] : memref<10240x16xf32, #tpu.memory_space<hbm>> -> memref<10240x16xf32, #tpu.memory_space<hbm>>
    tpu.enqueue_indirect_dma source(%dma_start3A_25 : memref<10240x16xf32, #tpu.memory_space<hbm>>) target(%dma_start3A_20 : memref<128x16xf32, #tpu.memory_space<vmem>>) offsets(%dma_start3A_22 : memref<128xi32, #tpu.memory_space<vmem>>) semaphore(%arg7 : memref<!tpu.dma_semaphore, #tpu.memory_space<semaphore_mem>>)
    %dma_start3A_26 = arith.constant 384 : i32
    %dma_start3A_27 = arith.constant 0 : i32
    %dma_start3A_28 = tpu.memref_slice %arg6[%dma_start3A_26, %dma_start3A_27] : memref<1280x16xf32, #tpu.memory_space<vmem>> -> memref<128x16xf32, #tpu.memory_space<vmem>>
    %dma_start3A_29 = arith.constant 384 : i32
    %dma_start3A_30 = tpu.memref_slice %arg5[%dma_start3A_29] : memref<1280xi32, #tpu.memory_space<vmem>> -> memref<128xi32, #tpu.memory_space<vmem>>
    %dma_start3A_31 = arith.constant 0 : i32
    %dma_start3A_32 = arith.constant 0 : i32
    %dma_start3A_33 = tpu.memref_slice %arg2[%dma_start3A_31, %dma_start3A_32] : memref<10240x16xf32, #tpu.memory_space<hbm>> -> memref<10240x16xf32, #tpu.memory_space<hbm>>
    tpu.enqueue_indirect_dma source(%dma_start3A_33 : memref<10240x16xf32, #tpu.memory_space<hbm>>) target(%dma_start3A_28 : memref<128x16xf32, #tpu.memory_space<vmem>>) offsets(%dma_start3A_30 : memref<128xi32, #tpu.memory_space<vmem>>) semaphore(%arg7 : memref<!tpu.dma_semaphore, #tpu.memory_space<semaphore_mem>>)
    %dma_start3A_34 = arith.constant 512 : i32
    %dma_start3A_35 = arith.constant 0 : i32
    %dma_start3A_36 = tpu.memref_slice %arg6[%dma_start3A_34, %dma_start3A_35] : memref<1280x16xf32, #tpu.memory_space<vmem>> -> memref<128x16xf32, #tpu.memory_space<vmem>>
    %dma_start3A_37 = arith.constant 512 : i32
    %dma_start3A_38 = tpu.memref_slice %arg5[%dma_start3A_37] : memref<1280xi32, #tpu.memory_space<vmem>> -> memref<128xi32, #tpu.memory_space<vmem>>
    %dma_start3A_39 = arith.constant 0 : i32
    %dma_start3A_40 = arith.constant 0 : i32
    %dma_start3A_41 = tpu.memref_slice %arg2[%dma_start3A_39, %dma_start3A_40] : memref<10240x16xf32, #tpu.memory_space<hbm>> -> memref<10240x16xf32, #tpu.memory_space<hbm>>
    tpu.enqueue_indirect_dma source(%dma_start3A_41 : memref<10240x16xf32, #tpu.memory_space<hbm>>) target(%dma_start3A_36 : memref<128x16xf32, #tpu.memory_space<vmem>>) offsets(%dma_start3A_38 : memref<128xi32, #tpu.memory_space<vmem>>) semaphore(%arg7 : memref<!tpu.dma_semaphore, #tpu.memory_space<semaphore_mem>>)
    %dma_start3A_42 = arith.constant 640 : i32
    %dma_start3A_43 = arith.constant 0 : i32
    %dma_start3A_44 = tpu.memref_slice %arg6[%dma_start3A_42, %dma_start3A_43] : memref<1280x16xf32, #tpu.memory_space<vmem>> -> memref<128x16xf32, #tpu.memory_space<vmem>>
    %dma_start3A_45 = arith.constant 640 : i32
    %dma_start3A_46 = tpu.memref_slice %arg5[%dma_start3A_45] : memref<1280xi32, #tpu.memory_space<vmem>> -> memref<128xi32, #tpu.memory_space<vmem>>
    %dma_start3A_47 = arith.constant 0 : i32
    %dma_start3A_48 = arith.constant 0 : i32
    %dma_start3A_49 = tpu.memref_slice %arg2[%dma_start3A_47, %dma_start3A_48] : memref<10240x16xf32, #tpu.memory_space<hbm>> -> memref<10240x16xf32, #tpu.memory_space<hbm>>
    tpu.enqueue_indirect_dma source(%dma_start3A_49 : memref<10240x16xf32, #tpu.memory_space<hbm>>) target(%dma_start3A_44 : memref<128x16xf32, #tpu.memory_space<vmem>>) offsets(%dma_start3A_46 : memref<128xi32, #tpu.memory_space<vmem>>) semaphore(%arg7 : memref<!tpu.dma_semaphore, #tpu.memory_space<semaphore_mem>>)
    %dma_start3A_50 = arith.constant 768 : i32
    %dma_start3A_51 = arith.constant 0 : i32
    %dma_start3A_52 = tpu.memref_slice %arg6[%dma_start3A_50, %dma_start3A_51] : memref<1280x16xf32, #tpu.memory_space<vmem>> -> memref<128x16xf32, #tpu.memory_space<vmem>>
    %dma_start3A_53 = arith.constant 768 : i32
    %dma_start3A_54 = tpu.memref_slice %arg5[%dma_start3A_53] : memref<1280xi32, #tpu.memory_space<vmem>> -> memref<128xi32, #tpu.memory_space<vmem>>
    %dma_start3A_55 = arith.constant 0 : i32
    %dma_start3A_56 = arith.constant 0 : i32
    %dma_start3A_57 = tpu.memref_slice %arg2[%dma_start3A_55, %dma_start3A_56] : memref<10240x16xf32, #tpu.memory_space<hbm>> -> memref<10240x16xf32, #tpu.memory_space<hbm>>
    tpu.enqueue_indirect_dma source(%dma_start3A_57 : memref<10240x16xf32, #tpu.memory_space<hbm>>) target(%dma_start3A_52 : memref<128x16xf32, #tpu.memory_space<vmem>>) offsets(%dma_start3A_54 : memref<128xi32, #tpu.memory_space<vmem>>) semaphore(%arg7 : memref<!tpu.dma_semaphore, #tpu.memory_space<semaphore_mem>>)
    %dma_start3A_58 = arith.constant 896 : i32
    %dma_start3A_59 = arith.constant 0 : i32
    %dma_start3A_60 = tpu.memref_slice %arg6[%dma_start3A_58, %dma_start3A_59] : memref<1280x16xf32, #tpu.memory_space<vmem>> -> memref<128x16xf32, #tpu.memory_space<vmem>>
    %dma_start3A_61 = arith.constant 896 : i32
    %dma_start3A_62 = tpu.memref_slice %arg5[%dma_start3A_61] : memref<1280xi32, #tpu.memory_space<vmem>> -> memref<128xi32, #tpu.memory_space<vmem>>
    %dma_start3A_63 = arith.constant 0 : i32
    %dma_start3A_64 = arith.constant 0 : i32
    %dma_start3A_65 = tpu.memref_slice %arg2[%dma_start3A_63, %dma_start3A_64] : memref<10240x16xf32, #tpu.memory_space<hbm>> -> memref<10240x16xf32, #tpu.memory_space<hbm>>
    tpu.enqueue_indirect_dma source(%dma_start3A_65 : memref<10240x16xf32, #tpu.memory_space<hbm>>) target(%dma_start3A_60 : memref<128x16xf32, #tpu.memory_space<vmem>>) offsets(%dma_start3A_62 : memref<128xi32, #tpu.memory_space<vmem>>) semaphore(%arg7 : memref<!tpu.dma_semaphore, #tpu.memory_space<semaphore_mem>>)
    %dma_start3A_66 = arith.constant 1024 : i32
    %dma_start3A_67 = arith.constant 0 : i32
    %dma_start3A_68 = tpu.memref_slice %arg6[%dma_start3A_66, %dma_start3A_67] : memref<1280x16xf32, #tpu.memory_space<vmem>> -> memref<128x16xf32, #tpu.memory_space<vmem>>
    %dma_start3A_69 = arith.constant 1024 : i32
    %dma_start3A_70 = tpu.memref_slice %arg5[%dma_start3A_69] : memref<1280xi32, #tpu.memory_space<vmem>> -> memref<128xi32, #tpu.memory_space<vmem>>
    %dma_start3A_71 = arith.constant 0 : i32
    %dma_start3A_72 = arith.constant 0 : i32
    %dma_start3A_73 = tpu.memref_slice %arg2[%dma_start3A_71, %dma_start3A_72] : memref<10240x16xf32, #tpu.memory_space<hbm>> -> memref<10240x16xf32, #tpu.memory_space<hbm>>
    tpu.enqueue_indirect_dma source(%dma_start3A_73 : memref<10240x16xf32, #tpu.memory_space<hbm>>) target(%dma_start3A_68 : memref<128x16xf32, #tpu.memory_space<vmem>>) offsets(%dma_start3A_70 : memref<128xi32, #tpu.memory_space<vmem>>) semaphore(%arg7 : memref<!tpu.dma_semaphore, #tpu.memory_space<semaphore_mem>>)
    %dma_start3A_74 = arith.constant 1152 : i32
    %dma_start3A_75 = arith.constant 0 : i32
    %dma_start3A_76 = tpu.memref_slice %arg6[%dma_start3A_74, %dma_start3A_75] : memref<1280x16xf32, #tpu.memory_space<vmem>> -> memref<128x16xf32, #tpu.memory_space<vmem>>
    %dma_start3A_77 = arith.constant 1152 : i32
    %dma_start3A_78 = tpu.memref_slice %arg5[%dma_start3A_77] : memref<1280xi32, #tpu.memory_space<vmem>> -> memref<128xi32, #tpu.memory_space<vmem>>
    %dma_start3A_79 = arith.constant 0 : i32
    %dma_start3A_80 = arith.constant 0 : i32
    %dma_start3A_81 = tpu.memref_slice %arg2[%dma_start3A_79, %dma_start3A_80] : memref<10240x16xf32, #tpu.memory_space<hbm>> -> memref<10240x16xf32, #tpu.memory_space<hbm>>
    tpu.enqueue_indirect_dma source(%dma_start3A_81 : memref<10240x16xf32, #tpu.memory_space<hbm>>) target(%dma_start3A_76 : memref<128x16xf32, #tpu.memory_space<vmem>>) offsets(%dma_start3A_78 : memref<128xi32, #tpu.memory_space<vmem>>) semaphore(%arg7 : memref<!tpu.dma_semaphore, #tpu.memory_space<semaphore_mem>>)
    %dma_wait3A = arith.constant 0 : i32
    %dma_wait3A_82 = arith.constant 0 : i32
    %dma_wait3A_83 = tpu.memref_slice %arg6[%dma_wait3A, %dma_wait3A_82] : memref<1280x16xf32, #tpu.memory_space<vmem>> -> memref<128x16xf32, #tpu.memory_space<vmem>>
    %dma_wait3A_84 = arith.constant 0 : i32
    %dma_wait3A_85 = tpu.memref_slice %arg5[%dma_wait3A_84] : memref<1280xi32, #tpu.memory_space<vmem>> -> memref<128xi32, #tpu.memory_space<vmem>>
    %dma_wait3A_86 = arith.constant 0 : i32
    %dma_wait3A_87 = arith.constant 0 : i32
    %dma_wait3A_88 = tpu.memref_slice %arg2[%dma_wait3A_86, %dma_wait3A_87] : memref<10240x16xf32, #tpu.memory_space<hbm>> -> memref<10240x16xf32, #tpu.memory_space<hbm>>
    tpu.wait_indirect_dma semaphore(%arg7 : memref<!tpu.dma_semaphore, #tpu.memory_space<semaphore_mem>>) src(%dma_wait3A_88 : memref<10240x16xf32, #tpu.memory_space<hbm>>) dst(%dma_wait3A_83 : memref<128x16xf32, #tpu.memory_space<vmem>>)
    %dma_wait3A_89 = arith.constant 128 : i32
    %dma_wait3A_90 = arith.constant 0 : i32
    %dma_wait3A_91 = tpu.memref_slice %arg6[%dma_wait3A_89, %dma_wait3A_90] : memref<1280x16xf32, #tpu.memory_space<vmem>> -> memref<128x16xf32, #tpu.memory_space<vmem>>
    %dma_wait3A_92 = arith.constant 128 : i32
    %dma_wait3A_93 = tpu.memref_slice %arg5[%dma_wait3A_92] : memref<1280xi32, #tpu.memory_space<vmem>> -> memref<128xi32, #tpu.memory_space<vmem>>
    %dma_wait3A_94 = arith.constant 0 : i32
    %dma_wait3A_95 = arith.constant 0 : i32
    %dma_wait3A_96 = tpu.memref_slice %arg2[%dma_wait3A_94, %dma_wait3A_95] : memref<10240x16xf32, #tpu.memory_space<hbm>> -> memref<10240x16xf32, #tpu.memory_space<hbm>>
    tpu.wait_indirect_dma semaphore(%arg7 : memref<!tpu.dma_semaphore, #tpu.memory_space<semaphore_mem>>) src(%dma_wait3A_96 : memref<10240x16xf32, #tpu.memory_space<hbm>>) dst(%dma_wait3A_91 : memref<128x16xf32, #tpu.memory_space<vmem>>)
    %dma_wait3A_97 = arith.constant 256 : i32
    %dma_wait3A_98 = arith.constant 0 : i32
    %dma_wait3A_99 = tpu.memref_slice %arg6[%dma_wait3A_97, %dma_wait3A_98] : memref<1280x16xf32, #tpu.memory_space<vmem>> -> memref<128x16xf32, #tpu.memory_space<vmem>>
    %dma_wait3A_100 = arith.constant 256 : i32
    %dma_wait3A_101 = tpu.memref_slice %arg5[%dma_wait3A_100] : memref<1280xi32, #tpu.memory_space<vmem>> -> memref<128xi32, #tpu.memory_space<vmem>>
    %dma_wait3A_102 = arith.constant 0 : i32
    %dma_wait3A_103 = arith.constant 0 : i32
    %dma_wait3A_104 = tpu.memref_slice %arg2[%dma_wait3A_102, %dma_wait3A_103] : memref<10240x16xf32, #tpu.memory_space<hbm>> -> memref<10240x16xf32, #tpu.memory_space<hbm>>
    tpu.wait_indirect_dma semaphore(%arg7 : memref<!tpu.dma_semaphore, #tpu.memory_space<semaphore_mem>>) src(%dma_wait3A_104 : memref<10240x16xf32, #tpu.memory_space<hbm>>) dst(%dma_wait3A_99 : memref<128x16xf32, #tpu.memory_space<vmem>>)
    %dma_wait3A_105 = arith.constant 384 : i32
    %dma_wait3A_106 = arith.constant 0 : i32
    %dma_wait3A_107 = tpu.memref_slice %arg6[%dma_wait3A_105, %dma_wait3A_106] : memref<1280x16xf32, #tpu.memory_space<vmem>> -> memref<128x16xf32, #tpu.memory_space<vmem>>
    %dma_wait3A_108 = arith.constant 384 : i32
    %dma_wait3A_109 = tpu.memref_slice %arg5[%dma_wait3A_108] : memref<1280xi32, #tpu.memory_space<vmem>> -> memref<128xi32, #tpu.memory_space<vmem>>
    %dma_wait3A_110 = arith.constant 0 : i32
    %dma_wait3A_111 = arith.constant 0 : i32
    %dma_wait3A_112 = tpu.memref_slice %arg2[%dma_wait3A_110, %dma_wait3A_111] : memref<10240x16xf32, #tpu.memory_space<hbm>> -> memref<10240x16xf32, #tpu.memory_space<hbm>>
    tpu.wait_indirect_dma semaphore(%arg7 : memref<!tpu.dma_semaphore, #tpu.memory_space<semaphore_mem>>) src(%dma_wait3A_112 : memref<10240x16xf32, #tpu.memory_space<hbm>>) dst(%dma_wait3A_107 : memref<128x16xf32, #tpu.memory_space<vmem>>)
    %dma_wait3A_113 = arith.constant 512 : i32
    %dma_wait3A_114 = arith.constant 0 : i32
    %dma_wait3A_115 = tpu.memref_slice %arg6[%dma_wait3A_113, %dma_wait3A_114] : memref<1280x16xf32, #tpu.memory_space<vmem>> -> memref<128x16xf32, #tpu.memory_space<vmem>>
    %dma_wait3A_116 = arith.constant 512 : i32
    %dma_wait3A_117 = tpu.memref_slice %arg5[%dma_wait3A_116] : memref<1280xi32, #tpu.memory_space<vmem>> -> memref<128xi32, #tpu.memory_space<vmem>>
    %dma_wait3A_118 = arith.constant 0 : i32
    %dma_wait3A_119 = arith.constant 0 : i32
    %dma_wait3A_120 = tpu.memref_slice %arg2[%dma_wait3A_118, %dma_wait3A_119] : memref<10240x16xf32, #tpu.memory_space<hbm>> -> memref<10240x16xf32, #tpu.memory_space<hbm>>
    tpu.wait_indirect_dma semaphore(%arg7 : memref<!tpu.dma_semaphore, #tpu.memory_space<semaphore_mem>>) src(%dma_wait3A_120 : memref<10240x16xf32, #tpu.memory_space<hbm>>) dst(%dma_wait3A_115 : memref<128x16xf32, #tpu.memory_space<vmem>>)
    %dma_wait3A_121 = arith.constant 640 : i32
    %dma_wait3A_122 = arith.constant 0 : i32
    %dma_wait3A_123 = tpu.memref_slice %arg6[%dma_wait3A_121, %dma_wait3A_122] : memref<1280x16xf32, #tpu.memory_space<vmem>> -> memref<128x16xf32, #tpu.memory_space<vmem>>
    %dma_wait3A_124 = arith.constant 640 : i32
    %dma_wait3A_125 = tpu.memref_slice %arg5[%dma_wait3A_124] : memref<1280xi32, #tpu.memory_space<vmem>> -> memref<128xi32, #tpu.memory_space<vmem>>
    %dma_wait3A_126 = arith.constant 0 : i32
    %dma_wait3A_127 = arith.constant 0 : i32
    %dma_wait3A_128 = tpu.memref_slice %arg2[%dma_wait3A_126, %dma_wait3A_127] : memref<10240x16xf32, #tpu.memory_space<hbm>> -> memref<10240x16xf32, #tpu.memory_space<hbm>>
    tpu.wait_indirect_dma semaphore(%arg7 : memref<!tpu.dma_semaphore, #tpu.memory_space<semaphore_mem>>) src(%dma_wait3A_128 : memref<10240x16xf32, #tpu.memory_space<hbm>>) dst(%dma_wait3A_123 : memref<128x16xf32, #tpu.memory_space<vmem>>)
    %dma_wait3A_129 = arith.constant 768 : i32
    %dma_wait3A_130 = arith.constant 0 : i32
    %dma_wait3A_131 = tpu.memref_slice %arg6[%dma_wait3A_129, %dma_wait3A_130] : memref<1280x16xf32, #tpu.memory_space<vmem>> -> memref<128x16xf32, #tpu.memory_space<vmem>>
    %dma_wait3A_132 = arith.constant 768 : i32
    %dma_wait3A_133 = tpu.memref_slice %arg5[%dma_wait3A_132] : memref<1280xi32, #tpu.memory_space<vmem>> -> memref<128xi32, #tpu.memory_space<vmem>>
    %dma_wait3A_134 = arith.constant 0 : i32
    %dma_wait3A_135 = arith.constant 0 : i32
    %dma_wait3A_136 = tpu.memref_slice %arg2[%dma_wait3A_134, %dma_wait3A_135] : memref<10240x16xf32, #tpu.memory_space<hbm>> -> memref<10240x16xf32, #tpu.memory_space<hbm>>
    tpu.wait_indirect_dma semaphore(%arg7 : memref<!tpu.dma_semaphore, #tpu.memory_space<semaphore_mem>>) src(%dma_wait3A_136 : memref<10240x16xf32, #tpu.memory_space<hbm>>) dst(%dma_wait3A_131 : memref<128x16xf32, #tpu.memory_space<vmem>>)
    %dma_wait3A_137 = arith.constant 896 : i32
    %dma_wait3A_138 = arith.constant 0 : i32
    %dma_wait3A_139 = tpu.memref_slice %arg6[%dma_wait3A_137, %dma_wait3A_138] : memref<1280x16xf32, #tpu.memory_space<vmem>> -> memref<128x16xf32, #tpu.memory_space<vmem>>
    %dma_wait3A_140 = arith.constant 896 : i32
    %dma_wait3A_141 = tpu.memref_slice %arg5[%dma_wait3A_140] : memref<1280xi32, #tpu.memory_space<vmem>> -> memref<128xi32, #tpu.memory_space<vmem>>
    %dma_wait3A_142 = arith.constant 0 : i32
    %dma_wait3A_143 = arith.constant 0 : i32
    %dma_wait3A_144 = tpu.memref_slice %arg2[%dma_wait3A_142, %dma_wait3A_143] : memref<10240x16xf32, #tpu.memory_space<hbm>> -> memref<10240x16xf32, #tpu.memory_space<hbm>>
    tpu.wait_indirect_dma semaphore(%arg7 : memref<!tpu.dma_semaphore, #tpu.memory_space<semaphore_mem>>) src(%dma_wait3A_144 : memref<10240x16xf32, #tpu.memory_space<hbm>>) dst(%dma_wait3A_139 : memref<128x16xf32, #tpu.memory_space<vmem>>)
    %dma_wait3A_145 = arith.constant 1024 : i32
    %dma_wait3A_146 = arith.constant 0 : i32
    %dma_wait3A_147 = tpu.memref_slice %arg6[%dma_wait3A_145, %dma_wait3A_146] : memref<1280x16xf32, #tpu.memory_space<vmem>> -> memref<128x16xf32, #tpu.memory_space<vmem>>
    %dma_wait3A_148 = arith.constant 1024 : i32
    %dma_wait3A_149 = tpu.memref_slice %arg5[%dma_wait3A_148] : memref<1280xi32, #tpu.memory_space<vmem>> -> memref<128xi32, #tpu.memory_space<vmem>>
    %dma_wait3A_150 = arith.constant 0 : i32
    %dma_wait3A_151 = arith.constant 0 : i32
    %dma_wait3A_152 = tpu.memref_slice %arg2[%dma_wait3A_150, %dma_wait3A_151] : memref<10240x16xf32, #tpu.memory_space<hbm>> -> memref<10240x16xf32, #tpu.memory_space<hbm>>
    tpu.wait_indirect_dma semaphore(%arg7 : memref<!tpu.dma_semaphore, #tpu.memory_space<semaphore_mem>>) src(%dma_wait3A_152 : memref<10240x16xf32, #tpu.memory_space<hbm>>) dst(%dma_wait3A_147 : memref<128x16xf32, #tpu.memory_space<vmem>>)
    %dma_wait3A_153 = arith.constant 1152 : i32
    %dma_wait3A_154 = arith.constant 0 : i32
    %dma_wait3A_155 = tpu.memref_slice %arg6[%dma_wait3A_153, %dma_wait3A_154] : memref<1280x16xf32, #tpu.memory_space<vmem>> -> memref<128x16xf32, #tpu.memory_space<vmem>>
    %dma_wait3A_156 = arith.constant 1152 : i32
    %dma_wait3A_157 = tpu.memref_slice %arg5[%dma_wait3A_156] : memref<1280xi32, #tpu.memory_space<vmem>> -> memref<128xi32, #tpu.memory_space<vmem>>
    %dma_wait3A_158 = arith.constant 0 : i32
    %dma_wait3A_159 = arith.constant 0 : i32
    %dma_wait3A_160 = tpu.memref_slice %arg2[%dma_wait3A_158, %dma_wait3A_159] : memref<10240x16xf32, #tpu.memory_space<hbm>> -> memref<10240x16xf32, #tpu.memory_space<hbm>>
    tpu.wait_indirect_dma semaphore(%arg7 : memref<!tpu.dma_semaphore, #tpu.memory_space<semaphore_mem>>) src(%dma_wait3A_160 : memref<10240x16xf32, #tpu.memory_space<hbm>>) dst(%dma_wait3A_155 : memref<128x16xf32, #tpu.memory_space<vmem>>)
    "tpu.region"() ({
      %run_scoped3A = tpu.sem_alloc : memref<!tpu.dma_semaphore, #tpu.memory_space<semaphore_mem>>
      %dma_start3A_161 = arith.constant 0 : i32
      %dma_start3A_162 = tpu.memref_slice %arg4[%mul3A_2, %dma_start3A_161] : memref<40960x16xf32, #tpu.memory_space<hbm>> -> memref<1280x16xf32, #tpu.memory_space<hbm>>
      %dma_start3A_163 = arith.constant 0 : i32
      %dma_start3A_164 = tpu.memref_slice %arg4[%mul3A_2, %dma_start3A_163] : memref<40960x16xf32, #tpu.memory_space<hbm>> -> memref<1280x16xf32, #tpu.memory_space<hbm>>
      tpu.enqueue_dma source(%arg6 : memref<1280x16xf32, #tpu.memory_space<vmem>>) target(%dma_start3A_164 : memref<1280x16xf32, #tpu.memory_space<hbm>>) target_semaphore(%run_scoped3A : memref<!tpu.dma_semaphore, #tpu.memory_space<semaphore_mem>>)
      %dma_wait3A_165 = arith.constant 0 : i32
      %dma_wait3A_166 = tpu.memref_slice %arg4[%mul3A_2, %dma_wait3A_165] : memref<40960x16xf32, #tpu.memory_space<hbm>> -> memref<1280x16xf32, #tpu.memory_space<hbm>>
      %dma_wait3A_167 = arith.constant 0 : i32
      %dma_wait3A_168 = tpu.memref_slice %arg4[%mul3A_2, %dma_wait3A_167] : memref<40960x16xf32, #tpu.memory_space<hbm>> -> memref<1280x16xf32, #tpu.memory_space<hbm>>
      tpu.wait_dma2 semaphore(%run_scoped3A : memref<!tpu.dma_semaphore, #tpu.memory_space<semaphore_mem>>) src(%arg6 : memref<1280x16xf32, #tpu.memory_space<vmem>>) dst(%dma_wait3A_168 : memref<1280x16xf32, #tpu.memory_space<hbm>>)
      tpu.yield
    }) : () -> ()
    return
  }
}

module attributes {stable_mosaic.version = 14 : i64} {
  func.func @_bounds_body(%arg0: memref<1x10240xi32, #tpu.memory_space<vmem>>, %arg1: memref<1x32xi32, #tpu.memory_space<vmem>>) attributes {dimension_semantics = [], scalar_prefetch = 0 : i64, scratch_operands = 0 : i64, tpu.core_type = #tpu.core_type<tc>} {
    %get3A = arith.constant 0 : index
    %get3A_0 = arith.constant 0 : index
    %get3A_1 = vector.load %arg0[%get3A, %get3A_0] : memref<1x10240xi32, #tpu.memory_space<vmem>>, vector<1x10240xi32>
    %iota3A = tpu.iota {dimensions = array<i32: 1>} : vector<1x32xi32>
    %broadcast_in_dim3A = arith.constant 0 : i32
    %broadcast_in_dim3A_2 = vector.broadcast %broadcast_in_dim3A : i32 to vector<1x32xi32>
    %lt3A = arith.constant 0 : i32
    %lt3A_3 = vector.broadcast %lt3A : i32 to vector<1x10240xi32>
    %lt3A_4 = arith.cmpi slt, %get3A_1, %lt3A_3 : vector<1x10240xi32>
    %convert_element_type3A = arith.extui %lt3A_4 : vector<1x10240xi1> to vector<1x10240xi32>
    %reduce_sum3A = vector.shape_cast %convert_element_type3A : vector<1x10240xi32> to vector<1x1x10240xi32>
    %reduce_sum3A_5 = arith.constant dense<0> : vector<1xi32>
    %reduce_sum3A_6 = vector.multi_reduction <add>, %reduce_sum3A, %reduce_sum3A_5 [1, 2] : vector<1x1x10240xi32> to vector<1xi32>
    %reduce_sum3A_7 = vector.shape_cast %reduce_sum3A_6 : vector<1xi32> to vector<1x1x1xi32>
    %reduce_sum3A_8 = vector.extract %reduce_sum3A_7[0, 0, 0] : i32 from vector<1x1x1xi32>
    %eq3A = arith.constant 0 : i32
    %eq3A_9 = vector.broadcast %eq3A : i32 to vector<1x32xi32>
    %eq3A_10 = arith.cmpi eq, %iota3A, %eq3A_9 : vector<1x32xi32>
    %broadcast_in_dim3A_11 = vector.broadcast %reduce_sum3A_8 : i32 to vector<1x32xi32>
    %select_n3A = arith.select %eq3A_10, %broadcast_in_dim3A_11, %broadcast_in_dim3A_2 : vector<1x32xi1>, vector<1x32xi32>
    %lt3A_12 = arith.constant 1 : i32
    %lt3A_13 = vector.broadcast %lt3A_12 : i32 to vector<1x10240xi32>
    %lt3A_14 = arith.cmpi slt, %get3A_1, %lt3A_13 : vector<1x10240xi32>
    %convert_element_type3A_15 = arith.extui %lt3A_14 : vector<1x10240xi1> to vector<1x10240xi32>
    %reduce_sum3A_16 = vector.shape_cast %convert_element_type3A_15 : vector<1x10240xi32> to vector<1x1x10240xi32>
    %reduce_sum3A_17 = arith.constant dense<0> : vector<1xi32>
    %reduce_sum3A_18 = vector.multi_reduction <add>, %reduce_sum3A_16, %reduce_sum3A_17 [1, 2] : vector<1x1x10240xi32> to vector<1xi32>
    %reduce_sum3A_19 = vector.shape_cast %reduce_sum3A_18 : vector<1xi32> to vector<1x1x1xi32>
    %reduce_sum3A_20 = vector.extract %reduce_sum3A_19[0, 0, 0] : i32 from vector<1x1x1xi32>
    %eq3A_21 = arith.constant 1 : i32
    %eq3A_22 = vector.broadcast %eq3A_21 : i32 to vector<1x32xi32>
    %eq3A_23 = arith.cmpi eq, %iota3A, %eq3A_22 : vector<1x32xi32>
    %broadcast_in_dim3A_24 = vector.broadcast %reduce_sum3A_20 : i32 to vector<1x32xi32>
    %select_n3A_25 = arith.select %eq3A_23, %broadcast_in_dim3A_24, %select_n3A : vector<1x32xi1>, vector<1x32xi32>
    %lt3A_26 = arith.constant 2 : i32
    %lt3A_27 = vector.broadcast %lt3A_26 : i32 to vector<1x10240xi32>
    %lt3A_28 = arith.cmpi slt, %get3A_1, %lt3A_27 : vector<1x10240xi32>
    %convert_element_type3A_29 = arith.extui %lt3A_28 : vector<1x10240xi1> to vector<1x10240xi32>
    %reduce_sum3A_30 = vector.shape_cast %convert_element_type3A_29 : vector<1x10240xi32> to vector<1x1x10240xi32>
    %reduce_sum3A_31 = arith.constant dense<0> : vector<1xi32>
    %reduce_sum3A_32 = vector.multi_reduction <add>, %reduce_sum3A_30, %reduce_sum3A_31 [1, 2] : vector<1x1x10240xi32> to vector<1xi32>
    %reduce_sum3A_33 = vector.shape_cast %reduce_sum3A_32 : vector<1xi32> to vector<1x1x1xi32>
    %reduce_sum3A_34 = vector.extract %reduce_sum3A_33[0, 0, 0] : i32 from vector<1x1x1xi32>
    %eq3A_35 = arith.constant 2 : i32
    %eq3A_36 = vector.broadcast %eq3A_35 : i32 to vector<1x32xi32>
    %eq3A_37 = arith.cmpi eq, %iota3A, %eq3A_36 : vector<1x32xi32>
    %broadcast_in_dim3A_38 = vector.broadcast %reduce_sum3A_34 : i32 to vector<1x32xi32>
    %select_n3A_39 = arith.select %eq3A_37, %broadcast_in_dim3A_38, %select_n3A_25 : vector<1x32xi1>, vector<1x32xi32>
    %lt3A_40 = arith.constant 3 : i32
    %lt3A_41 = vector.broadcast %lt3A_40 : i32 to vector<1x10240xi32>
    %lt3A_42 = arith.cmpi slt, %get3A_1, %lt3A_41 : vector<1x10240xi32>
    %convert_element_type3A_43 = arith.extui %lt3A_42 : vector<1x10240xi1> to vector<1x10240xi32>
    %reduce_sum3A_44 = vector.shape_cast %convert_element_type3A_43 : vector<1x10240xi32> to vector<1x1x10240xi32>
    %reduce_sum3A_45 = arith.constant dense<0> : vector<1xi32>
    %reduce_sum3A_46 = vector.multi_reduction <add>, %reduce_sum3A_44, %reduce_sum3A_45 [1, 2] : vector<1x1x10240xi32> to vector<1xi32>
    %reduce_sum3A_47 = vector.shape_cast %reduce_sum3A_46 : vector<1xi32> to vector<1x1x1xi32>
    %reduce_sum3A_48 = vector.extract %reduce_sum3A_47[0, 0, 0] : i32 from vector<1x1x1xi32>
    %eq3A_49 = arith.constant 3 : i32
    %eq3A_50 = vector.broadcast %eq3A_49 : i32 to vector<1x32xi32>
    %eq3A_51 = arith.cmpi eq, %iota3A, %eq3A_50 : vector<1x32xi32>
    %broadcast_in_dim3A_52 = vector.broadcast %reduce_sum3A_48 : i32 to vector<1x32xi32>
    %select_n3A_53 = arith.select %eq3A_51, %broadcast_in_dim3A_52, %select_n3A_39 : vector<1x32xi1>, vector<1x32xi32>
    %lt3A_54 = arith.constant 4 : i32
    %lt3A_55 = vector.broadcast %lt3A_54 : i32 to vector<1x10240xi32>
    %lt3A_56 = arith.cmpi slt, %get3A_1, %lt3A_55 : vector<1x10240xi32>
    %convert_element_type3A_57 = arith.extui %lt3A_56 : vector<1x10240xi1> to vector<1x10240xi32>
    %reduce_sum3A_58 = vector.shape_cast %convert_element_type3A_57 : vector<1x10240xi32> to vector<1x1x10240xi32>
    %reduce_sum3A_59 = arith.constant dense<0> : vector<1xi32>
    %reduce_sum3A_60 = vector.multi_reduction <add>, %reduce_sum3A_58, %reduce_sum3A_59 [1, 2] : vector<1x1x10240xi32> to vector<1xi32>
    %reduce_sum3A_61 = vector.shape_cast %reduce_sum3A_60 : vector<1xi32> to vector<1x1x1xi32>
    %reduce_sum3A_62 = vector.extract %reduce_sum3A_61[0, 0, 0] : i32 from vector<1x1x1xi32>
    %eq3A_63 = arith.constant 4 : i32
    %eq3A_64 = vector.broadcast %eq3A_63 : i32 to vector<1x32xi32>
    %eq3A_65 = arith.cmpi eq, %iota3A, %eq3A_64 : vector<1x32xi32>
    %broadcast_in_dim3A_66 = vector.broadcast %reduce_sum3A_62 : i32 to vector<1x32xi32>
    %select_n3A_67 = arith.select %eq3A_65, %broadcast_in_dim3A_66, %select_n3A_53 : vector<1x32xi1>, vector<1x32xi32>
    %lt3A_68 = arith.constant 5 : i32
    %lt3A_69 = vector.broadcast %lt3A_68 : i32 to vector<1x10240xi32>
    %lt3A_70 = arith.cmpi slt, %get3A_1, %lt3A_69 : vector<1x10240xi32>
    %convert_element_type3A_71 = arith.extui %lt3A_70 : vector<1x10240xi1> to vector<1x10240xi32>
    %reduce_sum3A_72 = vector.shape_cast %convert_element_type3A_71 : vector<1x10240xi32> to vector<1x1x10240xi32>
    %reduce_sum3A_73 = arith.constant dense<0> : vector<1xi32>
    %reduce_sum3A_74 = vector.multi_reduction <add>, %reduce_sum3A_72, %reduce_sum3A_73 [1, 2] : vector<1x1x10240xi32> to vector<1xi32>
    %reduce_sum3A_75 = vector.shape_cast %reduce_sum3A_74 : vector<1xi32> to vector<1x1x1xi32>
    %reduce_sum3A_76 = vector.extract %reduce_sum3A_75[0, 0, 0] : i32 from vector<1x1x1xi32>
    %eq3A_77 = arith.constant 5 : i32
    %eq3A_78 = vector.broadcast %eq3A_77 : i32 to vector<1x32xi32>
    %eq3A_79 = arith.cmpi eq, %iota3A, %eq3A_78 : vector<1x32xi32>
    %broadcast_in_dim3A_80 = vector.broadcast %reduce_sum3A_76 : i32 to vector<1x32xi32>
    %select_n3A_81 = arith.select %eq3A_79, %broadcast_in_dim3A_80, %select_n3A_67 : vector<1x32xi1>, vector<1x32xi32>
    %lt3A_82 = arith.constant 6 : i32
    %lt3A_83 = vector.broadcast %lt3A_82 : i32 to vector<1x10240xi32>
    %lt3A_84 = arith.cmpi slt, %get3A_1, %lt3A_83 : vector<1x10240xi32>
    %convert_element_type3A_85 = arith.extui %lt3A_84 : vector<1x10240xi1> to vector<1x10240xi32>
    %reduce_sum3A_86 = vector.shape_cast %convert_element_type3A_85 : vector<1x10240xi32> to vector<1x1x10240xi32>
    %reduce_sum3A_87 = arith.constant dense<0> : vector<1xi32>
    %reduce_sum3A_88 = vector.multi_reduction <add>, %reduce_sum3A_86, %reduce_sum3A_87 [1, 2] : vector<1x1x10240xi32> to vector<1xi32>
    %reduce_sum3A_89 = vector.shape_cast %reduce_sum3A_88 : vector<1xi32> to vector<1x1x1xi32>
    %reduce_sum3A_90 = vector.extract %reduce_sum3A_89[0, 0, 0] : i32 from vector<1x1x1xi32>
    %eq3A_91 = arith.constant 6 : i32
    %eq3A_92 = vector.broadcast %eq3A_91 : i32 to vector<1x32xi32>
    %eq3A_93 = arith.cmpi eq, %iota3A, %eq3A_92 : vector<1x32xi32>
    %broadcast_in_dim3A_94 = vector.broadcast %reduce_sum3A_90 : i32 to vector<1x32xi32>
    %select_n3A_95 = arith.select %eq3A_93, %broadcast_in_dim3A_94, %select_n3A_81 : vector<1x32xi1>, vector<1x32xi32>
    %lt3A_96 = arith.constant 7 : i32
    %lt3A_97 = vector.broadcast %lt3A_96 : i32 to vector<1x10240xi32>
    %lt3A_98 = arith.cmpi slt, %get3A_1, %lt3A_97 : vector<1x10240xi32>
    %convert_element_type3A_99 = arith.extui %lt3A_98 : vector<1x10240xi1> to vector<1x10240xi32>
    %reduce_sum3A_100 = vector.shape_cast %convert_element_type3A_99 : vector<1x10240xi32> to vector<1x1x10240xi32>
    %reduce_sum3A_101 = arith.constant dense<0> : vector<1xi32>
    %reduce_sum3A_102 = vector.multi_reduction <add>, %reduce_sum3A_100, %reduce_sum3A_101 [1, 2] : vector<1x1x10240xi32> to vector<1xi32>
    %reduce_sum3A_103 = vector.shape_cast %reduce_sum3A_102 : vector<1xi32> to vector<1x1x1xi32>
    %reduce_sum3A_104 = vector.extract %reduce_sum3A_103[0, 0, 0] : i32 from vector<1x1x1xi32>
    %eq3A_105 = arith.constant 7 : i32
    %eq3A_106 = vector.broadcast %eq3A_105 : i32 to vector<1x32xi32>
    %eq3A_107 = arith.cmpi eq, %iota3A, %eq3A_106 : vector<1x32xi32>
    %broadcast_in_dim3A_108 = vector.broadcast %reduce_sum3A_104 : i32 to vector<1x32xi32>
    %select_n3A_109 = arith.select %eq3A_107, %broadcast_in_dim3A_108, %select_n3A_95 : vector<1x32xi1>, vector<1x32xi32>
    %lt3A_110 = arith.constant 8 : i32
    %lt3A_111 = vector.broadcast %lt3A_110 : i32 to vector<1x10240xi32>
    %lt3A_112 = arith.cmpi slt, %get3A_1, %lt3A_111 : vector<1x10240xi32>
    %convert_element_type3A_113 = arith.extui %lt3A_112 : vector<1x10240xi1> to vector<1x10240xi32>
    %reduce_sum3A_114 = vector.shape_cast %convert_element_type3A_113 : vector<1x10240xi32> to vector<1x1x10240xi32>
    %reduce_sum3A_115 = arith.constant dense<0> : vector<1xi32>
    %reduce_sum3A_116 = vector.multi_reduction <add>, %reduce_sum3A_114, %reduce_sum3A_115 [1, 2] : vector<1x1x10240xi32> to vector<1xi32>
    %reduce_sum3A_117 = vector.shape_cast %reduce_sum3A_116 : vector<1xi32> to vector<1x1x1xi32>
    %reduce_sum3A_118 = vector.extract %reduce_sum3A_117[0, 0, 0] : i32 from vector<1x1x1xi32>
    %eq3A_119 = arith.constant 8 : i32
    %eq3A_120 = vector.broadcast %eq3A_119 : i32 to vector<1x32xi32>
    %eq3A_121 = arith.cmpi eq, %iota3A, %eq3A_120 : vector<1x32xi32>
    %broadcast_in_dim3A_122 = vector.broadcast %reduce_sum3A_118 : i32 to vector<1x32xi32>
    %select_n3A_123 = arith.select %eq3A_121, %broadcast_in_dim3A_122, %select_n3A_109 : vector<1x32xi1>, vector<1x32xi32>
    %lt3A_124 = arith.constant 9 : i32
    %lt3A_125 = vector.broadcast %lt3A_124 : i32 to vector<1x10240xi32>
    %lt3A_126 = arith.cmpi slt, %get3A_1, %lt3A_125 : vector<1x10240xi32>
    %convert_element_type3A_127 = arith.extui %lt3A_126 : vector<1x10240xi1> to vector<1x10240xi32>
    %reduce_sum3A_128 = vector.shape_cast %convert_element_type3A_127 : vector<1x10240xi32> to vector<1x1x10240xi32>
    %reduce_sum3A_129 = arith.constant dense<0> : vector<1xi32>
    %reduce_sum3A_130 = vector.multi_reduction <add>, %reduce_sum3A_128, %reduce_sum3A_129 [1, 2] : vector<1x1x10240xi32> to vector<1xi32>
    %reduce_sum3A_131 = vector.shape_cast %reduce_sum3A_130 : vector<1xi32> to vector<1x1x1xi32>
    %reduce_sum3A_132 = vector.extract %reduce_sum3A_131[0, 0, 0] : i32 from vector<1x1x1xi32>
    %eq3A_133 = arith.constant 9 : i32
    %eq3A_134 = vector.broadcast %eq3A_133 : i32 to vector<1x32xi32>
    %eq3A_135 = arith.cmpi eq, %iota3A, %eq3A_134 : vector<1x32xi32>
    %broadcast_in_dim3A_136 = vector.broadcast %reduce_sum3A_132 : i32 to vector<1x32xi32>
    %select_n3A_137 = arith.select %eq3A_135, %broadcast_in_dim3A_136, %select_n3A_123 : vector<1x32xi1>, vector<1x32xi32>
    %lt3A_138 = arith.constant 10 : i32
    %lt3A_139 = vector.broadcast %lt3A_138 : i32 to vector<1x10240xi32>
    %lt3A_140 = arith.cmpi slt, %get3A_1, %lt3A_139 : vector<1x10240xi32>
    %convert_element_type3A_141 = arith.extui %lt3A_140 : vector<1x10240xi1> to vector<1x10240xi32>
    %reduce_sum3A_142 = vector.shape_cast %convert_element_type3A_141 : vector<1x10240xi32> to vector<1x1x10240xi32>
    %reduce_sum3A_143 = arith.constant dense<0> : vector<1xi32>
    %reduce_sum3A_144 = vector.multi_reduction <add>, %reduce_sum3A_142, %reduce_sum3A_143 [1, 2] : vector<1x1x10240xi32> to vector<1xi32>
    %reduce_sum3A_145 = vector.shape_cast %reduce_sum3A_144 : vector<1xi32> to vector<1x1x1xi32>
    %reduce_sum3A_146 = vector.extract %reduce_sum3A_145[0, 0, 0] : i32 from vector<1x1x1xi32>
    %eq3A_147 = arith.constant 10 : i32
    %eq3A_148 = vector.broadcast %eq3A_147 : i32 to vector<1x32xi32>
    %eq3A_149 = arith.cmpi eq, %iota3A, %eq3A_148 : vector<1x32xi32>
    %broadcast_in_dim3A_150 = vector.broadcast %reduce_sum3A_146 : i32 to vector<1x32xi32>
    %select_n3A_151 = arith.select %eq3A_149, %broadcast_in_dim3A_150, %select_n3A_137 : vector<1x32xi1>, vector<1x32xi32>
    %lt3A_152 = arith.constant 11 : i32
    %lt3A_153 = vector.broadcast %lt3A_152 : i32 to vector<1x10240xi32>
    %lt3A_154 = arith.cmpi slt, %get3A_1, %lt3A_153 : vector<1x10240xi32>
    %convert_element_type3A_155 = arith.extui %lt3A_154 : vector<1x10240xi1> to vector<1x10240xi32>
    %reduce_sum3A_156 = vector.shape_cast %convert_element_type3A_155 : vector<1x10240xi32> to vector<1x1x10240xi32>
    %reduce_sum3A_157 = arith.constant dense<0> : vector<1xi32>
    %reduce_sum3A_158 = vector.multi_reduction <add>, %reduce_sum3A_156, %reduce_sum3A_157 [1, 2] : vector<1x1x10240xi32> to vector<1xi32>
    %reduce_sum3A_159 = vector.shape_cast %reduce_sum3A_158 : vector<1xi32> to vector<1x1x1xi32>
    %reduce_sum3A_160 = vector.extract %reduce_sum3A_159[0, 0, 0] : i32 from vector<1x1x1xi32>
    %eq3A_161 = arith.constant 11 : i32
    %eq3A_162 = vector.broadcast %eq3A_161 : i32 to vector<1x32xi32>
    %eq3A_163 = arith.cmpi eq, %iota3A, %eq3A_162 : vector<1x32xi32>
    %broadcast_in_dim3A_164 = vector.broadcast %reduce_sum3A_160 : i32 to vector<1x32xi32>
    %select_n3A_165 = arith.select %eq3A_163, %broadcast_in_dim3A_164, %select_n3A_151 : vector<1x32xi1>, vector<1x32xi32>
    %lt3A_166 = arith.constant 12 : i32
    %lt3A_167 = vector.broadcast %lt3A_166 : i32 to vector<1x10240xi32>
    %lt3A_168 = arith.cmpi slt, %get3A_1, %lt3A_167 : vector<1x10240xi32>
    %convert_element_type3A_169 = arith.extui %lt3A_168 : vector<1x10240xi1> to vector<1x10240xi32>
    %reduce_sum3A_170 = vector.shape_cast %convert_element_type3A_169 : vector<1x10240xi32> to vector<1x1x10240xi32>
    %reduce_sum3A_171 = arith.constant dense<0> : vector<1xi32>
    %reduce_sum3A_172 = vector.multi_reduction <add>, %reduce_sum3A_170, %reduce_sum3A_171 [1, 2] : vector<1x1x10240xi32> to vector<1xi32>
    %reduce_sum3A_173 = vector.shape_cast %reduce_sum3A_172 : vector<1xi32> to vector<1x1x1xi32>
    %reduce_sum3A_174 = vector.extract %reduce_sum3A_173[0, 0, 0] : i32 from vector<1x1x1xi32>
    %eq3A_175 = arith.constant 12 : i32
    %eq3A_176 = vector.broadcast %eq3A_175 : i32 to vector<1x32xi32>
    %eq3A_177 = arith.cmpi eq, %iota3A, %eq3A_176 : vector<1x32xi32>
    %broadcast_in_dim3A_178 = vector.broadcast %reduce_sum3A_174 : i32 to vector<1x32xi32>
    %select_n3A_179 = arith.select %eq3A_177, %broadcast_in_dim3A_178, %select_n3A_165 : vector<1x32xi1>, vector<1x32xi32>
    %lt3A_180 = arith.constant 13 : i32
    %lt3A_181 = vector.broadcast %lt3A_180 : i32 to vector<1x10240xi32>
    %lt3A_182 = arith.cmpi slt, %get3A_1, %lt3A_181 : vector<1x10240xi32>
    %convert_element_type3A_183 = arith.extui %lt3A_182 : vector<1x10240xi1> to vector<1x10240xi32>
    %reduce_sum3A_184 = vector.shape_cast %convert_element_type3A_183 : vector<1x10240xi32> to vector<1x1x10240xi32>
    %reduce_sum3A_185 = arith.constant dense<0> : vector<1xi32>
    %reduce_sum3A_186 = vector.multi_reduction <add>, %reduce_sum3A_184, %reduce_sum3A_185 [1, 2] : vector<1x1x10240xi32> to vector<1xi32>
    %reduce_sum3A_187 = vector.shape_cast %reduce_sum3A_186 : vector<1xi32> to vector<1x1x1xi32>
    %reduce_sum3A_188 = vector.extract %reduce_sum3A_187[0, 0, 0] : i32 from vector<1x1x1xi32>
    %eq3A_189 = arith.constant 13 : i32
    %eq3A_190 = vector.broadcast %eq3A_189 : i32 to vector<1x32xi32>
    %eq3A_191 = arith.cmpi eq, %iota3A, %eq3A_190 : vector<1x32xi32>
    %broadcast_in_dim3A_192 = vector.broadcast %reduce_sum3A_188 : i32 to vector<1x32xi32>
    %select_n3A_193 = arith.select %eq3A_191, %broadcast_in_dim3A_192, %select_n3A_179 : vector<1x32xi1>, vector<1x32xi32>
    %lt3A_194 = arith.constant 14 : i32
    %lt3A_195 = vector.broadcast %lt3A_194 : i32 to vector<1x10240xi32>
    %lt3A_196 = arith.cmpi slt, %get3A_1, %lt3A_195 : vector<1x10240xi32>
    %convert_element_type3A_197 = arith.extui %lt3A_196 : vector<1x10240xi1> to vector<1x10240xi32>
    %reduce_sum3A_198 = vector.shape_cast %convert_element_type3A_197 : vector<1x10240xi32> to vector<1x1x10240xi32>
    %reduce_sum3A_199 = arith.constant dense<0> : vector<1xi32>
    %reduce_sum3A_200 = vector.multi_reduction <add>, %reduce_sum3A_198, %reduce_sum3A_199 [1, 2] : vector<1x1x10240xi32> to vector<1xi32>
    %reduce_sum3A_201 = vector.shape_cast %reduce_sum3A_200 : vector<1xi32> to vector<1x1x1xi32>
    %reduce_sum3A_202 = vector.extract %reduce_sum3A_201[0, 0, 0] : i32 from vector<1x1x1xi32>
    %eq3A_203 = arith.constant 14 : i32
    %eq3A_204 = vector.broadcast %eq3A_203 : i32 to vector<1x32xi32>
    %eq3A_205 = arith.cmpi eq, %iota3A, %eq3A_204 : vector<1x32xi32>
    %broadcast_in_dim3A_206 = vector.broadcast %reduce_sum3A_202 : i32 to vector<1x32xi32>
    %select_n3A_207 = arith.select %eq3A_205, %broadcast_in_dim3A_206, %select_n3A_193 : vector<1x32xi1>, vector<1x32xi32>
    %lt3A_208 = arith.constant 15 : i32
    %lt3A_209 = vector.broadcast %lt3A_208 : i32 to vector<1x10240xi32>
    %lt3A_210 = arith.cmpi slt, %get3A_1, %lt3A_209 : vector<1x10240xi32>
    %convert_element_type3A_211 = arith.extui %lt3A_210 : vector<1x10240xi1> to vector<1x10240xi32>
    %reduce_sum3A_212 = vector.shape_cast %convert_element_type3A_211 : vector<1x10240xi32> to vector<1x1x10240xi32>
    %reduce_sum3A_213 = arith.constant dense<0> : vector<1xi32>
    %reduce_sum3A_214 = vector.multi_reduction <add>, %reduce_sum3A_212, %reduce_sum3A_213 [1, 2] : vector<1x1x10240xi32> to vector<1xi32>
    %reduce_sum3A_215 = vector.shape_cast %reduce_sum3A_214 : vector<1xi32> to vector<1x1x1xi32>
    %reduce_sum3A_216 = vector.extract %reduce_sum3A_215[0, 0, 0] : i32 from vector<1x1x1xi32>
    %eq3A_217 = arith.constant 15 : i32
    %eq3A_218 = vector.broadcast %eq3A_217 : i32 to vector<1x32xi32>
    %eq3A_219 = arith.cmpi eq, %iota3A, %eq3A_218 : vector<1x32xi32>
    %broadcast_in_dim3A_220 = vector.broadcast %reduce_sum3A_216 : i32 to vector<1x32xi32>
    %select_n3A_221 = arith.select %eq3A_219, %broadcast_in_dim3A_220, %select_n3A_207 : vector<1x32xi1>, vector<1x32xi32>
    %lt3A_222 = arith.constant 16 : i32
    %lt3A_223 = vector.broadcast %lt3A_222 : i32 to vector<1x10240xi32>
    %lt3A_224 = arith.cmpi slt, %get3A_1, %lt3A_223 : vector<1x10240xi32>
    %convert_element_type3A_225 = arith.extui %lt3A_224 : vector<1x10240xi1> to vector<1x10240xi32>
    %reduce_sum3A_226 = vector.shape_cast %convert_element_type3A_225 : vector<1x10240xi32> to vector<1x1x10240xi32>
    %reduce_sum3A_227 = arith.constant dense<0> : vector<1xi32>
    %reduce_sum3A_228 = vector.multi_reduction <add>, %reduce_sum3A_226, %reduce_sum3A_227 [1, 2] : vector<1x1x10240xi32> to vector<1xi32>
    %reduce_sum3A_229 = vector.shape_cast %reduce_sum3A_228 : vector<1xi32> to vector<1x1x1xi32>
    %reduce_sum3A_230 = vector.extract %reduce_sum3A_229[0, 0, 0] : i32 from vector<1x1x1xi32>
    %eq3A_231 = arith.constant 16 : i32
    %eq3A_232 = vector.broadcast %eq3A_231 : i32 to vector<1x32xi32>
    %eq3A_233 = arith.cmpi eq, %iota3A, %eq3A_232 : vector<1x32xi32>
    %broadcast_in_dim3A_234 = vector.broadcast %reduce_sum3A_230 : i32 to vector<1x32xi32>
    %select_n3A_235 = arith.select %eq3A_233, %broadcast_in_dim3A_234, %select_n3A_221 : vector<1x32xi1>, vector<1x32xi32>
    %lt3A_236 = arith.constant 17 : i32
    %lt3A_237 = vector.broadcast %lt3A_236 : i32 to vector<1x10240xi32>
    %lt3A_238 = arith.cmpi slt, %get3A_1, %lt3A_237 : vector<1x10240xi32>
    %convert_element_type3A_239 = arith.extui %lt3A_238 : vector<1x10240xi1> to vector<1x10240xi32>
    %reduce_sum3A_240 = vector.shape_cast %convert_element_type3A_239 : vector<1x10240xi32> to vector<1x1x10240xi32>
    %reduce_sum3A_241 = arith.constant dense<0> : vector<1xi32>
    %reduce_sum3A_242 = vector.multi_reduction <add>, %reduce_sum3A_240, %reduce_sum3A_241 [1, 2] : vector<1x1x10240xi32> to vector<1xi32>
    %reduce_sum3A_243 = vector.shape_cast %reduce_sum3A_242 : vector<1xi32> to vector<1x1x1xi32>
    %reduce_sum3A_244 = vector.extract %reduce_sum3A_243[0, 0, 0] : i32 from vector<1x1x1xi32>
    %eq3A_245 = arith.constant 17 : i32
    %eq3A_246 = vector.broadcast %eq3A_245 : i32 to vector<1x32xi32>
    %eq3A_247 = arith.cmpi eq, %iota3A, %eq3A_246 : vector<1x32xi32>
    %broadcast_in_dim3A_248 = vector.broadcast %reduce_sum3A_244 : i32 to vector<1x32xi32>
    %select_n3A_249 = arith.select %eq3A_247, %broadcast_in_dim3A_248, %select_n3A_235 : vector<1x32xi1>, vector<1x32xi32>
    %lt3A_250 = arith.constant 18 : i32
    %lt3A_251 = vector.broadcast %lt3A_250 : i32 to vector<1x10240xi32>
    %lt3A_252 = arith.cmpi slt, %get3A_1, %lt3A_251 : vector<1x10240xi32>
    %convert_element_type3A_253 = arith.extui %lt3A_252 : vector<1x10240xi1> to vector<1x10240xi32>
    %reduce_sum3A_254 = vector.shape_cast %convert_element_type3A_253 : vector<1x10240xi32> to vector<1x1x10240xi32>
    %reduce_sum3A_255 = arith.constant dense<0> : vector<1xi32>
    %reduce_sum3A_256 = vector.multi_reduction <add>, %reduce_sum3A_254, %reduce_sum3A_255 [1, 2] : vector<1x1x10240xi32> to vector<1xi32>
    %reduce_sum3A_257 = vector.shape_cast %reduce_sum3A_256 : vector<1xi32> to vector<1x1x1xi32>
    %reduce_sum3A_258 = vector.extract %reduce_sum3A_257[0, 0, 0] : i32 from vector<1x1x1xi32>
    %eq3A_259 = arith.constant 18 : i32
    %eq3A_260 = vector.broadcast %eq3A_259 : i32 to vector<1x32xi32>
    %eq3A_261 = arith.cmpi eq, %iota3A, %eq3A_260 : vector<1x32xi32>
    %broadcast_in_dim3A_262 = vector.broadcast %reduce_sum3A_258 : i32 to vector<1x32xi32>
    %select_n3A_263 = arith.select %eq3A_261, %broadcast_in_dim3A_262, %select_n3A_249 : vector<1x32xi1>, vector<1x32xi32>
    %swap3A = arith.constant 0 : index
    %swap3A_264 = arith.constant 0 : index
    %swap3A_265 = vector.load %arg1[%swap3A, %swap3A_264] : memref<1x32xi32, #tpu.memory_space<vmem>>, vector<1x32xi32>
    tpu.vector_store %arg1[%swap3A, %swap3A_264], %select_n3A_263 {strides = array<i32>} : memref<1x32xi32, #tpu.memory_space<vmem>>, vector<1x32xi32>,
    return
  }
}

module attributes {stable_mosaic.version = 14 : i64} {
  func.func @_knn_body(%arg0: i32, %arg1: memref<10496x3xf32, #tpu.memory_space<vmem>>, %arg2: memref<3x256xf32, #tpu.memory_space<vmem>>, %arg3: memref<1x256xi32, #tpu.memory_space<vmem>>, %arg4: memref<1x32xi32, #tpu.memory_space<vmem>>, %arg5: memref<10496x1xi32, #tpu.memory_space<vmem>>, %arg6: memref<4x256xi32, #tpu.memory_space<vmem>>) attributes {dimension_semantics = [#tpu.dimension_semantics<arbitrary>], iteration_bounds = array<i64: 40>, scalar_prefetch = 0 : i64, scratch_operands = 0 : i64, tpu.core_type = #tpu.core_type<tc>, window_params = [{pipeline_mode = #tpu.pipeline_mode<synchronous>, transform_indices = @transform_0, window_bounds = array<i64: 10496, 3>}, {transform_indices = @transform_1, window_bounds = array<i64: 3, 256>}, {transform_indices = @transform_2, window_bounds = array<i64: 1, 256>}, {pipeline_mode = #tpu.pipeline_mode<synchronous>, transform_indices = @transform_3, window_bounds = array<i64: 1, 32>}, {pipeline_mode = #tpu.pipeline_mode<synchronous>, transform_indices = @transform_4, window_bounds = array<i64: 10496, 1>}, {transform_indices = @transform_5, window_bounds = array<i64: 4, 256>}]} {
    %mul3A = arith.constant 256 : i32
    %mul3A_0 = arith.muli %arg0, %mul3A : i32
    %get3A = arith.constant 0 : index
    %get3A_1 = arith.constant 0 : index
    %get3A_2 = vector.load %arg3[%get3A, %get3A_1] : memref<1x256xi32, #tpu.memory_space<vmem>>, vector<1x256xi32>
    %reduce_min3A = vector.shape_cast %get3A_2 : vector<1x256xi32> to vector<1x1x256xi32>
    %reduce_min3A_3 = arith.constant dense<2147483647> : vector<1xi32>
    %reduce_min3A_4 = vector.multi_reduction <minsi>, %reduce_min3A, %reduce_min3A_3 [1, 2] : vector<1x1x256xi32> to vector<1xi32>
    %reduce_min3A_5 = vector.shape_cast %reduce_min3A_4 : vector<1xi32> to vector<1x1x1xi32>
    %reduce_min3A_6 = vector.extract %reduce_min3A_5[0, 0, 0] : i32 from vector<1x1x1xi32>
    %reduce_max3A = vector.shape_cast %get3A_2 : vector<1x256xi32> to vector<1x1x256xi32>
    %reduce_max3A_7 = arith.constant dense<-2147483648> : vector<1xi32>
    %reduce_max3A_8 = vector.multi_reduction <maxsi>, %reduce_max3A, %reduce_max3A_7 [1, 2] : vector<1x1x256xi32> to vector<1xi32>
    %reduce_max3A_9 = vector.shape_cast %reduce_max3A_8 : vector<1xi32> to vector<1x1x1xi32>
    %reduce_max3A_10 = vector.extract %reduce_max3A_9[0, 0, 0] : i32 from vector<1x1x1xi32>
    %get3A_11 = arith.constant 0 : index
    %get3A_12 = arith.constant 0 : index
    %get3A_13 = vector.load %arg4[%get3A_11, %get3A_12] : memref<1x32xi32, #tpu.memory_space<vmem>>, vector<1x32xi32>
    %iota3A = tpu.iota {dimensions = array<i32: 1>} : vector<1x32xi32>
    %eq3A = vector.broadcast %reduce_min3A_6 : i32 to vector<1x32xi32>
    %eq3A_14 = arith.cmpi eq, %iota3A, %eq3A : vector<1x32xi32>
    %jit3A = arith.constant 0 : i32
    %broadcast_in_dim3A = vector.broadcast %jit3A : i32 to vector<1x32xi32>
    %select_n3A = arith.select %eq3A_14, %get3A_13, %broadcast_in_dim3A : vector<1x32xi1>, vector<1x32xi32>
    %reduce_sum3A = vector.shape_cast %select_n3A : vector<1x32xi32> to vector<1x1x32xi32>
    %reduce_sum3A_15 = arith.constant dense<0> : vector<1xi32>
    %reduce_sum3A_16 = vector.multi_reduction <add>, %reduce_sum3A, %reduce_sum3A_15 [1, 2] : vector<1x1x32xi32> to vector<1xi32>
    %reduce_sum3A_17 = vector.shape_cast %reduce_sum3A_16 : vector<1xi32> to vector<1x1x1xi32>
    %reduce_sum3A_18 = vector.extract %reduce_sum3A_17[0, 0, 0] : i32 from vector<1x1x1xi32>
    %add3A = arith.constant 1 : i32
    %add3A_19 = arith.addi %reduce_max3A_10, %add3A : i32
    %eq3A_20 = vector.broadcast %add3A_19 : i32 to vector<1x32xi32>
    %eq3A_21 = arith.cmpi eq, %iota3A, %eq3A_20 : vector<1x32xi32>
    %jit3A_22 = arith.constant 0 : i32
    %broadcast_in_dim3A_23 = vector.broadcast %jit3A_22 : i32 to vector<1x32xi32>
    %select_n3A_24 = arith.select %eq3A_21, %get3A_13, %broadcast_in_dim3A_23 : vector<1x32xi1>, vector<1x32xi32>
    %reduce_sum3A_25 = vector.shape_cast %select_n3A_24 : vector<1x32xi32> to vector<1x1x32xi32>
    %reduce_sum3A_26 = arith.constant dense<0> : vector<1xi32>
    %reduce_sum3A_27 = vector.multi_reduction <add>, %reduce_sum3A_25, %reduce_sum3A_26 [1, 2] : vector<1x1x32xi32> to vector<1xi32>
    %reduce_sum3A_28 = vector.shape_cast %reduce_sum3A_27 : vector<1xi32> to vector<1x1x1xi32>
    %reduce_sum3A_29 = vector.extract %reduce_sum3A_28[0, 0, 0] : i32 from vector<1x1x1xi32>
    %jit3A_30 = arith.constant 8 : i32
    %div3A = arith.divsi %reduce_sum3A_18, %jit3A_30 : i32
    %sign3A = arith.constant 0 : i32
    %sign3A_31 = arith.cmpi sgt, %reduce_sum3A_18, %sign3A : i32
    %sign3A_32 = arith.extui %sign3A_31 : i1 to i32
    %sign3A_33 = arith.constant 0 : i32
    %sign3A_34 = arith.cmpi slt, %reduce_sum3A_18, %sign3A_33 : i32
    %sign3A_35 = arith.extui %sign3A_34 : i1 to i32
    %sign3A_36 = arith.subi %sign3A_32, %sign3A_35 : i32
    %sign3A_37 = arith.constant 0 : i32
    %sign3A_38 = arith.cmpi sgt, %jit3A_30, %sign3A_37 : i32
    %sign3A_39 = arith.extui %sign3A_38 : i1 to i32
    %sign3A_40 = arith.constant 0 : i32
    %sign3A_41 = arith.cmpi slt, %jit3A_30, %sign3A_40 : i32
    %sign3A_42 = arith.extui %sign3A_41 : i1 to i32
    %sign3A_43 = arith.subi %sign3A_39, %sign3A_42 : i32
    %ne3A = arith.cmpi ne, %sign3A_36, %sign3A_43 : i32
    %rem3A = arith.remsi %reduce_sum3A_18, %jit3A_30 : i32
    %ne3A_44 = arith.constant 0 : i32
    %ne3A_45 = arith.cmpi ne, %rem3A, %ne3A_44 : i32
    %and3A = arith.andi %ne3A, %ne3A_45 : i1
    %sub3A = arith.constant 1 : i32
    %sub3A_46 = arith.subi %div3A, %sub3A : i32
    %select_n3A_47 = arith.select %and3A, %sub3A_46, %div3A : i32
    %mul3A_48 = arith.constant 8 : i32
    %mul3A_49 = arith.muli %select_n3A_47, %mul3A_48 : i32
    %sub3A_50 = arith.subi %reduce_sum3A_29, %mul3A_49 : i32
    %add3A_51 = arith.constant 256 : i32
    %add3A_52 = arith.addi %sub3A_50, %add3A_51 : i32
    %sub3A_53 = arith.constant 1 : i32
    %sub3A_54 = arith.subi %add3A_52, %sub3A_53 : i32
    %jit3A_55 = arith.constant 256 : i32
    %div3A_56 = arith.divsi %sub3A_54, %jit3A_55 : i32
    %sign3A_57 = arith.constant 0 : i32
    %sign3A_58 = arith.cmpi sgt, %sub3A_54, %sign3A_57 : i32
    %sign3A_59 = arith.extui %sign3A_58 : i1 to i32
    %sign3A_60 = arith.constant 0 : i32
    %sign3A_61 = arith.cmpi slt, %sub3A_54, %sign3A_60 : i32
    %sign3A_62 = arith.extui %sign3A_61 : i1 to i32
    %sign3A_63 = arith.subi %sign3A_59, %sign3A_62 : i32
    %sign3A_64 = arith.constant 0 : i32
    %sign3A_65 = arith.cmpi sgt, %jit3A_55, %sign3A_64 : i32
    %sign3A_66 = arith.extui %sign3A_65 : i1 to i32
    %sign3A_67 = arith.constant 0 : i32
    %sign3A_68 = arith.cmpi slt, %jit3A_55, %sign3A_67 : i32
    %sign3A_69 = arith.extui %sign3A_68 : i1 to i32
    %sign3A_70 = arith.subi %sign3A_66, %sign3A_69 : i32
    %ne3A_71 = arith.cmpi ne, %sign3A_63, %sign3A_70 : i32
    %rem3A_72 = arith.remsi %sub3A_54, %jit3A_55 : i32
    %ne3A_73 = arith.constant 0 : i32
    %ne3A_74 = arith.cmpi ne, %rem3A_72, %ne3A_73 : i32
    %and3A_75 = arith.andi %ne3A_71, %ne3A_74 : i1
    %sub3A_76 = arith.constant 1 : i32
    %sub3A_77 = arith.subi %div3A_56, %sub3A_76 : i32
    %select_n3A_78 = arith.select %and3A_75, %sub3A_77, %div3A_56 : i32
    %get3A_79 = arith.constant 0 : index
    %get3A_80 = arith.constant 0 : index
    %get3A_81 = vector.load %arg2[%get3A_79, %get3A_80] : memref<3x256xf32, #tpu.memory_space<vmem>>, vector<3x256xf32>
    %mul3A_82 = arith.mulf %get3A_81, %get3A_81 : vector<3x256xf32>
    %reduce_sum3A_83 = arith.constant dense<0.000000e+00> : vector<256xf32>
    %reduce_sum3A_84 = vector.multi_reduction <add>, %mul3A_82, %reduce_sum3A_83 [0] : vector<3x256xf32> to vector<256xf32>
    %broadcast_in_dim3A_85 = vector.shape_cast %reduce_sum3A_84 : vector<256xf32> to vector<1x256xf32>
    %iota3A_86 = tpu.iota {dimensions = array<i32: 1>} : vector<1x256xi32>
    %add3A_87 = vector.broadcast %mul3A_0 : i32 to vector<1x256xi32>
    %add3A_88 = arith.addi %add3A_87, %iota3A_86 : vector<1x256xi32>
    %convert_element_type3A = arith.sitofp %add3A_88 : vector<1x256xi32> to vector<1x256xf32>
    %broadcast_in_dim3A_89 = arith.constant 0.000000e+00 : f32
    %broadcast_in_dim3A_90 = vector.broadcast %broadcast_in_dim3A_89 : f32 to vector<1x256xf32>
    %broadcast_in_dim3A_91 = arith.constant 1.000000e+30 : f32
    %broadcast_in_dim3A_92 = vector.broadcast %broadcast_in_dim3A_91 : f32 to vector<1x256xf32>
    %while3A = arith.constant 0 : i32
    %while3A_93 = arith.subi %select_n3A_78, %while3A : i32
    %while3A_94 = arith.addi %while3A, %while3A_93 : i32
    %while3A_95 = arith.constant 1 : i32
    %while3A_96 = arith.divsi %while3A_93, %while3A_95 : i32
    %while3A_97 = arith.muli %while3A_96, %while3A_95 : i32
    %while3A_98 = arith.addi %while3A, %while3A_97 : i32
    %while3A_99 = arith.constant 1 : i32
    %while3A_100:8 = scf.for %while3A_129 = %while3A to %while3A_98 step %while3A_99 iter_args(%while3A_130 = %broadcast_in_dim3A_92, %while3A_131 = %broadcast_in_dim3A_90, %while3A_132 = %broadcast_in_dim3A_92, %while3A_133 = %broadcast_in_dim3A_90, %while3A_134 = %broadcast_in_dim3A_92, %while3A_135 = %broadcast_in_dim3A_90, %while3A_136 = %broadcast_in_dim3A_92, %while3A_137 = %broadcast_in_dim3A_90) -> (vector<1x256xf32>, vector<1x256xf32>, vector<1x256xf32>, vector<1x256xf32>, vector<1x256xf32>, vector<1x256xf32>, vector<1x256xf32>, vector<1x256xf32>)  : i32 {
      %mul3A_138 = arith.constant 256 : i32
      %mul3A_139 = arith.muli %while3A_129, %mul3A_138 : i32
      %add3A_140 = arith.addi %mul3A_49, %mul3A_139 : i32
      %multiple_of3A = tpu.assume_multiple %add3A_140, 8 : i32
      %get3A_141 = arith.index_cast %multiple_of3A : i32 to index
      %get3A_142 = arith.constant 0 : index
      %get3A_143 = vector.load %arg1[%get3A_141, %get3A_142] : memref<10496x3xf32, #tpu.memory_space<vmem>>, vector<256x3xf32>
      %get3A_144 = arith.index_cast %multiple_of3A : i32 to index
      %get3A_145 = arith.constant 0 : index
      %get3A_146 = vector.load %arg5[%get3A_144, %get3A_145] : memref<10496x1xi32, #tpu.memory_space<vmem>>, vector<256x1xi32>
      %mul3A_147 = arith.mulf %get3A_143, %get3A_143 : vector<256x3xf32>
      %reduce_sum3A_148 = arith.constant dense<0.000000e+00> : vector<256xf32>
      %reduce_sum3A_149 = vector.multi_reduction <add>, %mul3A_147, %reduce_sum3A_148 [1] : vector<256x3xf32> to vector<256xf32>
      %broadcast_in_dim3A_150 = vector.shape_cast %reduce_sum3A_149 : vector<256xf32> to vector<256x1xf32>
      %dot_general3A = arith.constant dense<0.000000e+00> : vector<256x256xf32>
      %dot_general3A_151 = tpu.matmul %get3A_143, %get3A_81, %dot_general3A {dimension_numbers = #tpu.dot_dimension_numbers<[1], [0], [0], [1], [0, 0, 1, 1], [], []>, transpose_lhs_hint = false} : vector<256x3xf32>, vector<3x256xf32>, vector<256x256xf32> -> vector<256x256xf32>
      %add3A_152 = vector.broadcast %broadcast_in_dim3A_150 : vector<256x1xf32> to vector<256x256xf32>
      %add3A_153 = vector.broadcast %broadcast_in_dim3A_85 : vector<1x256xf32> to vector<256x256xf32>
      %add3A_154 = arith.addf %add3A_152, %add3A_153 : vector<256x256xf32>
      %mul3A_155 = arith.constant 2.000000e+00 : f32
      %mul3A_156 = vector.broadcast %mul3A_155 : f32 to vector<256x256xf32>
      %mul3A_157 = arith.mulf %mul3A_156, %dot_general3A_151 : vector<256x256xf32>
      %sub3A_158 = arith.subf %add3A_154, %mul3A_157 : vector<256x256xf32>
      %iota3A_159 = tpu.iota {dimensions = array<i32: 0>} : vector<256x1xi32>
      %add3A_160 = vector.broadcast %multiple_of3A : i32 to vector<256x1xi32>
      %add3A_161 = arith.addi %add3A_160, %iota3A_159 : vector<256x1xi32>
      %convert_element_type3A_162 = arith.sitofp %add3A_161 : vector<256x1xi32> to vector<256x1xf32>
      %eq3A_163 = vector.broadcast %get3A_146 : vector<256x1xi32> to vector<256x256xi32>
      %eq3A_164 = vector.broadcast %get3A_2 : vector<1x256xi32> to vector<256x256xi32>
      %eq3A_165 = arith.cmpi eq, %eq3A_163, %eq3A_164 : vector<256x256xi32>
      %jit3A_166 = arith.constant 1.000000e+30 : f32
      %broadcast_in_dim3A_167 = vector.broadcast %jit3A_166 : f32 to vector<256x256xf32>
      %select_n3A_168 = arith.select %eq3A_165, %sub3A_158, %broadcast_in_dim3A_167 : vector<256x256xi1>, vector<256x256xf32>
      %eq3A_169 = vector.broadcast %convert_element_type3A_162 : vector<256x1xf32> to vector<256x256xf32>
      %eq3A_170 = vector.broadcast %convert_element_type3A : vector<1x256xf32> to vector<256x256xf32>
      %eq3A_171 = arith.cmpf oeq, %eq3A_169, %eq3A_170 : vector<256x256xf32>
      %jit3A_172 = arith.constant 1.000000e+10 : f32
      %broadcast_in_dim3A_173 = vector.broadcast %jit3A_172 : f32 to vector<256x256xf32>
      %select_n3A_174 = arith.select %eq3A_171, %broadcast_in_dim3A_173, %select_n3A_168 : vector<256x256xi1>, vector<256x256xf32>
      %reduce_min3A_175 = arith.constant dense<0x7F800000> : vector<256xf32>
      %reduce_min3A_176 = vector.multi_reduction <minimumf>, %select_n3A_174, %reduce_min3A_175 [0] : vector<256x256xf32> to vector<256xf32>
      %broadcast_in_dim3A_177 = vector.shape_cast %reduce_min3A_176 : vector<256xf32> to vector<1x256xf32>
      %eq3A_178 = vector.broadcast %broadcast_in_dim3A_177 : vector<1x256xf32> to vector<256x256xf32>
      %eq3A_179 = arith.cmpf oeq, %select_n3A_174, %eq3A_178 : vector<256x256xf32>
      %jit3A_180 = arith.constant 1.000000e+30 : f32
      %broadcast_in_dim3A_181 = vector.shape_cast %convert_element_type3A_162 : vector<256x1xf32> to vector<256x1xf32>
      %broadcast_in_dim3A_182 = vector.broadcast %broadcast_in_dim3A_181 : vector<256x1xf32> to vector<256x256xf32>
      %broadcast_in_dim3A_183 = vector.broadcast %jit3A_180 : f32 to vector<256x256xf32>
      %select_n3A_184 = arith.select %eq3A_179, %broadcast_in_dim3A_182, %broadcast_in_dim3A_183 : vector<256x256xi1>, vector<256x256xf32>
      %reduce_min3A_185 = arith.constant dense<0x7F800000> : vector<256xf32>
      %reduce_min3A_186 = vector.multi_reduction <minimumf>, %select_n3A_184, %reduce_min3A_185 [0] : vector<256x256xf32> to vector<256xf32>
      %broadcast_in_dim3A_187 = vector.shape_cast %reduce_min3A_186 : vector<256xf32> to vector<1x256xf32>
      %eq3A_188 = vector.broadcast %convert_element_type3A_162 : vector<256x1xf32> to vector<256x256xf32>
      %eq3A_189 = vector.broadcast %broadcast_in_dim3A_187 : vector<1x256xf32> to vector<256x256xf32>
      %eq3A_190 = arith.cmpf oeq, %eq3A_188, %eq3A_189 : vector<256x256xf32>
      %jit3A_191 = arith.constant 1.000000e+30 : f32
      %broadcast_in_dim3A_192 = vector.broadcast %jit3A_191 : f32 to vector<256x256xf32>
      %select_n3A_193 = arith.select %eq3A_190, %broadcast_in_dim3A_192, %select_n3A_174 : vector<256x256xi1>, vector<256x256xf32>
      %lt3A = arith.cmpf olt, %broadcast_in_dim3A_177, %while3A_130 : vector<1x256xf32>
      %min3A_194 = arith.minimumf %while3A_130, %broadcast_in_dim3A_177 : vector<1x256xf32>
      %select_n3A_195 = arith.select %lt3A, %broadcast_in_dim3A_187, %while3A_131 : vector<1x256xi1>, vector<1x256xf32>
      %max3A = arith.maximumf %while3A_130, %broadcast_in_dim3A_177 : vector<1x256xf32>
      %select_n3A_196 = arith.select %lt3A, %while3A_131, %broadcast_in_dim3A_187 : vector<1x256xi1>, vector<1x256xf32>
      %lt3A_197 = arith.cmpf olt, %max3A, %while3A_132 : vector<1x256xf32>
      %min3A_198 = arith.minimumf %while3A_132, %max3A : vector<1x256xf32>
      %select_n3A_199 = arith.select %lt3A_197, %select_n3A_196, %while3A_133 : vector<1x256xi1>, vector<1x256xf32>
      %max3A_200 = arith.maximumf %while3A_132, %max3A : vector<1x256xf32>
      %select_n3A_201 = arith.select %lt3A_197, %while3A_133, %select_n3A_196 : vector<1x256xi1>, vector<1x256xf32>
      %lt3A_202 = arith.cmpf olt, %max3A_200, %while3A_134 : vector<1x256xf32>
      %min3A_203 = arith.minimumf %while3A_134, %max3A_200 : vector<1x256xf32>
      %select_n3A_204 = arith.select %lt3A_202, %select_n3A_201, %while3A_135 : vector<1x256xi1>, vector<1x256xf32>
      %max3A_205 = arith.maximumf %while3A_134, %max3A_200 : vector<1x256xf32>
      %select_n3A_206 = arith.select %lt3A_202, %while3A_135, %select_n3A_201 : vector<1x256xi1>, vector<1x256xf32>
      %lt3A_207 = arith.cmpf olt, %max3A_205, %while3A_136 : vector<1x256xf32>
      %min3A_208 = arith.minimumf %while3A_136, %max3A_205 : vector<1x256xf32>
      %select_n3A_209 = arith.select %lt3A_207, %select_n3A_206, %while3A_137 : vector<1x256xi1>, vector<1x256xf32>
      %reduce_min3A_210 = arith.constant dense<0x7F800000> : vector<256xf32>
      %reduce_min3A_211 = vector.multi_reduction <minimumf>, %select_n3A_193, %reduce_min3A_210 [0] : vector<256x256xf32> to vector<256xf32>
      %broadcast_in_dim3A_212 = vector.shape_cast %reduce_min3A_211 : vector<256xf32> to vector<1x256xf32>
      %eq3A_213 = vector.broadcast %broadcast_in_dim3A_212 : vector<1x256xf32> to vector<256x256xf32>
      %eq3A_214 = arith.cmpf oeq, %select_n3A_193, %eq3A_213 : vector<256x256xf32>
      %jit3A_215 = arith.constant 1.000000e+30 : f32
      %broadcast_in_dim3A_216 = vector.shape_cast %convert_element_type3A_162 : vector<256x1xf32> to vector<256x1xf32>
      %broadcast_in_dim3A_217 = vector.broadcast %broadcast_in_dim3A_216 : vector<256x1xf32> to vector<256x256xf32>
      %broadcast_in_dim3A_218 = vector.broadcast %jit3A_215 : f32 to vector<256x256xf32>
      %select_n3A_219 = arith.select %eq3A_214, %broadcast_in_dim3A_217, %broadcast_in_dim3A_218 : vector<256x256xi1>, vector<256x256xf32>
      %reduce_min3A_220 = arith.constant dense<0x7F800000> : vector<256xf32>
      %reduce_min3A_221 = vector.multi_reduction <minimumf>, %select_n3A_219, %reduce_min3A_220 [0] : vector<256x256xf32> to vector<256xf32>
      %broadcast_in_dim3A_222 = vector.shape_cast %reduce_min3A_221 : vector<256xf32> to vector<1x256xf32>
      %eq3A_223 = vector.broadcast %convert_element_type3A_162 : vector<256x1xf32> to vector<256x256xf32>
      %eq3A_224 = vector.broadcast %broadcast_in_dim3A_222 : vector<1x256xf32> to vector<256x256xf32>
      %eq3A_225 = arith.cmpf oeq, %eq3A_223, %eq3A_224 : vector<256x256xf32>
      %jit3A_226 = arith.constant 1.000000e+30 : f32
      %broadcast_in_dim3A_227 = vector.broadcast %jit3A_226 : f32 to vector<256x256xf32>
      %select_n3A_228 = arith.select %eq3A_225, %broadcast_in_dim3A_227, %select_n3A_193 : vector<256x256xi1>, vector<256x256xf32>
      %lt3A_229 = arith.cmpf olt, %broadcast_in_dim3A_212, %min3A_194 : vector<1x256xf32>
      %min3A_230 = arith.minimumf %min3A_194, %broadcast_in_dim3A_212 : vector<1x256xf32>
      %select_n3A_231 = arith.select %lt3A_229, %broadcast_in_dim3A_222, %select_n3A_195 : vector<1x256xi1>, vector<1x256xf32>
      %max3A_232 = arith.maximumf %min3A_194, %broadcast_in_dim3A_212 : vector<1x256xf32>
      %select_n3A_233 = arith.select %lt3A_229, %select_n3A_195, %broadcast_in_dim3A_222 : vector<1x256xi1>, vector<1x256xf32>
      %lt3A_234 = arith.cmpf olt, %max3A_232, %min3A_198 : vector<1x256xf32>
      %min3A_235 = arith.minimumf %min3A_198, %max3A_232 : vector<1x256xf32>
      %select_n3A_236 = arith.select %lt3A_234, %select_n3A_233, %select_n3A_199 : vector<1x256xi1>, vector<1x256xf32>
      %max3A_237 = arith.maximumf %min3A_198, %max3A_232 : vector<1x256xf32>
      %select_n3A_238 = arith.select %lt3A_234, %select_n3A_199, %select_n3A_233 : vector<1x256xi1>, vector<1x256xf32>
      %lt3A_239 = arith.cmpf olt, %max3A_237, %min3A_203 : vector<1x256xf32>
      %min3A_240 = arith.minimumf %min3A_203, %max3A_237 : vector<1x256xf32>
      %select_n3A_241 = arith.select %lt3A_239, %select_n3A_238, %select_n3A_204 : vector<1x256xi1>, vector<1x256xf32>
      %max3A_242 = arith.maximumf %min3A_203, %max3A_237 : vector<1x256xf32>
      %select_n3A_243 = arith.select %lt3A_239, %select_n3A_204, %select_n3A_238 : vector<1x256xi1>, vector<1x256xf32>
      %lt3A_244 = arith.cmpf olt, %max3A_242, %min3A_208 : vector<1x256xf32>
      %min3A_245 = arith.minimumf %min3A_208, %max3A_242 : vector<1x256xf32>
      %select_n3A_246 = arith.select %lt3A_244, %select_n3A_243, %select_n3A_209 : vector<1x256xi1>, vector<1x256xf32>
      %reduce_min3A_247 = arith.constant dense<0x7F800000> : vector<256xf32>
      %reduce_min3A_248 = vector.multi_reduction <minimumf>, %select_n3A_228, %reduce_min3A_247 [0] : vector<256x256xf32> to vector<256xf32>
      %broadcast_in_dim3A_249 = vector.shape_cast %reduce_min3A_248 : vector<256xf32> to vector<1x256xf32>
      %eq3A_250 = vector.broadcast %broadcast_in_dim3A_249 : vector<1x256xf32> to vector<256x256xf32>
      %eq3A_251 = arith.cmpf oeq, %select_n3A_228, %eq3A_250 : vector<256x256xf32>
      %jit3A_252 = arith.constant 1.000000e+30 : f32
      %broadcast_in_dim3A_253 = vector.shape_cast %convert_element_type3A_162 : vector<256x1xf32> to vector<256x1xf32>
      %broadcast_in_dim3A_254 = vector.broadcast %broadcast_in_dim3A_253 : vector<256x1xf32> to vector<256x256xf32>
      %broadcast_in_dim3A_255 = vector.broadcast %jit3A_252 : f32 to vector<256x256xf32>
      %select_n3A_256 = arith.select %eq3A_251, %broadcast_in_dim3A_254, %broadcast_in_dim3A_255 : vector<256x256xi1>, vector<256x256xf32>
      %reduce_min3A_257 = arith.constant dense<0x7F800000> : vector<256xf32>
      %reduce_min3A_258 = vector.multi_reduction <minimumf>, %select_n3A_256, %reduce_min3A_257 [0] : vector<256x256xf32> to vector<256xf32>
      %broadcast_in_dim3A_259 = vector.shape_cast %reduce_min3A_258 : vector<256xf32> to vector<1x256xf32>
      %eq3A_260 = vector.broadcast %convert_element_type3A_162 : vector<256x1xf32> to vector<256x256xf32>
      %eq3A_261 = vector.broadcast %broadcast_in_dim3A_259 : vector<1x256xf32> to vector<256x256xf32>
      %eq3A_262 = arith.cmpf oeq, %eq3A_260, %eq3A_261 : vector<256x256xf32>
      %jit3A_263 = arith.constant 1.000000e+30 : f32
      %broadcast_in_dim3A_264 = vector.broadcast %jit3A_263 : f32 to vector<256x256xf32>
      %select_n3A_265 = arith.select %eq3A_262, %broadcast_in_dim3A_264, %select_n3A_228 : vector<256x256xi1>, vector<256x256xf32>
      %lt3A_266 = arith.cmpf olt, %broadcast_in_dim3A_249, %min3A_230 : vector<1x256xf32>
      %min3A_267 = arith.minimumf %min3A_230, %broadcast_in_dim3A_249 : vector<1x256xf32>
      %select_n3A_268 = arith.select %lt3A_266, %broadcast_in_dim3A_259, %select_n3A_231 : vector<1x256xi1>, vector<1x256xf32>
      %max3A_269 = arith.maximumf %min3A_230, %broadcast_in_dim3A_249 : vector<1x256xf32>
      %select_n3A_270 = arith.select %lt3A_266, %select_n3A_231, %broadcast_in_dim3A_259 : vector<1x256xi1>, vector<1x256xf32>
      %lt3A_271 = arith.cmpf olt, %max3A_269, %min3A_235 : vector<1x256xf32>
      %min3A_272 = arith.minimumf %min3A_235, %max3A_269 : vector<1x256xf32>
      %select_n3A_273 = arith.select %lt3A_271, %select_n3A_270, %select_n3A_236 : vector<1x256xi1>, vector<1x256xf32>
      %max3A_274 = arith.maximumf %min3A_235, %max3A_269 : vector<1x256xf32>
      %select_n3A_275 = arith.select %lt3A_271, %select_n3A_236, %select_n3A_270 : vector<1x256xi1>, vector<1x256xf32>
      %lt3A_276 = arith.cmpf olt, %max3A_274, %min3A_240 : vector<1x256xf32>
      %min3A_277 = arith.minimumf %min3A_240, %max3A_274 : vector<1x256xf32>
      %select_n3A_278 = arith.select %lt3A_276, %select_n3A_275, %select_n3A_241 : vector<1x256xi1>, vector<1x256xf32>
      %max3A_279 = arith.maximumf %min3A_240, %max3A_274 : vector<1x256xf32>
      %select_n3A_280 = arith.select %lt3A_276, %select_n3A_241, %select_n3A_275 : vector<1x256xi1>, vector<1x256xf32>
      %lt3A_281 = arith.cmpf olt, %max3A_279, %min3A_245 : vector<1x256xf32>
      %min3A_282 = arith.minimumf %min3A_245, %max3A_279 : vector<1x256xf32>
      %select_n3A_283 = arith.select %lt3A_281, %select_n3A_280, %select_n3A_246 : vector<1x256xi1>, vector<1x256xf32>
      %reduce_min3A_284 = arith.constant dense<0x7F800000> : vector<256xf32>
      %reduce_min3A_285 = vector.multi_reduction <minimumf>, %select_n3A_265, %reduce_min3A_284 [0] : vector<256x256xf32> to vector<256xf32>
      %broadcast_in_dim3A_286 = vector.shape_cast %reduce_min3A_285 : vector<256xf32> to vector<1x256xf32>
      %eq3A_287 = vector.broadcast %broadcast_in_dim3A_286 : vector<1x256xf32> to vector<256x256xf32>
      %eq3A_288 = arith.cmpf oeq, %select_n3A_265, %eq3A_287 : vector<256x256xf32>
      %jit3A_289 = arith.constant 1.000000e+30 : f32
      %broadcast_in_dim3A_290 = vector.shape_cast %convert_element_type3A_162 : vector<256x1xf32> to vector<256x1xf32>
      %broadcast_in_dim3A_291 = vector.broadcast %broadcast_in_dim3A_290 : vector<256x1xf32> to vector<256x256xf32>
      %broadcast_in_dim3A_292 = vector.broadcast %jit3A_289 : f32 to vector<256x256xf32>
      %select_n3A_293 = arith.select %eq3A_288, %broadcast_in_dim3A_291, %broadcast_in_dim3A_292 : vector<256x256xi1>, vector<256x256xf32>
      %reduce_min3A_294 = arith.constant dense<0x7F800000> : vector<256xf32>
      %reduce_min3A_295 = vector.multi_reduction <minimumf>, %select_n3A_293, %reduce_min3A_294 [0] : vector<256x256xf32> to vector<256xf32>
      %broadcast_in_dim3A_296 = vector.shape_cast %reduce_min3A_295 : vector<256xf32> to vector<1x256xf32>
      %lt3A_297 = arith.cmpf olt, %broadcast_in_dim3A_286, %min3A_267 : vector<1x256xf32>
      %min3A_298 = arith.minimumf %min3A_267, %broadcast_in_dim3A_286 : vector<1x256xf32>
      %select_n3A_299 = arith.select %lt3A_297, %broadcast_in_dim3A_296, %select_n3A_268 : vector<1x256xi1>, vector<1x256xf32>
      %max3A_300 = arith.maximumf %min3A_267, %broadcast_in_dim3A_286 : vector<1x256xf32>
      %select_n3A_301 = arith.select %lt3A_297, %select_n3A_268, %broadcast_in_dim3A_296 : vector<1x256xi1>, vector<1x256xf32>
      %lt3A_302 = arith.cmpf olt, %max3A_300, %min3A_272 : vector<1x256xf32>
      %min3A_303 = arith.minimumf %min3A_272, %max3A_300 : vector<1x256xf32>
      %select_n3A_304 = arith.select %lt3A_302, %select_n3A_301, %select_n3A_273 : vector<1x256xi1>, vector<1x256xf32>
      %max3A_305 = arith.maximumf %min3A_272, %max3A_300 : vector<1x256xf32>
      %select_n3A_306 = arith.select %lt3A_302, %select_n3A_273, %select_n3A_301 : vector<1x256xi1>, vector<1x256xf32>
      %lt3A_307 = arith.cmpf olt, %max3A_305, %min3A_277 : vector<1x256xf32>
      %min3A_308 = arith.minimumf %min3A_277, %max3A_305 : vector<1x256xf32>
      %select_n3A_309 = arith.select %lt3A_307, %select_n3A_306, %select_n3A_278 : vector<1x256xi1>, vector<1x256xf32>
      %max3A_310 = arith.maximumf %min3A_277, %max3A_305 : vector<1x256xf32>
      %select_n3A_311 = arith.select %lt3A_307, %select_n3A_278, %select_n3A_306 : vector<1x256xi1>, vector<1x256xf32>
      %lt3A_312 = arith.cmpf olt, %max3A_310, %min3A_282 : vector<1x256xf32>
      %min3A_313 = arith.minimumf %min3A_282, %max3A_310 : vector<1x256xf32>
      %select_n3A_314 = arith.select %lt3A_312, %select_n3A_311, %select_n3A_283 : vector<1x256xi1>, vector<1x256xf32>
      scf.yield %min3A_298, %select_n3A_299, %min3A_303, %select_n3A_304, %min3A_308, %select_n3A_309, %min3A_313, %select_n3A_314 : vector<1x256xf32>, vector<1x256xf32>, vector<1x256xf32>, vector<1x256xf32>, vector<1x256xf32>, vector<1x256xf32>, vector<1x256xf32>, vector<1x256xf32>
    }
    %while3A_101 = arith.constant 1 : i32
    %while3A_102:8 = scf.for %while3A_129 = %while3A_98 to %while3A_94 step %while3A_101 iter_args(%while3A_130 = %while3A_100#0, %while3A_131 = %while3A_100#1, %while3A_132 = %while3A_100#2, %while3A_133 = %while3A_100#3, %while3A_134 = %while3A_100#4, %while3A_135 = %while3A_100#5, %while3A_136 = %while3A_100#6, %while3A_137 = %while3A_100#7) -> (vector<1x256xf32>, vector<1x256xf32>, vector<1x256xf32>, vector<1x256xf32>, vector<1x256xf32>, vector<1x256xf32>, vector<1x256xf32>, vector<1x256xf32>)  : i32 {
      %mul3A_138 = arith.constant 256 : i32
      %mul3A_139 = arith.muli %while3A_129, %mul3A_138 : i32
      %add3A_140 = arith.addi %mul3A_49, %mul3A_139 : i32
      %multiple_of3A = tpu.assume_multiple %add3A_140, 8 : i32
      %get3A_141 = arith.index_cast %multiple_of3A : i32 to index
      %get3A_142 = arith.constant 0 : index
      %get3A_143 = vector.load %arg1[%get3A_141, %get3A_142] : memref<10496x3xf32, #tpu.memory_space<vmem>>, vector<256x3xf32>
      %get3A_144 = arith.index_cast %multiple_of3A : i32 to index
      %get3A_145 = arith.constant 0 : index
      %get3A_146 = vector.load %arg5[%get3A_144, %get3A_145] : memref<10496x1xi32, #tpu.memory_space<vmem>>, vector<256x1xi32>
      %mul3A_147 = arith.mulf %get3A_143, %get3A_143 : vector<256x3xf32>
      %reduce_sum3A_148 = arith.constant dense<0.000000e+00> : vector<256xf32>
      %reduce_sum3A_149 = vector.multi_reduction <add>, %mul3A_147, %reduce_sum3A_148 [1] : vector<256x3xf32> to vector<256xf32>
      %broadcast_in_dim3A_150 = vector.shape_cast %reduce_sum3A_149 : vector<256xf32> to vector<256x1xf32>
      %dot_general3A = arith.constant dense<0.000000e+00> : vector<256x256xf32>
      %dot_general3A_151 = tpu.matmul %get3A_143, %get3A_81, %dot_general3A {dimension_numbers = #tpu.dot_dimension_numbers<[1], [0], [0], [1], [0, 0, 1, 1], [], []>, transpose_lhs_hint = false} : vector<256x3xf32>, vector<3x256xf32>, vector<256x256xf32> -> vector<256x256xf32>
      %add3A_152 = vector.broadcast %broadcast_in_dim3A_150 : vector<256x1xf32> to vector<256x256xf32>
      %add3A_153 = vector.broadcast %broadcast_in_dim3A_85 : vector<1x256xf32> to vector<256x256xf32>
      %add3A_154 = arith.addf %add3A_152, %add3A_153 : vector<256x256xf32>
      %mul3A_155 = arith.constant 2.000000e+00 : f32
      %mul3A_156 = vector.broadcast %mul3A_155 : f32 to vector<256x256xf32>
      %mul3A_157 = arith.mulf %mul3A_156, %dot_general3A_151 : vector<256x256xf32>
      %sub3A_158 = arith.subf %add3A_154, %mul3A_157 : vector<256x256xf32>
      %iota3A_159 = tpu.iota {dimensions = array<i32: 0>} : vector<256x1xi32>
      %add3A_160 = vector.broadcast %multiple_of3A : i32 to vector<256x1xi32>
      %add3A_161 = arith.addi %add3A_160, %iota3A_159 : vector<256x1xi32>
      %convert_element_type3A_162 = arith.sitofp %add3A_161 : vector<256x1xi32> to vector<256x1xf32>
      %eq3A_163 = vector.broadcast %get3A_146 : vector<256x1xi32> to vector<256x256xi32>
      %eq3A_164 = vector.broadcast %get3A_2 : vector<1x256xi32> to vector<256x256xi32>
      %eq3A_165 = arith.cmpi eq, %eq3A_163, %eq3A_164 : vector<256x256xi32>
      %jit3A_166 = arith.constant 1.000000e+30 : f32
      %broadcast_in_dim3A_167 = vector.broadcast %jit3A_166 : f32 to vector<256x256xf32>
      %select_n3A_168 = arith.select %eq3A_165, %sub3A_158, %broadcast_in_dim3A_167 : vector<256x256xi1>, vector<256x256xf32>
      %eq3A_169 = vector.broadcast %convert_element_type3A_162 : vector<256x1xf32> to vector<256x256xf32>
      %eq3A_170 = vector.broadcast %convert_element_type3A : vector<1x256xf32> to vector<256x256xf32>
      %eq3A_171 = arith.cmpf oeq, %eq3A_169, %eq3A_170 : vector<256x256xf32>
      %jit3A_172 = arith.constant 1.000000e+10 : f32
      %broadcast_in_dim3A_173 = vector.broadcast %jit3A_172 : f32 to vector<256x256xf32>
      %select_n3A_174 = arith.select %eq3A_171, %broadcast_in_dim3A_173, %select_n3A_168 : vector<256x256xi1>, vector<256x256xf32>
      %reduce_min3A_175 = arith.constant dense<0x7F800000> : vector<256xf32>
      %reduce_min3A_176 = vector.multi_reduction <minimumf>, %select_n3A_174, %reduce_min3A_175 [0] : vector<256x256xf32> to vector<256xf32>
      %broadcast_in_dim3A_177 = vector.shape_cast %reduce_min3A_176 : vector<256xf32> to vector<1x256xf32>
      %eq3A_178 = vector.broadcast %broadcast_in_dim3A_177 : vector<1x256xf32> to vector<256x256xf32>
      %eq3A_179 = arith.cmpf oeq, %select_n3A_174, %eq3A_178 : vector<256x256xf32>
      %jit3A_180 = arith.constant 1.000000e+30 : f32
      %broadcast_in_dim3A_181 = vector.shape_cast %convert_element_type3A_162 : vector<256x1xf32> to vector<256x1xf32>
      %broadcast_in_dim3A_182 = vector.broadcast %broadcast_in_dim3A_181 : vector<256x1xf32> to vector<256x256xf32>
      %broadcast_in_dim3A_183 = vector.broadcast %jit3A_180 : f32 to vector<256x256xf32>
      %select_n3A_184 = arith.select %eq3A_179, %broadcast_in_dim3A_182, %broadcast_in_dim3A_183 : vector<256x256xi1>, vector<256x256xf32>
      %reduce_min3A_185 = arith.constant dense<0x7F800000> : vector<256xf32>
      %reduce_min3A_186 = vector.multi_reduction <minimumf>, %select_n3A_184, %reduce_min3A_185 [0] : vector<256x256xf32> to vector<256xf32>
      %broadcast_in_dim3A_187 = vector.shape_cast %reduce_min3A_186 : vector<256xf32> to vector<1x256xf32>
      %eq3A_188 = vector.broadcast %convert_element_type3A_162 : vector<256x1xf32> to vector<256x256xf32>
      %eq3A_189 = vector.broadcast %broadcast_in_dim3A_187 : vector<1x256xf32> to vector<256x256xf32>
      %eq3A_190 = arith.cmpf oeq, %eq3A_188, %eq3A_189 : vector<256x256xf32>
      %jit3A_191 = arith.constant 1.000000e+30 : f32
      %broadcast_in_dim3A_192 = vector.broadcast %jit3A_191 : f32 to vector<256x256xf32>
      %select_n3A_193 = arith.select %eq3A_190, %broadcast_in_dim3A_192, %select_n3A_174 : vector<256x256xi1>, vector<256x256xf32>
      %lt3A = arith.cmpf olt, %broadcast_in_dim3A_177, %while3A_130 : vector<1x256xf32>
      %min3A_194 = arith.minimumf %while3A_130, %broadcast_in_dim3A_177 : vector<1x256xf32>
      %select_n3A_195 = arith.select %lt3A, %broadcast_in_dim3A_187, %while3A_131 : vector<1x256xi1>, vector<1x256xf32>
      %max3A = arith.maximumf %while3A_130, %broadcast_in_dim3A_177 : vector<1x256xf32>
      %select_n3A_196 = arith.select %lt3A, %while3A_131, %broadcast_in_dim3A_187 : vector<1x256xi1>, vector<1x256xf32>
      %lt3A_197 = arith.cmpf olt, %max3A, %while3A_132 : vector<1x256xf32>
      %min3A_198 = arith.minimumf %while3A_132, %max3A : vector<1x256xf32>
      %select_n3A_199 = arith.select %lt3A_197, %select_n3A_196, %while3A_133 : vector<1x256xi1>, vector<1x256xf32>
      %max3A_200 = arith.maximumf %while3A_132, %max3A : vector<1x256xf32>
      %select_n3A_201 = arith.select %lt3A_197, %while3A_133, %select_n3A_196 : vector<1x256xi1>, vector<1x256xf32>
      %lt3A_202 = arith.cmpf olt, %max3A_200, %while3A_134 : vector<1x256xf32>
      %min3A_203 = arith.minimumf %while3A_134, %max3A_200 : vector<1x256xf32>
      %select_n3A_204 = arith.select %lt3A_202, %select_n3A_201, %while3A_135 : vector<1x256xi1>, vector<1x256xf32>
      %max3A_205 = arith.maximumf %while3A_134, %max3A_200 : vector<1x256xf32>
      %select_n3A_206 = arith.select %lt3A_202, %while3A_135, %select_n3A_201 : vector<1x256xi1>, vector<1x256xf32>
      %lt3A_207 = arith.cmpf olt, %max3A_205, %while3A_136 : vector<1x256xf32>
      %min3A_208 = arith.minimumf %while3A_136, %max3A_205 : vector<1x256xf32>
      %select_n3A_209 = arith.select %lt3A_207, %select_n3A_206, %while3A_137 : vector<1x256xi1>, vector<1x256xf32>
      %reduce_min3A_210 = arith.constant dense<0x7F800000> : vector<256xf32>
      %reduce_min3A_211 = vector.multi_reduction <minimumf>, %select_n3A_193, %reduce_min3A_210 [0] : vector<256x256xf32> to vector<256xf32>
      %broadcast_in_dim3A_212 = vector.shape_cast %reduce_min3A_211 : vector<256xf32> to vector<1x256xf32>
      %eq3A_213 = vector.broadcast %broadcast_in_dim3A_212 : vector<1x256xf32> to vector<256x256xf32>
      %eq3A_214 = arith.cmpf oeq, %select_n3A_193, %eq3A_213 : vector<256x256xf32>
      %jit3A_215 = arith.constant 1.000000e+30 : f32
      %broadcast_in_dim3A_216 = vector.shape_cast %convert_element_type3A_162 : vector<256x1xf32> to vector<256x1xf32>
      %broadcast_in_dim3A_217 = vector.broadcast %broadcast_in_dim3A_216 : vector<256x1xf32> to vector<256x256xf32>
      %broadcast_in_dim3A_218 = vector.broadcast %jit3A_215 : f32 to vector<256x256xf32>
      %select_n3A_219 = arith.select %eq3A_214, %broadcast_in_dim3A_217, %broadcast_in_dim3A_218 : vector<256x256xi1>, vector<256x256xf32>
      %reduce_min3A_220 = arith.constant dense<0x7F800000> : vector<256xf32>
      %reduce_min3A_221 = vector.multi_reduction <minimumf>, %select_n3A_219, %reduce_min3A_220 [0] : vector<256x256xf32> to vector<256xf32>
      %broadcast_in_dim3A_222 = vector.shape_cast %reduce_min3A_221 : vector<256xf32> to vector<1x256xf32>
      %eq3A_223 = vector.broadcast %convert_element_type3A_162 : vector<256x1xf32> to vector<256x256xf32>
      %eq3A_224 = vector.broadcast %broadcast_in_dim3A_222 : vector<1x256xf32> to vector<256x256xf32>
      %eq3A_225 = arith.cmpf oeq, %eq3A_223, %eq3A_224 : vector<256x256xf32>
      %jit3A_226 = arith.constant 1.000000e+30 : f32
      %broadcast_in_dim3A_227 = vector.broadcast %jit3A_226 : f32 to vector<256x256xf32>
      %select_n3A_228 = arith.select %eq3A_225, %broadcast_in_dim3A_227, %select_n3A_193 : vector<256x256xi1>, vector<256x256xf32>
      %lt3A_229 = arith.cmpf olt, %broadcast_in_dim3A_212, %min3A_194 : vector<1x256xf32>
      %min3A_230 = arith.minimumf %min3A_194, %broadcast_in_dim3A_212 : vector<1x256xf32>
      %select_n3A_231 = arith.select %lt3A_229, %broadcast_in_dim3A_222, %select_n3A_195 : vector<1x256xi1>, vector<1x256xf32>
      %max3A_232 = arith.maximumf %min3A_194, %broadcast_in_dim3A_212 : vector<1x256xf32>
      %select_n3A_233 = arith.select %lt3A_229, %select_n3A_195, %broadcast_in_dim3A_222 : vector<1x256xi1>, vector<1x256xf32>
      %lt3A_234 = arith.cmpf olt, %max3A_232, %min3A_198 : vector<1x256xf32>
      %min3A_235 = arith.minimumf %min3A_198, %max3A_232 : vector<1x256xf32>
      %select_n3A_236 = arith.select %lt3A_234, %select_n3A_233, %select_n3A_199 : vector<1x256xi1>, vector<1x256xf32>
      %max3A_237 = arith.maximumf %min3A_198, %max3A_232 : vector<1x256xf32>
      %select_n3A_238 = arith.select %lt3A_234, %select_n3A_199, %select_n3A_233 : vector<1x256xi1>, vector<1x256xf32>
      %lt3A_239 = arith.cmpf olt, %max3A_237, %min3A_203 : vector<1x256xf32>
      %min3A_240 = arith.minimumf %min3A_203, %max3A_237 : vector<1x256xf32>
      %select_n3A_241 = arith.select %lt3A_239, %select_n3A_238, %select_n3A_204 : vector<1x256xi1>, vector<1x256xf32>
      %max3A_242 = arith.maximumf %min3A_203, %max3A_237 : vector<1x256xf32>
      %select_n3A_243 = arith.select %lt3A_239, %select_n3A_204, %select_n3A_238 : vector<1x256xi1>, vector<1x256xf32>
      %lt3A_244 = arith.cmpf olt, %max3A_242, %min3A_208 : vector<1x256xf32>
      %min3A_245 = arith.minimumf %min3A_208, %max3A_242 : vector<1x256xf32>
      %select_n3A_246 = arith.select %lt3A_244, %select_n3A_243, %select_n3A_209 : vector<1x256xi1>, vector<1x256xf32>
      %reduce_min3A_247 = arith.constant dense<0x7F800000> : vector<256xf32>
      %reduce_min3A_248 = vector.multi_reduction <minimumf>, %select_n3A_228, %reduce_min3A_247 [0] : vector<256x256xf32> to vector<256xf32>
      %broadcast_in_dim3A_249 = vector.shape_cast %reduce_min3A_248 : vector<256xf32> to vector<1x256xf32>
      %eq3A_250 = vector.broadcast %broadcast_in_dim3A_249 : vector<1x256xf32> to vector<256x256xf32>
      %eq3A_251 = arith.cmpf oeq, %select_n3A_228, %eq3A_250 : vector<256x256xf32>
      %jit3A_252 = arith.constant 1.000000e+30 : f32
      %broadcast_in_dim3A_253 = vector.shape_cast %convert_element_type3A_162 : vector<256x1xf32> to vector<256x1xf32>
      %broadcast_in_dim3A_254 = vector.broadcast %broadcast_in_dim3A_253 : vector<256x1xf32> to vector<256x256xf32>
      %broadcast_in_dim3A_255 = vector.broadcast %jit3A_252 : f32 to vector<256x256xf32>
      %select_n3A_256 = arith.select %eq3A_251, %broadcast_in_dim3A_254, %broadcast_in_dim3A_255 : vector<256x256xi1>, vector<256x256xf32>
      %reduce_min3A_257 = arith.constant dense<0x7F800000> : vector<256xf32>
      %reduce_min3A_258 = vector.multi_reduction <minimumf>, %select_n3A_256, %reduce_min3A_257 [0] : vector<256x256xf32> to vector<256xf32>
      %broadcast_in_dim3A_259 = vector.shape_cast %reduce_min3A_258 : vector<256xf32> to vector<1x256xf32>
      %eq3A_260 = vector.broadcast %convert_element_type3A_162 : vector<256x1xf32> to vector<256x256xf32>
      %eq3A_261 = vector.broadcast %broadcast_in_dim3A_259 : vector<1x256xf32> to vector<256x256xf32>
      %eq3A_262 = arith.cmpf oeq, %eq3A_260, %eq3A_261 : vector<256x256xf32>
      %jit3A_263 = arith.constant 1.000000e+30 : f32
      %broadcast_in_dim3A_264 = vector.broadcast %jit3A_263 : f32 to vector<256x256xf32>
      %select_n3A_265 = arith.select %eq3A_262, %broadcast_in_dim3A_264, %select_n3A_228 : vector<256x256xi1>, vector<256x256xf32>
      %lt3A_266 = arith.cmpf olt, %broadcast_in_dim3A_249, %min3A_230 : vector<1x256xf32>
      %min3A_267 = arith.minimumf %min3A_230, %broadcast_in_dim3A_249 : vector<1x256xf32>
      %select_n3A_268 = arith.select %lt3A_266, %broadcast_in_dim3A_259, %select_n3A_231 : vector<1x256xi1>, vector<1x256xf32>
      %max3A_269 = arith.maximumf %min3A_230, %broadcast_in_dim3A_249 : vector<1x256xf32>
      %select_n3A_270 = arith.select %lt3A_266, %select_n3A_231, %broadcast_in_dim3A_259 : vector<1x256xi1>, vector<1x256xf32>
      %lt3A_271 = arith.cmpf olt, %max3A_269, %min3A_235 : vector<1x256xf32>
      %min3A_272 = arith.minimumf %min3A_235, %max3A_269 : vector<1x256xf32>
      %select_n3A_273 = arith.select %lt3A_271, %select_n3A_270, %select_n3A_236 : vector<1x256xi1>, vector<1x256xf32>
      %max3A_274 = arith.maximumf %min3A_235, %max3A_269 : vector<1x256xf32>
      %select_n3A_275 = arith.select %lt3A_271, %select_n3A_236, %select_n3A_270 : vector<1x256xi1>, vector<1x256xf32>
      %lt3A_276 = arith.cmpf olt, %max3A_274, %min3A_240 : vector<1x256xf32>
      %min3A_277 = arith.minimumf %min3A_240, %max3A_274 : vector<1x256xf32>
      %select_n3A_278 = arith.select %lt3A_276, %select_n3A_275, %select_n3A_241 : vector<1x256xi1>, vector<1x256xf32>
      %max3A_279 = arith.maximumf %min3A_240, %max3A_274 : vector<1x256xf32>
      %select_n3A_280 = arith.select %lt3A_276, %select_n3A_241, %select_n3A_275 : vector<1x256xi1>, vector<1x256xf32>
      %lt3A_281 = arith.cmpf olt, %max3A_279, %min3A_245 : vector<1x256xf32>
      %min3A_282 = arith.minimumf %min3A_245, %max3A_279 : vector<1x256xf32>
      %select_n3A_283 = arith.select %lt3A_281, %select_n3A_280, %select_n3A_246 : vector<1x256xi1>, vector<1x256xf32>
      %reduce_min3A_284 = arith.constant dense<0x7F800000> : vector<256xf32>
      %reduce_min3A_285 = vector.multi_reduction <minimumf>, %select_n3A_265, %reduce_min3A_284 [0] : vector<256x256xf32> to vector<256xf32>
      %broadcast_in_dim3A_286 = vector.shape_cast %reduce_min3A_285 : vector<256xf32> to vector<1x256xf32>
      %eq3A_287 = vector.broadcast %broadcast_in_dim3A_286 : vector<1x256xf32> to vector<256x256xf32>
      %eq3A_288 = arith.cmpf oeq, %select_n3A_265, %eq3A_287 : vector<256x256xf32>
      %jit3A_289 = arith.constant 1.000000e+30 : f32
      %broadcast_in_dim3A_290 = vector.shape_cast %convert_element_type3A_162 : vector<256x1xf32> to vector<256x1xf32>
      %broadcast_in_dim3A_291 = vector.broadcast %broadcast_in_dim3A_290 : vector<256x1xf32> to vector<256x256xf32>
      %broadcast_in_dim3A_292 = vector.broadcast %jit3A_289 : f32 to vector<256x256xf32>
      %select_n3A_293 = arith.select %eq3A_288, %broadcast_in_dim3A_291, %broadcast_in_dim3A_292 : vector<256x256xi1>, vector<256x256xf32>
      %reduce_min3A_294 = arith.constant dense<0x7F800000> : vector<256xf32>
      %reduce_min3A_295 = vector.multi_reduction <minimumf>, %select_n3A_293, %reduce_min3A_294 [0] : vector<256x256xf32> to vector<256xf32>
      %broadcast_in_dim3A_296 = vector.shape_cast %reduce_min3A_295 : vector<256xf32> to vector<1x256xf32>
      %lt3A_297 = arith.cmpf olt, %broadcast_in_dim3A_286, %min3A_267 : vector<1x256xf32>
      %min3A_298 = arith.minimumf %min3A_267, %broadcast_in_dim3A_286 : vector<1x256xf32>
      %select_n3A_299 = arith.select %lt3A_297, %broadcast_in_dim3A_296, %select_n3A_268 : vector<1x256xi1>, vector<1x256xf32>
      %max3A_300 = arith.maximumf %min3A_267, %broadcast_in_dim3A_286 : vector<1x256xf32>
      %select_n3A_301 = arith.select %lt3A_297, %select_n3A_268, %broadcast_in_dim3A_296 : vector<1x256xi1>, vector<1x256xf32>
      %lt3A_302 = arith.cmpf olt, %max3A_300, %min3A_272 : vector<1x256xf32>
      %min3A_303 = arith.minimumf %min3A_272, %max3A_300 : vector<1x256xf32>
      %select_n3A_304 = arith.select %lt3A_302, %select_n3A_301, %select_n3A_273 : vector<1x256xi1>, vector<1x256xf32>
      %max3A_305 = arith.maximumf %min3A_272, %max3A_300 : vector<1x256xf32>
      %select_n3A_306 = arith.select %lt3A_302, %select_n3A_273, %select_n3A_301 : vector<1x256xi1>, vector<1x256xf32>
      %lt3A_307 = arith.cmpf olt, %max3A_305, %min3A_277 : vector<1x256xf32>
      %min3A_308 = arith.minimumf %min3A_277, %max3A_305 : vector<1x256xf32>
      %select_n3A_309 = arith.select %lt3A_307, %select_n3A_306, %select_n3A_278 : vector<1x256xi1>, vector<1x256xf32>
      %max3A_310 = arith.maximumf %min3A_277, %max3A_305 : vector<1x256xf32>
      %select_n3A_311 = arith.select %lt3A_307, %select_n3A_278, %select_n3A_306 : vector<1x256xi1>, vector<1x256xf32>
      %lt3A_312 = arith.cmpf olt, %max3A_310, %min3A_282 : vector<1x256xf32>
      %min3A_313 = arith.minimumf %min3A_282, %max3A_310 : vector<1x256xf32>
      %select_n3A_314 = arith.select %lt3A_312, %select_n3A_311, %select_n3A_283 : vector<1x256xi1>, vector<1x256xf32>
      scf.yield %min3A_298, %select_n3A_299, %min3A_303, %select_n3A_304, %min3A_308, %select_n3A_309, %min3A_313, %select_n3A_314 : vector<1x256xf32>, vector<1x256xf32>, vector<1x256xf32>, vector<1x256xf32>, vector<1x256xf32>, vector<1x256xf32>, vector<1x256xf32>, vector<1x256xf32>
    }
    %convert_element_type3A_103 = arith.fptosi %while3A_102#1 : vector<1x256xf32> to vector<1x256xi32>
    %min3A = arith.constant 9999 : i32
    %min3A_104 = vector.broadcast %min3A : i32 to vector<1x256xi32>
    %min3A_105 = arith.minsi %convert_element_type3A_103, %min3A_104 : vector<1x256xi32>
    %swap3A = arith.constant 0 : index
    %swap3A_106 = arith.constant 0 : index
    %swap3A_107 = vector.load %arg6[%swap3A, %swap3A_106] : memref<4x256xi32, #tpu.memory_space<vmem>>, vector<1x256xi32>
    tpu.vector_store %arg6[%swap3A, %swap3A_106], %min3A_105 {strides = array<i32>} : memref<4x256xi32, #tpu.memory_space<vmem>>, vector<1x256xi32>,
    %convert_element_type3A_108 = arith.fptosi %while3A_102#3 : vector<1x256xf32> to vector<1x256xi32>
    %min3A_109 = arith.constant 9999 : i32
    %min3A_110 = vector.broadcast %min3A_109 : i32 to vector<1x256xi32>
    %min3A_111 = arith.minsi %convert_element_type3A_108, %min3A_110 : vector<1x256xi32>
    %swap3A_112 = arith.constant 1 : index
    %swap3A_113 = arith.constant 0 : index
    %swap3A_114 = vector.load %arg6[%swap3A_112, %swap3A_113] : memref<4x256xi32, #tpu.memory_space<vmem>>, vector<1x256xi32>
    tpu.vector_store %arg6[%swap3A_112, %swap3A_113], %min3A_111 {strides = array<i32>} : memref<4x256xi32, #tpu.memory_space<vmem>>, vector<1x256xi32>,
    %convert_element_type3A_115 = arith.fptosi %while3A_102#5 : vector<1x256xf32> to vector<1x256xi32>
    %min3A_116 = arith.constant 9999 : i32
    %min3A_117 = vector.broadcast %min3A_116 : i32 to vector<1x256xi32>
    %min3A_118 = arith.minsi %convert_element_type3A_115, %min3A_117 : vector<1x256xi32>
    %swap3A_119 = arith.constant 2 : index
    %swap3A_120 = arith.constant 0 : index
    %swap3A_121 = vector.load %arg6[%swap3A_119, %swap3A_120] : memref<4x256xi32, #tpu.memory_space<vmem>>, vector<1x256xi32>
    tpu.vector_store %arg6[%swap3A_119, %swap3A_120], %min3A_118 {strides = array<i32>} : memref<4x256xi32, #tpu.memory_space<vmem>>, vector<1x256xi32>,
    %convert_element_type3A_122 = arith.fptosi %while3A_102#7 : vector<1x256xf32> to vector<1x256xi32>
    %min3A_123 = arith.constant 9999 : i32
    %min3A_124 = vector.broadcast %min3A_123 : i32 to vector<1x256xi32>
    %min3A_125 = arith.minsi %convert_element_type3A_122, %min3A_124 : vector<1x256xi32>
    %swap3A_126 = arith.constant 3 : index
    %swap3A_127 = arith.constant 0 : index
    %swap3A_128 = vector.load %arg6[%swap3A_126, %swap3A_127] : memref<4x256xi32, #tpu.memory_space<vmem>>, vector<1x256xi32>
    tpu.vector_store %arg6[%swap3A_126, %swap3A_127], %min3A_125 {strides = array<i32>} : memref<4x256xi32, #tpu.memory_space<vmem>>, vector<1x256xi32>,
    return
  }
  func.func @transform_0(%arg0: i32) -> (i32, i32) {
    %c0_i32 = arith.constant 0 : i32
    %c0_i32_0 = arith.constant 0 : i32
    %c0_i32_1 = arith.constant 0 : i32
    return %c0_i32, %c0_i32_0 : i32, i32
  }
  func.func @transform_1(%arg0: i32) -> (i32, i32) {
    %c0_i32 = arith.constant 0 : i32
    %c0_i32_0 = arith.constant 0 : i32
    return %c0_i32, %arg0 : i32, i32
  }
  func.func @transform_2(%arg0: i32) -> (i32, i32) {
    %c0_i32 = arith.constant 0 : i32
    %c0_i32_0 = arith.constant 0 : i32
    return %c0_i32, %arg0 : i32, i32
  }
  func.func @transform_3(%arg0: i32) -> (i32, i32) {
    %c0_i32 = arith.constant 0 : i32
    %c0_i32_0 = arith.constant 0 : i32
    %c0_i32_1 = arith.constant 0 : i32
    return %c0_i32, %c0_i32_0 : i32, i32
  }
  func.func @transform_4(%arg0: i32) -> (i32, i32) {
    %c0_i32 = arith.constant 0 : i32
    %c0_i32_0 = arith.constant 0 : i32
    %c0_i32_1 = arith.constant 0 : i32
    return %c0_i32, %c0_i32_0 : i32, i32
  }
  func.func @transform_5(%arg0: i32) -> (i32, i32) {
    %c0_i32 = arith.constant 0 : i32
    %c0_i32_0 = arith.constant 0 : i32
    return %c0_i32, %arg0 : i32, i32
  }
}

module attributes {stable_mosaic.version = 14 : i64} {
  func.func @_uv_body(%arg0: i32, %arg1: memref<2048x3xf32, #tpu.memory_space<vmem>>, %arg2: memref<3x16xf32, #tpu.memory_space<vmem>>, %arg3: memref<3x16xf32, #tpu.memory_space<vmem>>, %arg4: memref<1x16xf32, #tpu.memory_space<vmem>>, %arg5: memref<2048x16xf32, #tpu.memory_space<vmem>>, %arg6: memref<2048x16xf32, #tpu.memory_space<vmem>>) attributes {dimension_semantics = [#tpu.dimension_semantics<arbitrary>], iteration_bounds = array<i64: 5>, scalar_prefetch = 0 : i64, scratch_operands = 0 : i64, tpu.core_type = #tpu.core_type<tc>, window_params = [{transform_indices = @transform_0, window_bounds = array<i64: 2048, 3>}, {pipeline_mode = #tpu.pipeline_mode<synchronous>, transform_indices = @transform_1, window_bounds = array<i64: 3, 16>}, {pipeline_mode = #tpu.pipeline_mode<synchronous>, transform_indices = @transform_2, window_bounds = array<i64: 3, 16>}, {pipeline_mode = #tpu.pipeline_mode<synchronous>, transform_indices = @transform_3, window_bounds = array<i64: 1, 16>}, {transform_indices = @transform_4, window_bounds = array<i64: 2048, 16>}, {transform_indices = @transform_5, window_bounds = array<i64: 2048, 16>}]} {
    %get3A = arith.constant 0 : index
    %get3A_0 = arith.constant 0 : index
    %get3A_1 = vector.load %arg1[%get3A, %get3A_0] : memref<2048x3xf32, #tpu.memory_space<vmem>>, vector<2048x3xf32>
    %get3A_2 = arith.constant 0 : index
    %get3A_3 = arith.constant 0 : index
    %get3A_4 = vector.load %arg2[%get3A_2, %get3A_3] : memref<3x16xf32, #tpu.memory_space<vmem>>, vector<3x16xf32>
    %dot_general3A = arith.constant dense<0.000000e+00> : vector<2048x16xf32>
    %dot_general3A_5 = tpu.matmul %get3A_1, %get3A_4, %dot_general3A {dimension_numbers = #tpu.dot_dimension_numbers<[1], [0], [0], [1], [0, 0, 1, 1], [], []>, transpose_lhs_hint = false} : vector<2048x3xf32>, vector<3x16xf32>, vector<2048x16xf32> -> vector<2048x16xf32>
    %get3A_6 = arith.constant 0 : index
    %get3A_7 = arith.constant 0 : index
    %get3A_8 = vector.load %arg4[%get3A_6, %get3A_7] : memref<1x16xf32, #tpu.memory_space<vmem>>, vector<1x16xf32>
    %add3A = vector.broadcast %get3A_8 : vector<1x16xf32> to vector<2048x16xf32>
    %add3A_9 = arith.addf %dot_general3A_5, %add3A : vector<2048x16xf32>
    %swap3A = arith.constant 0 : index
    %swap3A_10 = arith.constant 0 : index
    %swap3A_11 = vector.load %arg5[%swap3A, %swap3A_10] : memref<2048x16xf32, #tpu.memory_space<vmem>>, vector<2048x16xf32>
    tpu.vector_store %arg5[%swap3A, %swap3A_10], %add3A_9 {strides = array<i32>} : memref<2048x16xf32, #tpu.memory_space<vmem>>, vector<2048x16xf32>,
    %get3A_12 = arith.constant 0 : index
    %get3A_13 = arith.constant 0 : index
    %get3A_14 = vector.load %arg3[%get3A_12, %get3A_13] : memref<3x16xf32, #tpu.memory_space<vmem>>, vector<3x16xf32>
    %dot_general3A_15 = arith.constant dense<0.000000e+00> : vector<2048x16xf32>
    %dot_general3A_16 = tpu.matmul %get3A_1, %get3A_14, %dot_general3A_15 {dimension_numbers = #tpu.dot_dimension_numbers<[1], [0], [0], [1], [0, 0, 1, 1], [], []>, transpose_lhs_hint = false} : vector<2048x3xf32>, vector<3x16xf32>, vector<2048x16xf32> -> vector<2048x16xf32>
    %swap3A_17 = arith.constant 0 : index
    %swap3A_18 = arith.constant 0 : index
    %swap3A_19 = vector.load %arg6[%swap3A_17, %swap3A_18] : memref<2048x16xf32, #tpu.memory_space<vmem>>, vector<2048x16xf32>
    tpu.vector_store %arg6[%swap3A_17, %swap3A_18], %dot_general3A_16 {strides = array<i32>} : memref<2048x16xf32, #tpu.memory_space<vmem>>, vector<2048x16xf32>,
    return
  }
  func.func @transform_0(%arg0: i32) -> (i32, i32) {
    %c0_i32 = arith.constant 0 : i32
    %c0_i32_0 = arith.constant 0 : i32
    return %arg0, %c0_i32 : i32, i32
  }
  func.func @transform_1(%arg0: i32) -> (i32, i32) {
    %c0_i32 = arith.constant 0 : i32
    %c0_i32_0 = arith.constant 0 : i32
    %c0_i32_1 = arith.constant 0 : i32
    return %c0_i32, %c0_i32_0 : i32, i32
  }
  func.func @transform_2(%arg0: i32) -> (i32, i32) {
    %c0_i32 = arith.constant 0 : i32
    %c0_i32_0 = arith.constant 0 : i32
    %c0_i32_1 = arith.constant 0 : i32
    return %c0_i32, %c0_i32_0 : i32, i32
  }
  func.func @transform_3(%arg0: i32) -> (i32, i32) {
    %c0_i32 = arith.constant 0 : i32
    %c0_i32_0 = arith.constant 0 : i32
    %c0_i32_1 = arith.constant 0 : i32
    return %c0_i32, %c0_i32_0 : i32, i32
  }
  func.func @transform_4(%arg0: i32) -> (i32, i32) {
    %c0_i32 = arith.constant 0 : i32
    %c0_i32_0 = arith.constant 0 : i32
    return %arg0, %c0_i32 : i32, i32
  }
  func.func @transform_5(%arg0: i32) -> (i32, i32) {
    %c0_i32 = arith.constant 0 : i32
    %c0_i32_0 = arith.constant 0 : i32
    return %arg0, %c0_i32 : i32, i32
  }
}

module attributes {stable_mosaic.version = 14 : i64} {
  func.func @_edge_body(%arg0: i32, %arg1: memref<2048x16xf32, #tpu.memory_space<vmem>>, %arg2: memref<2048x64xf32, #tpu.memory_space<vmem>>, %arg3: memref<16x16xf32, #tpu.memory_space<vmem>>, %arg4: memref<1x16xf32, #tpu.memory_space<vmem>>, %arg5: memref<2048x16xf32, #tpu.memory_space<vmem>>) attributes {dimension_semantics = [#tpu.dimension_semantics<arbitrary>], iteration_bounds = array<i64: 5>, scalar_prefetch = 0 : i64, scratch_operands = 0 : i64, tpu.core_type = #tpu.core_type<tc>, window_params = [{transform_indices = @transform_0, window_bounds = array<i64: 2048, 16>}, {transform_indices = @transform_1, window_bounds = array<i64: 2048, 64>}, {pipeline_mode = #tpu.pipeline_mode<synchronous>, transform_indices = @transform_2, window_bounds = array<i64: 16, 16>}, {pipeline_mode = #tpu.pipeline_mode<synchronous>, transform_indices = @transform_3, window_bounds = array<i64: 1, 16>}, {transform_indices = @transform_4, window_bounds = array<i64: 2048, 16>}]} {
    %get3A = arith.constant 0 : index
    %get3A_0 = arith.constant 0 : index
    %get3A_1 = vector.load %arg1[%get3A, %get3A_0] : memref<2048x16xf32, #tpu.memory_space<vmem>>, vector<2048x16xf32>
    %get3A_2 = arith.constant 0 : index
    %get3A_3 = arith.constant 0 : index
    %get3A_4 = vector.load %arg3[%get3A_2, %get3A_3] : memref<16x16xf32, #tpu.memory_space<vmem>>, vector<16x16xf32>
    %get3A_5 = arith.constant 0 : index
    %get3A_6 = arith.constant 0 : index
    %get3A_7 = vector.load %arg4[%get3A_5, %get3A_6] : memref<1x16xf32, #tpu.memory_space<vmem>>, vector<1x16xf32>
    %broadcast_in_dim3A = arith.constant 0.000000e+00 : f32
    %broadcast_in_dim3A_8 = vector.broadcast %broadcast_in_dim3A : f32 to vector<2048x16xf32>
    %get3A_9 = arith.constant 0 : index
    %get3A_10 = arith.constant 0 : index
    %get3A_11 = vector.load %arg2[%get3A_9, %get3A_10] : memref<2048x64xf32, #tpu.memory_space<vmem>>, vector<2048x16xf32>
    %add3A = arith.addf %get3A_1, %get3A_11 : vector<2048x16xf32>
    %jit3A = arith.constant 0.00999999977 : f32
    %ge3A = arith.constant 0.000000e+00 : f32
    %ge3A_12 = vector.broadcast %ge3A : f32 to vector<2048x16xf32>
    %ge3A_13 = arith.cmpf oge, %add3A, %ge3A_12 : vector<2048x16xf32>
    %mul3A = vector.broadcast %jit3A : f32 to vector<2048x16xf32>
    %mul3A_14 = arith.mulf %mul3A, %add3A : vector<2048x16xf32>
    %select_n3A = arith.select %ge3A_13, %add3A, %mul3A_14 : vector<2048x16xi1>, vector<2048x16xf32>
    %dot_general3A = arith.constant dense<0.000000e+00> : vector<2048x16xf32>
    %dot_general3A_15 = tpu.matmul %select_n3A, %get3A_4, %dot_general3A {dimension_numbers = #tpu.dot_dimension_numbers<[1], [0], [0], [1], [0, 0, 1, 1], [], []>, transpose_lhs_hint = false} : vector<2048x16xf32>, vector<16x16xf32>, vector<2048x16xf32> -> vector<2048x16xf32>
    %add3A_16 = vector.broadcast %get3A_7 : vector<1x16xf32> to vector<2048x16xf32>
    %add3A_17 = arith.addf %dot_general3A_15, %add3A_16 : vector<2048x16xf32>
    %jit3A_18 = arith.constant 0.00999999977 : f32
    %ge3A_19 = arith.constant 0.000000e+00 : f32
    %ge3A_20 = vector.broadcast %ge3A_19 : f32 to vector<2048x16xf32>
    %ge3A_21 = arith.cmpf oge, %add3A_17, %ge3A_20 : vector<2048x16xf32>
    %mul3A_22 = vector.broadcast %jit3A_18 : f32 to vector<2048x16xf32>
    %mul3A_23 = arith.mulf %mul3A_22, %add3A_17 : vector<2048x16xf32>
    %select_n3A_24 = arith.select %ge3A_21, %add3A_17, %mul3A_23 : vector<2048x16xi1>, vector<2048x16xf32>
    %add3A_25 = arith.addf %broadcast_in_dim3A_8, %select_n3A_24 : vector<2048x16xf32>
    %get3A_26 = arith.constant 0 : index
    %get3A_27 = arith.constant 16 : index
    %get3A_28 = vector.load %arg2[%get3A_26, %get3A_27] : memref<2048x64xf32, #tpu.memory_space<vmem>>, vector<2048x16xf32>
    %add3A_29 = arith.addf %get3A_1, %get3A_28 : vector<2048x16xf32>
    %jit3A_30 = arith.constant 0.00999999977 : f32
    %ge3A_31 = arith.constant 0.000000e+00 : f32
    %ge3A_32 = vector.broadcast %ge3A_31 : f32 to vector<2048x16xf32>
    %ge3A_33 = arith.cmpf oge, %add3A_29, %ge3A_32 : vector<2048x16xf32>
    %mul3A_34 = vector.broadcast %jit3A_30 : f32 to vector<2048x16xf32>
    %mul3A_35 = arith.mulf %mul3A_34, %add3A_29 : vector<2048x16xf32>
    %select_n3A_36 = arith.select %ge3A_33, %add3A_29, %mul3A_35 : vector<2048x16xi1>, vector<2048x16xf32>
    %dot_general3A_37 = arith.constant dense<0.000000e+00> : vector<2048x16xf32>
    %dot_general3A_38 = tpu.matmul %select_n3A_36, %get3A_4, %dot_general3A_37 {dimension_numbers = #tpu.dot_dimension_numbers<[1], [0], [0], [1], [0, 0, 1, 1], [], []>, transpose_lhs_hint = false} : vector<2048x16xf32>, vector<16x16xf32>, vector<2048x16xf32> -> vector<2048x16xf32>
    %add3A_39 = vector.broadcast %get3A_7 : vector<1x16xf32> to vector<2048x16xf32>
    %add3A_40 = arith.addf %dot_general3A_38, %add3A_39 : vector<2048x16xf32>
    %jit3A_41 = arith.constant 0.00999999977 : f32
    %ge3A_42 = arith.constant 0.000000e+00 : f32
    %ge3A_43 = vector.broadcast %ge3A_42 : f32 to vector<2048x16xf32>
    %ge3A_44 = arith.cmpf oge, %add3A_40, %ge3A_43 : vector<2048x16xf32>
    %mul3A_45 = vector.broadcast %jit3A_41 : f32 to vector<2048x16xf32>
    %mul3A_46 = arith.mulf %mul3A_45, %add3A_40 : vector<2048x16xf32>
    %select_n3A_47 = arith.select %ge3A_44, %add3A_40, %mul3A_46 : vector<2048x16xi1>, vector<2048x16xf32>
    %add3A_48 = arith.addf %add3A_25, %select_n3A_47 : vector<2048x16xf32>
    %get3A_49 = arith.constant 0 : index
    %get3A_50 = arith.constant 32 : index
    %get3A_51 = vector.load %arg2[%get3A_49, %get3A_50] : memref<2048x64xf32, #tpu.memory_space<vmem>>, vector<2048x16xf32>
    %add3A_52 = arith.addf %get3A_1, %get3A_51 : vector<2048x16xf32>
    %jit3A_53 = arith.constant 0.00999999977 : f32
    %ge3A_54 = arith.constant 0.000000e+00 : f32
    %ge3A_55 = vector.broadcast %ge3A_54 : f32 to vector<2048x16xf32>
    %ge3A_56 = arith.cmpf oge, %add3A_52, %ge3A_55 : vector<2048x16xf32>
    %mul3A_57 = vector.broadcast %jit3A_53 : f32 to vector<2048x16xf32>
    %mul3A_58 = arith.mulf %mul3A_57, %add3A_52 : vector<2048x16xf32>
    %select_n3A_59 = arith.select %ge3A_56, %add3A_52, %mul3A_58 : vector<2048x16xi1>, vector<2048x16xf32>
    %dot_general3A_60 = arith.constant dense<0.000000e+00> : vector<2048x16xf32>
    %dot_general3A_61 = tpu.matmul %select_n3A_59, %get3A_4, %dot_general3A_60 {dimension_numbers = #tpu.dot_dimension_numbers<[1], [0], [0], [1], [0, 0, 1, 1], [], []>, transpose_lhs_hint = false} : vector<2048x16xf32>, vector<16x16xf32>, vector<2048x16xf32> -> vector<2048x16xf32>
    %add3A_62 = vector.broadcast %get3A_7 : vector<1x16xf32> to vector<2048x16xf32>
    %add3A_63 = arith.addf %dot_general3A_61, %add3A_62 : vector<2048x16xf32>
    %jit3A_64 = arith.constant 0.00999999977 : f32
    %ge3A_65 = arith.constant 0.000000e+00 : f32
    %ge3A_66 = vector.broadcast %ge3A_65 : f32 to vector<2048x16xf32>
    %ge3A_67 = arith.cmpf oge, %add3A_63, %ge3A_66 : vector<2048x16xf32>
    %mul3A_68 = vector.broadcast %jit3A_64 : f32 to vector<2048x16xf32>
    %mul3A_69 = arith.mulf %mul3A_68, %add3A_63 : vector<2048x16xf32>
    %select_n3A_70 = arith.select %ge3A_67, %add3A_63, %mul3A_69 : vector<2048x16xi1>, vector<2048x16xf32>
    %add3A_71 = arith.addf %add3A_48, %select_n3A_70 : vector<2048x16xf32>
    %get3A_72 = arith.constant 0 : index
    %get3A_73 = arith.constant 48 : index
    %get3A_74 = vector.load %arg2[%get3A_72, %get3A_73] : memref<2048x64xf32, #tpu.memory_space<vmem>>, vector<2048x16xf32>
    %add3A_75 = arith.addf %get3A_1, %get3A_74 : vector<2048x16xf32>
    %jit3A_76 = arith.constant 0.00999999977 : f32
    %ge3A_77 = arith.constant 0.000000e+00 : f32
    %ge3A_78 = vector.broadcast %ge3A_77 : f32 to vector<2048x16xf32>
    %ge3A_79 = arith.cmpf oge, %add3A_75, %ge3A_78 : vector<2048x16xf32>
    %mul3A_80 = vector.broadcast %jit3A_76 : f32 to vector<2048x16xf32>
    %mul3A_81 = arith.mulf %mul3A_80, %add3A_75 : vector<2048x16xf32>
    %select_n3A_82 = arith.select %ge3A_79, %add3A_75, %mul3A_81 : vector<2048x16xi1>, vector<2048x16xf32>
    %dot_general3A_83 = arith.constant dense<0.000000e+00> : vector<2048x16xf32>
    %dot_general3A_84 = tpu.matmul %select_n3A_82, %get3A_4, %dot_general3A_83 {dimension_numbers = #tpu.dot_dimension_numbers<[1], [0], [0], [1], [0, 0, 1, 1], [], []>, transpose_lhs_hint = false} : vector<2048x16xf32>, vector<16x16xf32>, vector<2048x16xf32> -> vector<2048x16xf32>
    %add3A_85 = vector.broadcast %get3A_7 : vector<1x16xf32> to vector<2048x16xf32>
    %add3A_86 = arith.addf %dot_general3A_84, %add3A_85 : vector<2048x16xf32>
    %jit3A_87 = arith.constant 0.00999999977 : f32
    %ge3A_88 = arith.constant 0.000000e+00 : f32
    %ge3A_89 = vector.broadcast %ge3A_88 : f32 to vector<2048x16xf32>
    %ge3A_90 = arith.cmpf oge, %add3A_86, %ge3A_89 : vector<2048x16xf32>
    %mul3A_91 = vector.broadcast %jit3A_87 : f32 to vector<2048x16xf32>
    %mul3A_92 = arith.mulf %mul3A_91, %add3A_86 : vector<2048x16xf32>
    %select_n3A_93 = arith.select %ge3A_90, %add3A_86, %mul3A_92 : vector<2048x16xi1>, vector<2048x16xf32>
    %add3A_94 = arith.addf %add3A_71, %select_n3A_93 : vector<2048x16xf32>
    %swap3A = arith.constant 0 : index
    %swap3A_95 = arith.constant 0 : index
    %swap3A_96 = vector.load %arg5[%swap3A, %swap3A_95] : memref<2048x16xf32, #tpu.memory_space<vmem>>, vector<2048x16xf32>
    tpu.vector_store %arg5[%swap3A, %swap3A_95], %add3A_94 {strides = array<i32>} : memref<2048x16xf32, #tpu.memory_space<vmem>>, vector<2048x16xf32>,
    return
  }
  func.func @transform_0(%arg0: i32) -> (i32, i32) {
    %c0_i32 = arith.constant 0 : i32
    %c0_i32_0 = arith.constant 0 : i32
    return %arg0, %c0_i32 : i32, i32
  }
  func.func @transform_1(%arg0: i32) -> (i32, i32) {
    %c0_i32 = arith.constant 0 : i32
    %c0_i32_0 = arith.constant 0 : i32
    return %arg0, %c0_i32 : i32, i32
  }
  func.func @transform_2(%arg0: i32) -> (i32, i32) {
    %c0_i32 = arith.constant 0 : i32
    %c0_i32_0 = arith.constant 0 : i32
    %c0_i32_1 = arith.constant 0 : i32
    return %c0_i32, %c0_i32_0 : i32, i32
  }
  func.func @transform_3(%arg0: i32) -> (i32, i32) {
    %c0_i32 = arith.constant 0 : i32
    %c0_i32_0 = arith.constant 0 : i32
    %c0_i32_1 = arith.constant 0 : i32
    return %c0_i32, %c0_i32_0 : i32, i32
  }
  func.func @transform_4(%arg0: i32) -> (i32, i32) {
    %c0_i32 = arith.constant 0 : i32
    %c0_i32_0 = arith.constant 0 : i32
    return %arg0, %c0_i32 : i32, i32
  }
}

module attributes {stable_mosaic.version = 14 : i64} {
  func.func @_uv_body(%arg0: i32, %arg1: memref<2048x16xf32, #tpu.memory_space<vmem>>, %arg2: memref<16x16xf32, #tpu.memory_space<vmem>>, %arg3: memref<16x16xf32, #tpu.memory_space<vmem>>, %arg4: memref<1x16xf32, #tpu.memory_space<vmem>>, %arg5: memref<2048x16xf32, #tpu.memory_space<vmem>>, %arg6: memref<2048x16xf32, #tpu.memory_space<vmem>>) attributes {dimension_semantics = [#tpu.dimension_semantics<arbitrary>], iteration_bounds = array<i64: 5>, scalar_prefetch = 0 : i64, scratch_operands = 0 : i64, tpu.core_type = #tpu.core_type<tc>, window_params = [{transform_indices = @transform_0, window_bounds = array<i64: 2048, 16>}, {pipeline_mode = #tpu.pipeline_mode<synchronous>, transform_indices = @transform_1, window_bounds = array<i64: 16, 16>}, {pipeline_mode = #tpu.pipeline_mode<synchronous>, transform_indices = @transform_2, window_bounds = array<i64: 16, 16>}, {pipeline_mode = #tpu.pipeline_mode<synchronous>, transform_indices = @transform_3, window_bounds = array<i64: 1, 16>}, {transform_indices = @transform_4, window_bounds = array<i64: 2048, 16>}, {transform_indices = @transform_5, window_bounds = array<i64: 2048, 16>}]} {
    %get3A = arith.constant 0 : index
    %get3A_0 = arith.constant 0 : index
    %get3A_1 = vector.load %arg1[%get3A, %get3A_0] : memref<2048x16xf32, #tpu.memory_space<vmem>>, vector<2048x16xf32>
    %get3A_2 = arith.constant 0 : index
    %get3A_3 = arith.constant 0 : index
    %get3A_4 = vector.load %arg2[%get3A_2, %get3A_3] : memref<16x16xf32, #tpu.memory_space<vmem>>, vector<16x16xf32>
    %dot_general3A = arith.constant dense<0.000000e+00> : vector<2048x16xf32>
    %dot_general3A_5 = tpu.matmul %get3A_1, %get3A_4, %dot_general3A {dimension_numbers = #tpu.dot_dimension_numbers<[1], [0], [0], [1], [0, 0, 1, 1], [], []>, transpose_lhs_hint = false} : vector<2048x16xf32>, vector<16x16xf32>, vector<2048x16xf32> -> vector<2048x16xf32>
    %get3A_6 = arith.constant 0 : index
    %get3A_7 = arith.constant 0 : index
    %get3A_8 = vector.load %arg4[%get3A_6, %get3A_7] : memref<1x16xf32, #tpu.memory_space<vmem>>, vector<1x16xf32>
    %add3A = vector.broadcast %get3A_8 : vector<1x16xf32> to vector<2048x16xf32>
    %add3A_9 = arith.addf %dot_general3A_5, %add3A : vector<2048x16xf32>
    %swap3A = arith.constant 0 : index
    %swap3A_10 = arith.constant 0 : index
    %swap3A_11 = vector.load %arg5[%swap3A, %swap3A_10] : memref<2048x16xf32, #tpu.memory_space<vmem>>, vector<2048x16xf32>
    tpu.vector_store %arg5[%swap3A, %swap3A_10], %add3A_9 {strides = array<i32>} : memref<2048x16xf32, #tpu.memory_space<vmem>>, vector<2048x16xf32>,
    %get3A_12 = arith.constant 0 : index
    %get3A_13 = arith.constant 0 : index
    %get3A_14 = vector.load %arg3[%get3A_12, %get3A_13] : memref<16x16xf32, #tpu.memory_space<vmem>>, vector<16x16xf32>
    %dot_general3A_15 = arith.constant dense<0.000000e+00> : vector<2048x16xf32>
    %dot_general3A_16 = tpu.matmul %get3A_1, %get3A_14, %dot_general3A_15 {dimension_numbers = #tpu.dot_dimension_numbers<[1], [0], [0], [1], [0, 0, 1, 1], [], []>, transpose_lhs_hint = false} : vector<2048x16xf32>, vector<16x16xf32>, vector<2048x16xf32> -> vector<2048x16xf32>
    %swap3A_17 = arith.constant 0 : index
    %swap3A_18 = arith.constant 0 : index
    %swap3A_19 = vector.load %arg6[%swap3A_17, %swap3A_18] : memref<2048x16xf32, #tpu.memory_space<vmem>>, vector<2048x16xf32>
    tpu.vector_store %arg6[%swap3A_17, %swap3A_18], %dot_general3A_16 {strides = array<i32>} : memref<2048x16xf32, #tpu.memory_space<vmem>>, vector<2048x16xf32>,
    return
  }
  func.func @transform_0(%arg0: i32) -> (i32, i32) {
    %c0_i32 = arith.constant 0 : i32
    %c0_i32_0 = arith.constant 0 : i32
    return %arg0, %c0_i32 : i32, i32
  }
  func.func @transform_1(%arg0: i32) -> (i32, i32) {
    %c0_i32 = arith.constant 0 : i32
    %c0_i32_0 = arith.constant 0 : i32
    %c0_i32_1 = arith.constant 0 : i32
    return %c0_i32, %c0_i32_0 : i32, i32
  }
  func.func @transform_2(%arg0: i32) -> (i32, i32) {
    %c0_i32 = arith.constant 0 : i32
    %c0_i32_0 = arith.constant 0 : i32
    %c0_i32_1 = arith.constant 0 : i32
    return %c0_i32, %c0_i32_0 : i32, i32
  }
  func.func @transform_3(%arg0: i32) -> (i32, i32) {
    %c0_i32 = arith.constant 0 : i32
    %c0_i32_0 = arith.constant 0 : i32
    %c0_i32_1 = arith.constant 0 : i32
    return %c0_i32, %c0_i32_0 : i32, i32
  }
  func.func @transform_4(%arg0: i32) -> (i32, i32) {
    %c0_i32 = arith.constant 0 : i32
    %c0_i32_0 = arith.constant 0 : i32
    return %arg0, %c0_i32 : i32, i32
  }
  func.func @transform_5(%arg0: i32) -> (i32, i32) {
    %c0_i32 = arith.constant 0 : i32
    %c0_i32_0 = arith.constant 0 : i32
    return %arg0, %c0_i32 : i32, i32
  }
}

module attributes {stable_mosaic.version = 14 : i64} {
  func.func @_final_body(%arg0: i32, %arg1: memref<3x2048xf32, #tpu.memory_space<vmem>>, %arg2: memref<16x2048xf32, #tpu.memory_space<vmem>>, %arg3: memref<16x2048xf32, #tpu.memory_space<vmem>>, %arg4: memref<1x2048xi32, #tpu.memory_space<vmem>>, %arg5: memref<16x3xf32, #tpu.memory_space<vmem>>, %arg6: memref<16x16xf32, #tpu.memory_space<vmem>>, %arg7: memref<16x16xf32, #tpu.memory_space<vmem>>, %arg8: memref<16x1xf32, #tpu.memory_space<vmem>>, %arg9: memref<16x16xf32, #tpu.memory_space<vmem>>, %arg10: memref<16x1xf32, #tpu.memory_space<vmem>>, %arg11: memref<128x16xf32, #tpu.memory_space<vmem>>, %arg12: memref<128x16xf32, #tpu.memory_space<vmem>>, %arg13: memref<128x16xf32, #tpu.memory_space<vmem>>, %arg14: memref<128x1xf32, #tpu.memory_space<vmem>>, %arg15: memref<10x128xf32, #tpu.memory_space<vmem>>, %arg16: memref<10x1xf32, #tpu.memory_space<vmem>>, %arg17: memref<10x16xf32, #tpu.memory_space<vmem>>, %arg18: memref<16x16xf32, #tpu.memory_space<vmem>>, %arg19: memref<16x16xf32, #tpu.memory_space<vmem>>, %arg20: memref<16x16xf32, #tpu.memory_space<vmem>>, %arg21: memref<8x16xf32, #tpu.memory_space<vmem>>) attributes {dimension_semantics = [#tpu.dimension_semantics<arbitrary>], iteration_bounds = array<i64: 5>, scalar_prefetch = 0 : i64, scratch_operands = 4 : i64, tpu.core_type = #tpu.core_type<tc>, window_params = [{transform_indices = @transform_0, window_bounds = array<i64: 3, 2048>}, {transform_indices = @transform_1, window_bounds = array<i64: 16, 2048>}, {transform_indices = @transform_2, window_bounds = array<i64: 16, 2048>}, {transform_indices = @transform_3, window_bounds = array<i64: 1, 2048>}, {pipeline_mode = #tpu.pipeline_mode<synchronous>, transform_indices = @transform_4, window_bounds = array<i64: 16, 3>}, {pipeline_mode = #tpu.pipeline_mode<synchronous>, transform_indices = @transform_5, window_bounds = array<i64: 16, 16>}, {pipeline_mode = #tpu.pipeline_mode<synchronous>, transform_indices = @transform_6, window_bounds = array<i64: 16, 16>}, {pipeline_mode = #tpu.pipeline_mode<synchronous>, transform_indices = @transform_7, window_bounds = array<i64: 16, 1>}, {pipeline_mode = #tpu.pipeline_mode<synchronous>, transform_indices = @transform_8, window_bounds = array<i64: 16, 16>}, {pipeline_mode = #tpu.pipeline_mode<synchronous>, transform_indices = @transform_9, window_bounds = array<i64: 16, 1>}, {pipeline_mode = #tpu.pipeline_mode<synchronous>, transform_indices = @transform_10, window_bounds = array<i64: 128, 16>}, {pipeline_mode = #tpu.pipeline_mode<synchronous>, transform_indices = @transform_11, window_bounds = array<i64: 128, 16>}, {pipeline_mode = #tpu.pipeline_mode<synchronous>, transform_indices = @transform_12, window_bounds = array<i64: 128, 16>}, {pipeline_mode = #tpu.pipeline_mode<synchronous>, transform_indices = @transform_13, window_bounds = array<i64: 128, 1>}, {pipeline_mode = #tpu.pipeline_mode<synchronous>, transform_indices = @transform_14, window_bounds = array<i64: 10, 128>}, {pipeline_mode = #tpu.pipeline_mode<synchronous>, transform_indices = @transform_15, window_bounds = array<i64: 10, 1>}, {pipeline_mode = #tpu.pipeline_mode<synchronous>, transform_indices = @transform_16, window_bounds = array<i64: 10, 16>}]} {
    %eq3A = arith.constant 0 : i32
    %eq3A_0 = arith.cmpi eq, %arg0, %eq3A : i32
    %convert_element_type3A = arith.extui %eq3A_0 : i1 to i32
    %cond3A = arith.constant 0 : i32
    %cond3A_1 = arith.cmpi ne, %convert_element_type3A, %cond3A : i32
    scf.if %cond3A_1 {
      %broadcast_in_dim3A_955 = arith.constant 0x7F800000 : f32
      %broadcast_in_dim3A_956 = vector.broadcast %broadcast_in_dim3A_955 : f32 to vector<16x16xf32>
      %swap3A_957 = arith.constant 0 : index
      %swap3A_958 = arith.constant 0 : index
      %swap3A_959 = vector.load %arg18[%swap3A_957, %swap3A_958] : memref<16x16xf32, #tpu.memory_space<vmem>>, vector<16x16xf32>
      tpu.vector_store %arg18[%swap3A_957, %swap3A_958], %broadcast_in_dim3A_956 {strides = array<i32>} : memref<16x16xf32, #tpu.memory_space<vmem>>, vector<16x16xf32>,
      %broadcast_in_dim3A_960 = arith.constant 0xFF800000 : f32
      %broadcast_in_dim3A_961 = vector.broadcast %broadcast_in_dim3A_960 : f32 to vector<16x16xf32>
      %swap3A_962 = arith.constant 0 : index
      %swap3A_963 = arith.constant 0 : index
      %swap3A_964 = vector.load %arg19[%swap3A_962, %swap3A_963] : memref<16x16xf32, #tpu.memory_space<vmem>>, vector<16x16xf32>
      tpu.vector_store %arg19[%swap3A_962, %swap3A_963], %broadcast_in_dim3A_961 {strides = array<i32>} : memref<16x16xf32, #tpu.memory_space<vmem>>, vector<16x16xf32>,
      %broadcast_in_dim3A_965 = arith.constant 0.000000e+00 : f32
      %broadcast_in_dim3A_966 = vector.broadcast %broadcast_in_dim3A_965 : f32 to vector<16x16xf32>
      %swap3A_967 = arith.constant 0 : index
      %swap3A_968 = arith.constant 0 : index
      %swap3A_969 = vector.load %arg20[%swap3A_967, %swap3A_968] : memref<16x16xf32, #tpu.memory_space<vmem>>, vector<16x16xf32>
      tpu.vector_store %arg20[%swap3A_967, %swap3A_968], %broadcast_in_dim3A_966 {strides = array<i32>} : memref<16x16xf32, #tpu.memory_space<vmem>>, vector<16x16xf32>,
      %broadcast_in_dim3A_970 = arith.constant 0.000000e+00 : f32
      %broadcast_in_dim3A_971 = vector.broadcast %broadcast_in_dim3A_970 : f32 to vector<8x16xf32>
      %swap3A_972 = arith.constant 0 : index
      %swap3A_973 = arith.constant 0 : index
      %swap3A_974 = vector.load %arg21[%swap3A_972, %swap3A_973] : memref<8x16xf32, #tpu.memory_space<vmem>>, vector<8x16xf32>
      tpu.vector_store %arg21[%swap3A_972, %swap3A_973], %broadcast_in_dim3A_971 {strides = array<i32>} : memref<8x16xf32, #tpu.memory_space<vmem>>, vector<8x16xf32>,
    } else {
    }
    %get3A = arith.constant 0 : index
    %get3A_2 = arith.constant 0 : index
    %get3A_3 = vector.load %arg5[%get3A, %get3A_2] : memref<16x3xf32, #tpu.memory_space<vmem>>, vector<16x3xf32>
    %get3A_4 = arith.constant 0 : index
    %get3A_5 = arith.constant 0 : index
    %get3A_6 = vector.load %arg1[%get3A_4, %get3A_5] : memref<3x2048xf32, #tpu.memory_space<vmem>>, vector<3x2048xf32>
    %dot_general3A = arith.constant dense<0.000000e+00> : vector<16x2048xf32>
    %dot_general3A_7 = tpu.matmul %get3A_3, %get3A_6, %dot_general3A {dimension_numbers = #tpu.dot_dimension_numbers<[1], [0], [0], [1], [0, 0, 1, 1], [], []>, transpose_lhs_hint = false} : vector<16x3xf32>, vector<3x2048xf32>, vector<16x2048xf32> -> vector<16x2048xf32>
    %get3A_8 = arith.constant 0 : index
    %get3A_9 = arith.constant 0 : index
    %get3A_10 = vector.load %arg6[%get3A_8, %get3A_9] : memref<16x16xf32, #tpu.memory_space<vmem>>, vector<16x16xf32>
    %get3A_11 = arith.constant 0 : index
    %get3A_12 = arith.constant 0 : index
    %get3A_13 = vector.load %arg2[%get3A_11, %get3A_12] : memref<16x2048xf32, #tpu.memory_space<vmem>>, vector<16x2048xf32>
    %dot_general3A_14 = arith.constant dense<0.000000e+00> : vector<16x2048xf32>
    %dot_general3A_15 = tpu.matmul %get3A_10, %get3A_13, %dot_general3A_14 {dimension_numbers = #tpu.dot_dimension_numbers<[1], [0], [0], [1], [0, 0, 1, 1], [], []>, transpose_lhs_hint = false} : vector<16x16xf32>, vector<16x2048xf32>, vector<16x2048xf32> -> vector<16x2048xf32>
    %add3A = arith.addf %dot_general3A_7, %dot_general3A_15 : vector<16x2048xf32>
    %get3A_16 = arith.constant 0 : index
    %get3A_17 = arith.constant 0 : index
    %get3A_18 = vector.load %arg7[%get3A_16, %get3A_17] : memref<16x16xf32, #tpu.memory_space<vmem>>, vector<16x16xf32>
    %get3A_19 = arith.constant 0 : index
    %get3A_20 = arith.constant 0 : index
    %get3A_21 = vector.load %arg3[%get3A_19, %get3A_20] : memref<16x2048xf32, #tpu.memory_space<vmem>>, vector<16x2048xf32>
    %dot_general3A_22 = arith.constant dense<0.000000e+00> : vector<16x2048xf32>
    %dot_general3A_23 = tpu.matmul %get3A_18, %get3A_21, %dot_general3A_22 {dimension_numbers = #tpu.dot_dimension_numbers<[1], [0], [0], [1], [0, 0, 1, 1], [], []>, transpose_lhs_hint = false} : vector<16x16xf32>, vector<16x2048xf32>, vector<16x2048xf32> -> vector<16x2048xf32>
    %add3A_24 = arith.addf %add3A, %dot_general3A_23 : vector<16x2048xf32>
    %get3A_25 = arith.constant 0 : index
    %get3A_26 = arith.constant 0 : index
    %get3A_27 = vector.load %arg8[%get3A_25, %get3A_26] : memref<16x1xf32, #tpu.memory_space<vmem>>, vector<16x1xf32>
    %add3A_28 = vector.broadcast %get3A_27 : vector<16x1xf32> to vector<16x2048xf32>
    %add3A_29 = arith.addf %add3A_24, %add3A_28 : vector<16x2048xf32>
    %jit3A = arith.constant 0.00999999977 : f32
    %ge3A = arith.constant 0.000000e+00 : f32
    %ge3A_30 = vector.broadcast %ge3A : f32 to vector<16x2048xf32>
    %ge3A_31 = arith.cmpf oge, %add3A_29, %ge3A_30 : vector<16x2048xf32>
    %mul3A = vector.broadcast %jit3A : f32 to vector<16x2048xf32>
    %mul3A_32 = arith.mulf %mul3A, %add3A_29 : vector<16x2048xf32>
    %select_n3A = arith.select %ge3A_31, %add3A_29, %mul3A_32 : vector<16x2048xi1>, vector<16x2048xf32>
    %get3A_33 = arith.constant 0 : index
    %get3A_34 = arith.constant 0 : index
    %get3A_35 = vector.load %arg9[%get3A_33, %get3A_34] : memref<16x16xf32, #tpu.memory_space<vmem>>, vector<16x16xf32>
    %dot_general3A_36 = arith.constant dense<0.000000e+00> : vector<16x2048xf32>
    %dot_general3A_37 = tpu.matmul %get3A_35, %select_n3A, %dot_general3A_36 {dimension_numbers = #tpu.dot_dimension_numbers<[1], [0], [0], [1], [0, 0, 1, 1], [], []>, transpose_lhs_hint = false} : vector<16x16xf32>, vector<16x2048xf32>, vector<16x2048xf32> -> vector<16x2048xf32>
    %get3A_38 = arith.constant 0 : index
    %get3A_39 = arith.constant 0 : index
    %get3A_40 = vector.load %arg10[%get3A_38, %get3A_39] : memref<16x1xf32, #tpu.memory_space<vmem>>, vector<16x1xf32>
    %add3A_41 = vector.broadcast %get3A_40 : vector<16x1xf32> to vector<16x2048xf32>
    %add3A_42 = arith.addf %dot_general3A_37, %add3A_41 : vector<16x2048xf32>
    %jit3A_43 = arith.constant 0.00999999977 : f32
    %ge3A_44 = arith.constant 0.000000e+00 : f32
    %ge3A_45 = vector.broadcast %ge3A_44 : f32 to vector<16x2048xf32>
    %ge3A_46 = arith.cmpf oge, %add3A_42, %ge3A_45 : vector<16x2048xf32>
    %mul3A_47 = vector.broadcast %jit3A_43 : f32 to vector<16x2048xf32>
    %mul3A_48 = arith.mulf %mul3A_47, %add3A_42 : vector<16x2048xf32>
    %select_n3A_49 = arith.select %ge3A_46, %add3A_42, %mul3A_48 : vector<16x2048xi1>, vector<16x2048xf32>
    %get3A_50 = arith.constant 0 : index
    %get3A_51 = arith.constant 0 : index
    %get3A_52 = vector.load %arg4[%get3A_50, %get3A_51] : memref<1x2048xi32, #tpu.memory_space<vmem>>, vector<1x2048xi32>
    %get3A_53 = arith.constant 0 : index
    %get3A_54 = arith.constant 0 : index
    %get3A_55 = vector.load %arg18[%get3A_53, %get3A_54] : memref<16x16xf32, #tpu.memory_space<vmem>>, vector<16x16xf32>
    %get3A_56 = arith.constant 0 : index
    %get3A_57 = arith.constant 0 : index
    %get3A_58 = vector.load %arg19[%get3A_56, %get3A_57] : memref<16x16xf32, #tpu.memory_space<vmem>>, vector<16x16xf32>
    %get3A_59 = arith.constant 0 : index
    %get3A_60 = arith.constant 0 : index
    %get3A_61 = vector.load %arg20[%get3A_59, %get3A_60] : memref<16x16xf32, #tpu.memory_space<vmem>>, vector<16x16xf32>
    %get3A_62 = arith.constant 0 : index
    %get3A_63 = arith.constant 0 : index
    %get3A_64 = vector.load %arg21[%get3A_62, %get3A_63] : memref<8x16xf32, #tpu.memory_space<vmem>>, vector<8x16xf32>
    %iota3A = tpu.iota {dimensions = array<i32: 1>} : vector<1x16xi32>
    %eq3A_65 = arith.constant 0 : i32
    %eq3A_66 = vector.broadcast %eq3A_65 : i32 to vector<1x2048xi32>
    %eq3A_67 = arith.cmpi eq, %get3A_52, %eq3A_66 : vector<1x2048xi32>
    %jit3A_68 = arith.constant 0x7F800000 : f32
    %broadcast_in_dim3A = vector.shape_cast %eq3A_67 : vector<1x2048xi1> to vector<1x2048xi1>
    %broadcast_in_dim3A_69 = vector.broadcast %broadcast_in_dim3A : vector<1x2048xi1> to vector<16x2048xi1>
    %broadcast_in_dim3A_70 = vector.broadcast %jit3A_68 : f32 to vector<16x2048xf32>
    %select_n3A_71 = arith.select %broadcast_in_dim3A_69, %select_n3A_49, %broadcast_in_dim3A_70 : vector<16x2048xi1>, vector<16x2048xf32>
    %reduce_min3A = arith.constant dense<0x7F800000> : vector<16xf32>
    %reduce_min3A_72 = vector.multi_reduction <minimumf>, %select_n3A_71, %reduce_min3A [1] : vector<16x2048xf32> to vector<16xf32>
    %broadcast_in_dim3A_73 = vector.shape_cast %reduce_min3A_72 : vector<16xf32> to vector<16x1xf32>
    %jit3A_74 = arith.constant 0xFF800000 : f32
    %broadcast_in_dim3A_75 = vector.shape_cast %eq3A_67 : vector<1x2048xi1> to vector<1x2048xi1>
    %broadcast_in_dim3A_76 = vector.broadcast %broadcast_in_dim3A_75 : vector<1x2048xi1> to vector<16x2048xi1>
    %broadcast_in_dim3A_77 = vector.broadcast %jit3A_74 : f32 to vector<16x2048xf32>
    %select_n3A_78 = arith.select %broadcast_in_dim3A_76, %select_n3A_49, %broadcast_in_dim3A_77 : vector<16x2048xi1>, vector<16x2048xf32>
    %reduce_max3A = arith.constant dense<0xFF800000> : vector<16xf32>
    %reduce_max3A_79 = vector.multi_reduction <maximumf>, %select_n3A_78, %reduce_max3A [1] : vector<16x2048xf32> to vector<16xf32>
    %broadcast_in_dim3A_80 = vector.shape_cast %reduce_max3A_79 : vector<16xf32> to vector<16x1xf32>
    %jit3A_81 = arith.constant 0.000000e+00 : f32
    %broadcast_in_dim3A_82 = vector.shape_cast %eq3A_67 : vector<1x2048xi1> to vector<1x2048xi1>
    %broadcast_in_dim3A_83 = vector.broadcast %broadcast_in_dim3A_82 : vector<1x2048xi1> to vector<16x2048xi1>
    %broadcast_in_dim3A_84 = vector.broadcast %jit3A_81 : f32 to vector<16x2048xf32>
    %select_n3A_85 = arith.select %broadcast_in_dim3A_83, %select_n3A_49, %broadcast_in_dim3A_84 : vector<16x2048xi1>, vector<16x2048xf32>
    %reduce_sum3A = arith.constant dense<0.000000e+00> : vector<16xf32>
    %reduce_sum3A_86 = vector.multi_reduction <add>, %select_n3A_85, %reduce_sum3A [1] : vector<16x2048xf32> to vector<16xf32>
    %broadcast_in_dim3A_87 = vector.shape_cast %reduce_sum3A_86 : vector<16xf32> to vector<16x1xf32>
    %convert_element_type3A_88 = arith.extui %eq3A_67 : vector<1x2048xi1> to vector<1x2048xi32>
    %convert_element_type3A_89 = arith.sitofp %convert_element_type3A_88 : vector<1x2048xi32> to vector<1x2048xf32>
    %reduce_sum3A_90 = arith.constant dense<0.000000e+00> : vector<1xf32>
    %reduce_sum3A_91 = vector.multi_reduction <add>, %convert_element_type3A_89, %reduce_sum3A_90 [1] : vector<1x2048xf32> to vector<1xf32>
    %broadcast_in_dim3A_92 = vector.shape_cast %reduce_sum3A_91 : vector<1xf32> to vector<1x1xf32>
    %eq3A_93 = arith.constant 0 : i32
    %eq3A_94 = vector.broadcast %eq3A_93 : i32 to vector<1x16xi32>
    %eq3A_95 = arith.cmpi eq, %iota3A, %eq3A_94 : vector<1x16xi32>
    %min3A = vector.broadcast %broadcast_in_dim3A_73 : vector<16x1xf32> to vector<16x16xf32>
    %min3A_96 = arith.minimumf %get3A_55, %min3A : vector<16x16xf32>
    %broadcast_in_dim3A_97 = vector.shape_cast %eq3A_95 : vector<1x16xi1> to vector<1x16xi1>
    %broadcast_in_dim3A_98 = vector.broadcast %broadcast_in_dim3A_97 : vector<1x16xi1> to vector<16x16xi1>
    %select_n3A_99 = arith.select %broadcast_in_dim3A_98, %min3A_96, %get3A_55 : vector<16x16xi1>, vector<16x16xf32>
    %max3A = vector.broadcast %broadcast_in_dim3A_80 : vector<16x1xf32> to vector<16x16xf32>
    %max3A_100 = arith.maximumf %get3A_58, %max3A : vector<16x16xf32>
    %broadcast_in_dim3A_101 = vector.shape_cast %eq3A_95 : vector<1x16xi1> to vector<1x16xi1>
    %broadcast_in_dim3A_102 = vector.broadcast %broadcast_in_dim3A_101 : vector<1x16xi1> to vector<16x16xi1>
    %select_n3A_103 = arith.select %broadcast_in_dim3A_102, %max3A_100, %get3A_58 : vector<16x16xi1>, vector<16x16xf32>
    %add3A_104 = vector.broadcast %broadcast_in_dim3A_87 : vector<16x1xf32> to vector<16x16xf32>
    %add3A_105 = arith.addf %get3A_61, %add3A_104 : vector<16x16xf32>
    %broadcast_in_dim3A_106 = vector.shape_cast %eq3A_95 : vector<1x16xi1> to vector<1x16xi1>
    %broadcast_in_dim3A_107 = vector.broadcast %broadcast_in_dim3A_106 : vector<1x16xi1> to vector<16x16xi1>
    %select_n3A_108 = arith.select %broadcast_in_dim3A_107, %add3A_105, %get3A_61 : vector<16x16xi1>, vector<16x16xf32>
    %add3A_109 = vector.broadcast %broadcast_in_dim3A_92 : vector<1x1xf32> to vector<8x16xf32>
    %add3A_110 = arith.addf %get3A_64, %add3A_109 : vector<8x16xf32>
    %broadcast_in_dim3A_111 = vector.shape_cast %eq3A_95 : vector<1x16xi1> to vector<1x16xi1>
    %broadcast_in_dim3A_112 = vector.broadcast %broadcast_in_dim3A_111 : vector<1x16xi1> to vector<8x16xi1>
    %select_n3A_113 = arith.select %broadcast_in_dim3A_112, %add3A_110, %get3A_64 : vector<8x16xi1>, vector<8x16xf32>
    %eq3A_114 = arith.constant 1 : i32
    %eq3A_115 = vector.broadcast %eq3A_114 : i32 to vector<1x2048xi32>
    %eq3A_116 = arith.cmpi eq, %get3A_52, %eq3A_115 : vector<1x2048xi32>
    %jit3A_117 = arith.constant 0x7F800000 : f32
    %broadcast_in_dim3A_118 = vector.shape_cast %eq3A_116 : vector<1x2048xi1> to vector<1x2048xi1>
    %broadcast_in_dim3A_119 = vector.broadcast %broadcast_in_dim3A_118 : vector<1x2048xi1> to vector<16x2048xi1>
    %broadcast_in_dim3A_120 = vector.broadcast %jit3A_117 : f32 to vector<16x2048xf32>
    %select_n3A_121 = arith.select %broadcast_in_dim3A_119, %select_n3A_49, %broadcast_in_dim3A_120 : vector<16x2048xi1>, vector<16x2048xf32>
    %reduce_min3A_122 = arith.constant dense<0x7F800000> : vector<16xf32>
    %reduce_min3A_123 = vector.multi_reduction <minimumf>, %select_n3A_121, %reduce_min3A_122 [1] : vector<16x2048xf32> to vector<16xf32>
    %broadcast_in_dim3A_124 = vector.shape_cast %reduce_min3A_123 : vector<16xf32> to vector<16x1xf32>
    %jit3A_125 = arith.constant 0xFF800000 : f32
    %broadcast_in_dim3A_126 = vector.shape_cast %eq3A_116 : vector<1x2048xi1> to vector<1x2048xi1>
    %broadcast_in_dim3A_127 = vector.broadcast %broadcast_in_dim3A_126 : vector<1x2048xi1> to vector<16x2048xi1>
    %broadcast_in_dim3A_128 = vector.broadcast %jit3A_125 : f32 to vector<16x2048xf32>
    %select_n3A_129 = arith.select %broadcast_in_dim3A_127, %select_n3A_49, %broadcast_in_dim3A_128 : vector<16x2048xi1>, vector<16x2048xf32>
    %reduce_max3A_130 = arith.constant dense<0xFF800000> : vector<16xf32>
    %reduce_max3A_131 = vector.multi_reduction <maximumf>, %select_n3A_129, %reduce_max3A_130 [1] : vector<16x2048xf32> to vector<16xf32>
    %broadcast_in_dim3A_132 = vector.shape_cast %reduce_max3A_131 : vector<16xf32> to vector<16x1xf32>
    %jit3A_133 = arith.constant 0.000000e+00 : f32
    %broadcast_in_dim3A_134 = vector.shape_cast %eq3A_116 : vector<1x2048xi1> to vector<1x2048xi1>
    %broadcast_in_dim3A_135 = vector.broadcast %broadcast_in_dim3A_134 : vector<1x2048xi1> to vector<16x2048xi1>
    %broadcast_in_dim3A_136 = vector.broadcast %jit3A_133 : f32 to vector<16x2048xf32>
    %select_n3A_137 = arith.select %broadcast_in_dim3A_135, %select_n3A_49, %broadcast_in_dim3A_136 : vector<16x2048xi1>, vector<16x2048xf32>
    %reduce_sum3A_138 = arith.constant dense<0.000000e+00> : vector<16xf32>
    %reduce_sum3A_139 = vector.multi_reduction <add>, %select_n3A_137, %reduce_sum3A_138 [1] : vector<16x2048xf32> to vector<16xf32>
    %broadcast_in_dim3A_140 = vector.shape_cast %reduce_sum3A_139 : vector<16xf32> to vector<16x1xf32>
    %convert_element_type3A_141 = arith.extui %eq3A_116 : vector<1x2048xi1> to vector<1x2048xi32>
    %convert_element_type3A_142 = arith.sitofp %convert_element_type3A_141 : vector<1x2048xi32> to vector<1x2048xf32>
    %reduce_sum3A_143 = arith.constant dense<0.000000e+00> : vector<1xf32>
    %reduce_sum3A_144 = vector.multi_reduction <add>, %convert_element_type3A_142, %reduce_sum3A_143 [1] : vector<1x2048xf32> to vector<1xf32>
    %broadcast_in_dim3A_145 = vector.shape_cast %reduce_sum3A_144 : vector<1xf32> to vector<1x1xf32>
    %eq3A_146 = arith.constant 1 : i32
    %eq3A_147 = vector.broadcast %eq3A_146 : i32 to vector<1x16xi32>
    %eq3A_148 = arith.cmpi eq, %iota3A, %eq3A_147 : vector<1x16xi32>
    %min3A_149 = vector.broadcast %broadcast_in_dim3A_124 : vector<16x1xf32> to vector<16x16xf32>
    %min3A_150 = arith.minimumf %select_n3A_99, %min3A_149 : vector<16x16xf32>
    %broadcast_in_dim3A_151 = vector.shape_cast %eq3A_148 : vector<1x16xi1> to vector<1x16xi1>
    %broadcast_in_dim3A_152 = vector.broadcast %broadcast_in_dim3A_151 : vector<1x16xi1> to vector<16x16xi1>
    %select_n3A_153 = arith.select %broadcast_in_dim3A_152, %min3A_150, %select_n3A_99 : vector<16x16xi1>, vector<16x16xf32>
    %max3A_154 = vector.broadcast %broadcast_in_dim3A_132 : vector<16x1xf32> to vector<16x16xf32>
    %max3A_155 = arith.maximumf %select_n3A_103, %max3A_154 : vector<16x16xf32>
    %broadcast_in_dim3A_156 = vector.shape_cast %eq3A_148 : vector<1x16xi1> to vector<1x16xi1>
    %broadcast_in_dim3A_157 = vector.broadcast %broadcast_in_dim3A_156 : vector<1x16xi1> to vector<16x16xi1>
    %select_n3A_158 = arith.select %broadcast_in_dim3A_157, %max3A_155, %select_n3A_103 : vector<16x16xi1>, vector<16x16xf32>
    %add3A_159 = vector.broadcast %broadcast_in_dim3A_140 : vector<16x1xf32> to vector<16x16xf32>
    %add3A_160 = arith.addf %select_n3A_108, %add3A_159 : vector<16x16xf32>
    %broadcast_in_dim3A_161 = vector.shape_cast %eq3A_148 : vector<1x16xi1> to vector<1x16xi1>
    %broadcast_in_dim3A_162 = vector.broadcast %broadcast_in_dim3A_161 : vector<1x16xi1> to vector<16x16xi1>
    %select_n3A_163 = arith.select %broadcast_in_dim3A_162, %add3A_160, %select_n3A_108 : vector<16x16xi1>, vector<16x16xf32>
    %add3A_164 = vector.broadcast %broadcast_in_dim3A_145 : vector<1x1xf32> to vector<8x16xf32>
    %add3A_165 = arith.addf %select_n3A_113, %add3A_164 : vector<8x16xf32>
    %broadcast_in_dim3A_166 = vector.shape_cast %eq3A_148 : vector<1x16xi1> to vector<1x16xi1>
    %broadcast_in_dim3A_167 = vector.broadcast %broadcast_in_dim3A_166 : vector<1x16xi1> to vector<8x16xi1>
    %select_n3A_168 = arith.select %broadcast_in_dim3A_167, %add3A_165, %select_n3A_113 : vector<8x16xi1>, vector<8x16xf32>
    %eq3A_169 = arith.constant 2 : i32
    %eq3A_170 = vector.broadcast %eq3A_169 : i32 to vector<1x2048xi32>
    %eq3A_171 = arith.cmpi eq, %get3A_52, %eq3A_170 : vector<1x2048xi32>
    %jit3A_172 = arith.constant 0x7F800000 : f32
    %broadcast_in_dim3A_173 = vector.shape_cast %eq3A_171 : vector<1x2048xi1> to vector<1x2048xi1>
    %broadcast_in_dim3A_174 = vector.broadcast %broadcast_in_dim3A_173 : vector<1x2048xi1> to vector<16x2048xi1>
    %broadcast_in_dim3A_175 = vector.broadcast %jit3A_172 : f32 to vector<16x2048xf32>
    %select_n3A_176 = arith.select %broadcast_in_dim3A_174, %select_n3A_49, %broadcast_in_dim3A_175 : vector<16x2048xi1>, vector<16x2048xf32>
    %reduce_min3A_177 = arith.constant dense<0x7F800000> : vector<16xf32>
    %reduce_min3A_178 = vector.multi_reduction <minimumf>, %select_n3A_176, %reduce_min3A_177 [1] : vector<16x2048xf32> to vector<16xf32>
    %broadcast_in_dim3A_179 = vector.shape_cast %reduce_min3A_178 : vector<16xf32> to vector<16x1xf32>
    %jit3A_180 = arith.constant 0xFF800000 : f32
    %broadcast_in_dim3A_181 = vector.shape_cast %eq3A_171 : vector<1x2048xi1> to vector<1x2048xi1>
    %broadcast_in_dim3A_182 = vector.broadcast %broadcast_in_dim3A_181 : vector<1x2048xi1> to vector<16x2048xi1>
    %broadcast_in_dim3A_183 = vector.broadcast %jit3A_180 : f32 to vector<16x2048xf32>
    %select_n3A_184 = arith.select %broadcast_in_dim3A_182, %select_n3A_49, %broadcast_in_dim3A_183 : vector<16x2048xi1>, vector<16x2048xf32>
    %reduce_max3A_185 = arith.constant dense<0xFF800000> : vector<16xf32>
    %reduce_max3A_186 = vector.multi_reduction <maximumf>, %select_n3A_184, %reduce_max3A_185 [1] : vector<16x2048xf32> to vector<16xf32>
    %broadcast_in_dim3A_187 = vector.shape_cast %reduce_max3A_186 : vector<16xf32> to vector<16x1xf32>
    %jit3A_188 = arith.constant 0.000000e+00 : f32
    %broadcast_in_dim3A_189 = vector.shape_cast %eq3A_171 : vector<1x2048xi1> to vector<1x2048xi1>
    %broadcast_in_dim3A_190 = vector.broadcast %broadcast_in_dim3A_189 : vector<1x2048xi1> to vector<16x2048xi1>
    %broadcast_in_dim3A_191 = vector.broadcast %jit3A_188 : f32 to vector<16x2048xf32>
    %select_n3A_192 = arith.select %broadcast_in_dim3A_190, %select_n3A_49, %broadcast_in_dim3A_191 : vector<16x2048xi1>, vector<16x2048xf32>
    %reduce_sum3A_193 = arith.constant dense<0.000000e+00> : vector<16xf32>
    %reduce_sum3A_194 = vector.multi_reduction <add>, %select_n3A_192, %reduce_sum3A_193 [1] : vector<16x2048xf32> to vector<16xf32>
    %broadcast_in_dim3A_195 = vector.shape_cast %reduce_sum3A_194 : vector<16xf32> to vector<16x1xf32>
    %convert_element_type3A_196 = arith.extui %eq3A_171 : vector<1x2048xi1> to vector<1x2048xi32>
    %convert_element_type3A_197 = arith.sitofp %convert_element_type3A_196 : vector<1x2048xi32> to vector<1x2048xf32>
    %reduce_sum3A_198 = arith.constant dense<0.000000e+00> : vector<1xf32>
    %reduce_sum3A_199 = vector.multi_reduction <add>, %convert_element_type3A_197, %reduce_sum3A_198 [1] : vector<1x2048xf32> to vector<1xf32>
    %broadcast_in_dim3A_200 = vector.shape_cast %reduce_sum3A_199 : vector<1xf32> to vector<1x1xf32>
    %eq3A_201 = arith.constant 2 : i32
    %eq3A_202 = vector.broadcast %eq3A_201 : i32 to vector<1x16xi32>
    %eq3A_203 = arith.cmpi eq, %iota3A, %eq3A_202 : vector<1x16xi32>
    %min3A_204 = vector.broadcast %broadcast_in_dim3A_179 : vector<16x1xf32> to vector<16x16xf32>
    %min3A_205 = arith.minimumf %select_n3A_153, %min3A_204 : vector<16x16xf32>
    %broadcast_in_dim3A_206 = vector.shape_cast %eq3A_203 : vector<1x16xi1> to vector<1x16xi1>
    %broadcast_in_dim3A_207 = vector.broadcast %broadcast_in_dim3A_206 : vector<1x16xi1> to vector<16x16xi1>
    %select_n3A_208 = arith.select %broadcast_in_dim3A_207, %min3A_205, %select_n3A_153 : vector<16x16xi1>, vector<16x16xf32>
    %max3A_209 = vector.broadcast %broadcast_in_dim3A_187 : vector<16x1xf32> to vector<16x16xf32>
    %max3A_210 = arith.maximumf %select_n3A_158, %max3A_209 : vector<16x16xf32>
    %broadcast_in_dim3A_211 = vector.shape_cast %eq3A_203 : vector<1x16xi1> to vector<1x16xi1>
    %broadcast_in_dim3A_212 = vector.broadcast %broadcast_in_dim3A_211 : vector<1x16xi1> to vector<16x16xi1>
    %select_n3A_213 = arith.select %broadcast_in_dim3A_212, %max3A_210, %select_n3A_158 : vector<16x16xi1>, vector<16x16xf32>
    %add3A_214 = vector.broadcast %broadcast_in_dim3A_195 : vector<16x1xf32> to vector<16x16xf32>
    %add3A_215 = arith.addf %select_n3A_163, %add3A_214 : vector<16x16xf32>
    %broadcast_in_dim3A_216 = vector.shape_cast %eq3A_203 : vector<1x16xi1> to vector<1x16xi1>
    %broadcast_in_dim3A_217 = vector.broadcast %broadcast_in_dim3A_216 : vector<1x16xi1> to vector<16x16xi1>
    %select_n3A_218 = arith.select %broadcast_in_dim3A_217, %add3A_215, %select_n3A_163 : vector<16x16xi1>, vector<16x16xf32>
    %add3A_219 = vector.broadcast %broadcast_in_dim3A_200 : vector<1x1xf32> to vector<8x16xf32>
    %add3A_220 = arith.addf %select_n3A_168, %add3A_219 : vector<8x16xf32>
    %broadcast_in_dim3A_221 = vector.shape_cast %eq3A_203 : vector<1x16xi1> to vector<1x16xi1>
    %broadcast_in_dim3A_222 = vector.broadcast %broadcast_in_dim3A_221 : vector<1x16xi1> to vector<8x16xi1>
    %select_n3A_223 = arith.select %broadcast_in_dim3A_222, %add3A_220, %select_n3A_168 : vector<8x16xi1>, vector<8x16xf32>
    %eq3A_224 = arith.constant 3 : i32
    %eq3A_225 = vector.broadcast %eq3A_224 : i32 to vector<1x2048xi32>
    %eq3A_226 = arith.cmpi eq, %get3A_52, %eq3A_225 : vector<1x2048xi32>
    %jit3A_227 = arith.constant 0x7F800000 : f32
    %broadcast_in_dim3A_228 = vector.shape_cast %eq3A_226 : vector<1x2048xi1> to vector<1x2048xi1>
    %broadcast_in_dim3A_229 = vector.broadcast %broadcast_in_dim3A_228 : vector<1x2048xi1> to vector<16x2048xi1>
    %broadcast_in_dim3A_230 = vector.broadcast %jit3A_227 : f32 to vector<16x2048xf32>
    %select_n3A_231 = arith.select %broadcast_in_dim3A_229, %select_n3A_49, %broadcast_in_dim3A_230 : vector<16x2048xi1>, vector<16x2048xf32>
    %reduce_min3A_232 = arith.constant dense<0x7F800000> : vector<16xf32>
    %reduce_min3A_233 = vector.multi_reduction <minimumf>, %select_n3A_231, %reduce_min3A_232 [1] : vector<16x2048xf32> to vector<16xf32>
    %broadcast_in_dim3A_234 = vector.shape_cast %reduce_min3A_233 : vector<16xf32> to vector<16x1xf32>
    %jit3A_235 = arith.constant 0xFF800000 : f32
    %broadcast_in_dim3A_236 = vector.shape_cast %eq3A_226 : vector<1x2048xi1> to vector<1x2048xi1>
    %broadcast_in_dim3A_237 = vector.broadcast %broadcast_in_dim3A_236 : vector<1x2048xi1> to vector<16x2048xi1>
    %broadcast_in_dim3A_238 = vector.broadcast %jit3A_235 : f32 to vector<16x2048xf32>
    %select_n3A_239 = arith.select %broadcast_in_dim3A_237, %select_n3A_49, %broadcast_in_dim3A_238 : vector<16x2048xi1>, vector<16x2048xf32>
    %reduce_max3A_240 = arith.constant dense<0xFF800000> : vector<16xf32>
    %reduce_max3A_241 = vector.multi_reduction <maximumf>, %select_n3A_239, %reduce_max3A_240 [1] : vector<16x2048xf32> to vector<16xf32>
    %broadcast_in_dim3A_242 = vector.shape_cast %reduce_max3A_241 : vector<16xf32> to vector<16x1xf32>
    %jit3A_243 = arith.constant 0.000000e+00 : f32
    %broadcast_in_dim3A_244 = vector.shape_cast %eq3A_226 : vector<1x2048xi1> to vector<1x2048xi1>
    %broadcast_in_dim3A_245 = vector.broadcast %broadcast_in_dim3A_244 : vector<1x2048xi1> to vector<16x2048xi1>
    %broadcast_in_dim3A_246 = vector.broadcast %jit3A_243 : f32 to vector<16x2048xf32>
    %select_n3A_247 = arith.select %broadcast_in_dim3A_245, %select_n3A_49, %broadcast_in_dim3A_246 : vector<16x2048xi1>, vector<16x2048xf32>
    %reduce_sum3A_248 = arith.constant dense<0.000000e+00> : vector<16xf32>
    %reduce_sum3A_249 = vector.multi_reduction <add>, %select_n3A_247, %reduce_sum3A_248 [1] : vector<16x2048xf32> to vector<16xf32>
    %broadcast_in_dim3A_250 = vector.shape_cast %reduce_sum3A_249 : vector<16xf32> to vector<16x1xf32>
    %convert_element_type3A_251 = arith.extui %eq3A_226 : vector<1x2048xi1> to vector<1x2048xi32>
    %convert_element_type3A_252 = arith.sitofp %convert_element_type3A_251 : vector<1x2048xi32> to vector<1x2048xf32>
    %reduce_sum3A_253 = arith.constant dense<0.000000e+00> : vector<1xf32>
    %reduce_sum3A_254 = vector.multi_reduction <add>, %convert_element_type3A_252, %reduce_sum3A_253 [1] : vector<1x2048xf32> to vector<1xf32>
    %broadcast_in_dim3A_255 = vector.shape_cast %reduce_sum3A_254 : vector<1xf32> to vector<1x1xf32>
    %eq3A_256 = arith.constant 3 : i32
    %eq3A_257 = vector.broadcast %eq3A_256 : i32 to vector<1x16xi32>
    %eq3A_258 = arith.cmpi eq, %iota3A, %eq3A_257 : vector<1x16xi32>
    %min3A_259 = vector.broadcast %broadcast_in_dim3A_234 : vector<16x1xf32> to vector<16x16xf32>
    %min3A_260 = arith.minimumf %select_n3A_208, %min3A_259 : vector<16x16xf32>
    %broadcast_in_dim3A_261 = vector.shape_cast %eq3A_258 : vector<1x16xi1> to vector<1x16xi1>
    %broadcast_in_dim3A_262 = vector.broadcast %broadcast_in_dim3A_261 : vector<1x16xi1> to vector<16x16xi1>
    %select_n3A_263 = arith.select %broadcast_in_dim3A_262, %min3A_260, %select_n3A_208 : vector<16x16xi1>, vector<16x16xf32>
    %max3A_264 = vector.broadcast %broadcast_in_dim3A_242 : vector<16x1xf32> to vector<16x16xf32>
    %max3A_265 = arith.maximumf %select_n3A_213, %max3A_264 : vector<16x16xf32>
    %broadcast_in_dim3A_266 = vector.shape_cast %eq3A_258 : vector<1x16xi1> to vector<1x16xi1>
    %broadcast_in_dim3A_267 = vector.broadcast %broadcast_in_dim3A_266 : vector<1x16xi1> to vector<16x16xi1>
    %select_n3A_268 = arith.select %broadcast_in_dim3A_267, %max3A_265, %select_n3A_213 : vector<16x16xi1>, vector<16x16xf32>
    %add3A_269 = vector.broadcast %broadcast_in_dim3A_250 : vector<16x1xf32> to vector<16x16xf32>
    %add3A_270 = arith.addf %select_n3A_218, %add3A_269 : vector<16x16xf32>
    %broadcast_in_dim3A_271 = vector.shape_cast %eq3A_258 : vector<1x16xi1> to vector<1x16xi1>
    %broadcast_in_dim3A_272 = vector.broadcast %broadcast_in_dim3A_271 : vector<1x16xi1> to vector<16x16xi1>
    %select_n3A_273 = arith.select %broadcast_in_dim3A_272, %add3A_270, %select_n3A_218 : vector<16x16xi1>, vector<16x16xf32>
    %add3A_274 = vector.broadcast %broadcast_in_dim3A_255 : vector<1x1xf32> to vector<8x16xf32>
    %add3A_275 = arith.addf %select_n3A_223, %add3A_274 : vector<8x16xf32>
    %broadcast_in_dim3A_276 = vector.shape_cast %eq3A_258 : vector<1x16xi1> to vector<1x16xi1>
    %broadcast_in_dim3A_277 = vector.broadcast %broadcast_in_dim3A_276 : vector<1x16xi1> to vector<8x16xi1>
    %select_n3A_278 = arith.select %broadcast_in_dim3A_277, %add3A_275, %select_n3A_223 : vector<8x16xi1>, vector<8x16xf32>
    %eq3A_279 = arith.constant 4 : i32
    %eq3A_280 = vector.broadcast %eq3A_279 : i32 to vector<1x2048xi32>
    %eq3A_281 = arith.cmpi eq, %get3A_52, %eq3A_280 : vector<1x2048xi32>
    %jit3A_282 = arith.constant 0x7F800000 : f32
    %broadcast_in_dim3A_283 = vector.shape_cast %eq3A_281 : vector<1x2048xi1> to vector<1x2048xi1>
    %broadcast_in_dim3A_284 = vector.broadcast %broadcast_in_dim3A_283 : vector<1x2048xi1> to vector<16x2048xi1>
    %broadcast_in_dim3A_285 = vector.broadcast %jit3A_282 : f32 to vector<16x2048xf32>
    %select_n3A_286 = arith.select %broadcast_in_dim3A_284, %select_n3A_49, %broadcast_in_dim3A_285 : vector<16x2048xi1>, vector<16x2048xf32>
    %reduce_min3A_287 = arith.constant dense<0x7F800000> : vector<16xf32>
    %reduce_min3A_288 = vector.multi_reduction <minimumf>, %select_n3A_286, %reduce_min3A_287 [1] : vector<16x2048xf32> to vector<16xf32>
    %broadcast_in_dim3A_289 = vector.shape_cast %reduce_min3A_288 : vector<16xf32> to vector<16x1xf32>
    %jit3A_290 = arith.constant 0xFF800000 : f32
    %broadcast_in_dim3A_291 = vector.shape_cast %eq3A_281 : vector<1x2048xi1> to vector<1x2048xi1>
    %broadcast_in_dim3A_292 = vector.broadcast %broadcast_in_dim3A_291 : vector<1x2048xi1> to vector<16x2048xi1>
    %broadcast_in_dim3A_293 = vector.broadcast %jit3A_290 : f32 to vector<16x2048xf32>
    %select_n3A_294 = arith.select %broadcast_in_dim3A_292, %select_n3A_49, %broadcast_in_dim3A_293 : vector<16x2048xi1>, vector<16x2048xf32>
    %reduce_max3A_295 = arith.constant dense<0xFF800000> : vector<16xf32>
    %reduce_max3A_296 = vector.multi_reduction <maximumf>, %select_n3A_294, %reduce_max3A_295 [1] : vector<16x2048xf32> to vector<16xf32>
    %broadcast_in_dim3A_297 = vector.shape_cast %reduce_max3A_296 : vector<16xf32> to vector<16x1xf32>
    %jit3A_298 = arith.constant 0.000000e+00 : f32
    %broadcast_in_dim3A_299 = vector.shape_cast %eq3A_281 : vector<1x2048xi1> to vector<1x2048xi1>
    %broadcast_in_dim3A_300 = vector.broadcast %broadcast_in_dim3A_299 : vector<1x2048xi1> to vector<16x2048xi1>
    %broadcast_in_dim3A_301 = vector.broadcast %jit3A_298 : f32 to vector<16x2048xf32>
    %select_n3A_302 = arith.select %broadcast_in_dim3A_300, %select_n3A_49, %broadcast_in_dim3A_301 : vector<16x2048xi1>, vector<16x2048xf32>
    %reduce_sum3A_303 = arith.constant dense<0.000000e+00> : vector<16xf32>
    %reduce_sum3A_304 = vector.multi_reduction <add>, %select_n3A_302, %reduce_sum3A_303 [1] : vector<16x2048xf32> to vector<16xf32>
    %broadcast_in_dim3A_305 = vector.shape_cast %reduce_sum3A_304 : vector<16xf32> to vector<16x1xf32>
    %convert_element_type3A_306 = arith.extui %eq3A_281 : vector<1x2048xi1> to vector<1x2048xi32>
    %convert_element_type3A_307 = arith.sitofp %convert_element_type3A_306 : vector<1x2048xi32> to vector<1x2048xf32>
    %reduce_sum3A_308 = arith.constant dense<0.000000e+00> : vector<1xf32>
    %reduce_sum3A_309 = vector.multi_reduction <add>, %convert_element_type3A_307, %reduce_sum3A_308 [1] : vector<1x2048xf32> to vector<1xf32>
    %broadcast_in_dim3A_310 = vector.shape_cast %reduce_sum3A_309 : vector<1xf32> to vector<1x1xf32>
    %eq3A_311 = arith.constant 4 : i32
    %eq3A_312 = vector.broadcast %eq3A_311 : i32 to vector<1x16xi32>
    %eq3A_313 = arith.cmpi eq, %iota3A, %eq3A_312 : vector<1x16xi32>
    %min3A_314 = vector.broadcast %broadcast_in_dim3A_289 : vector<16x1xf32> to vector<16x16xf32>
    %min3A_315 = arith.minimumf %select_n3A_263, %min3A_314 : vector<16x16xf32>
    %broadcast_in_dim3A_316 = vector.shape_cast %eq3A_313 : vector<1x16xi1> to vector<1x16xi1>
    %broadcast_in_dim3A_317 = vector.broadcast %broadcast_in_dim3A_316 : vector<1x16xi1> to vector<16x16xi1>
    %select_n3A_318 = arith.select %broadcast_in_dim3A_317, %min3A_315, %select_n3A_263 : vector<16x16xi1>, vector<16x16xf32>
    %max3A_319 = vector.broadcast %broadcast_in_dim3A_297 : vector<16x1xf32> to vector<16x16xf32>
    %max3A_320 = arith.maximumf %select_n3A_268, %max3A_319 : vector<16x16xf32>
    %broadcast_in_dim3A_321 = vector.shape_cast %eq3A_313 : vector<1x16xi1> to vector<1x16xi1>
    %broadcast_in_dim3A_322 = vector.broadcast %broadcast_in_dim3A_321 : vector<1x16xi1> to vector<16x16xi1>
    %select_n3A_323 = arith.select %broadcast_in_dim3A_322, %max3A_320, %select_n3A_268 : vector<16x16xi1>, vector<16x16xf32>
    %add3A_324 = vector.broadcast %broadcast_in_dim3A_305 : vector<16x1xf32> to vector<16x16xf32>
    %add3A_325 = arith.addf %select_n3A_273, %add3A_324 : vector<16x16xf32>
    %broadcast_in_dim3A_326 = vector.shape_cast %eq3A_313 : vector<1x16xi1> to vector<1x16xi1>
    %broadcast_in_dim3A_327 = vector.broadcast %broadcast_in_dim3A_326 : vector<1x16xi1> to vector<16x16xi1>
    %select_n3A_328 = arith.select %broadcast_in_dim3A_327, %add3A_325, %select_n3A_273 : vector<16x16xi1>, vector<16x16xf32>
    %add3A_329 = vector.broadcast %broadcast_in_dim3A_310 : vector<1x1xf32> to vector<8x16xf32>
    %add3A_330 = arith.addf %select_n3A_278, %add3A_329 : vector<8x16xf32>
    %broadcast_in_dim3A_331 = vector.shape_cast %eq3A_313 : vector<1x16xi1> to vector<1x16xi1>
    %broadcast_in_dim3A_332 = vector.broadcast %broadcast_in_dim3A_331 : vector<1x16xi1> to vector<8x16xi1>
    %select_n3A_333 = arith.select %broadcast_in_dim3A_332, %add3A_330, %select_n3A_278 : vector<8x16xi1>, vector<8x16xf32>
    %eq3A_334 = arith.constant 5 : i32
    %eq3A_335 = vector.broadcast %eq3A_334 : i32 to vector<1x2048xi32>
    %eq3A_336 = arith.cmpi eq, %get3A_52, %eq3A_335 : vector<1x2048xi32>
    %jit3A_337 = arith.constant 0x7F800000 : f32
    %broadcast_in_dim3A_338 = vector.shape_cast %eq3A_336 : vector<1x2048xi1> to vector<1x2048xi1>
    %broadcast_in_dim3A_339 = vector.broadcast %broadcast_in_dim3A_338 : vector<1x2048xi1> to vector<16x2048xi1>
    %broadcast_in_dim3A_340 = vector.broadcast %jit3A_337 : f32 to vector<16x2048xf32>
    %select_n3A_341 = arith.select %broadcast_in_dim3A_339, %select_n3A_49, %broadcast_in_dim3A_340 : vector<16x2048xi1>, vector<16x2048xf32>
    %reduce_min3A_342 = arith.constant dense<0x7F800000> : vector<16xf32>
    %reduce_min3A_343 = vector.multi_reduction <minimumf>, %select_n3A_341, %reduce_min3A_342 [1] : vector<16x2048xf32> to vector<16xf32>
    %broadcast_in_dim3A_344 = vector.shape_cast %reduce_min3A_343 : vector<16xf32> to vector<16x1xf32>
    %jit3A_345 = arith.constant 0xFF800000 : f32
    %broadcast_in_dim3A_346 = vector.shape_cast %eq3A_336 : vector<1x2048xi1> to vector<1x2048xi1>
    %broadcast_in_dim3A_347 = vector.broadcast %broadcast_in_dim3A_346 : vector<1x2048xi1> to vector<16x2048xi1>
    %broadcast_in_dim3A_348 = vector.broadcast %jit3A_345 : f32 to vector<16x2048xf32>
    %select_n3A_349 = arith.select %broadcast_in_dim3A_347, %select_n3A_49, %broadcast_in_dim3A_348 : vector<16x2048xi1>, vector<16x2048xf32>
    %reduce_max3A_350 = arith.constant dense<0xFF800000> : vector<16xf32>
    %reduce_max3A_351 = vector.multi_reduction <maximumf>, %select_n3A_349, %reduce_max3A_350 [1] : vector<16x2048xf32> to vector<16xf32>
    %broadcast_in_dim3A_352 = vector.shape_cast %reduce_max3A_351 : vector<16xf32> to vector<16x1xf32>
    %jit3A_353 = arith.constant 0.000000e+00 : f32
    %broadcast_in_dim3A_354 = vector.shape_cast %eq3A_336 : vector<1x2048xi1> to vector<1x2048xi1>
    %broadcast_in_dim3A_355 = vector.broadcast %broadcast_in_dim3A_354 : vector<1x2048xi1> to vector<16x2048xi1>
    %broadcast_in_dim3A_356 = vector.broadcast %jit3A_353 : f32 to vector<16x2048xf32>
    %select_n3A_357 = arith.select %broadcast_in_dim3A_355, %select_n3A_49, %broadcast_in_dim3A_356 : vector<16x2048xi1>, vector<16x2048xf32>
    %reduce_sum3A_358 = arith.constant dense<0.000000e+00> : vector<16xf32>
    %reduce_sum3A_359 = vector.multi_reduction <add>, %select_n3A_357, %reduce_sum3A_358 [1] : vector<16x2048xf32> to vector<16xf32>
    %broadcast_in_dim3A_360 = vector.shape_cast %reduce_sum3A_359 : vector<16xf32> to vector<16x1xf32>
    %convert_element_type3A_361 = arith.extui %eq3A_336 : vector<1x2048xi1> to vector<1x2048xi32>
    %convert_element_type3A_362 = arith.sitofp %convert_element_type3A_361 : vector<1x2048xi32> to vector<1x2048xf32>
    %reduce_sum3A_363 = arith.constant dense<0.000000e+00> : vector<1xf32>
    %reduce_sum3A_364 = vector.multi_reduction <add>, %convert_element_type3A_362, %reduce_sum3A_363 [1] : vector<1x2048xf32> to vector<1xf32>
    %broadcast_in_dim3A_365 = vector.shape_cast %reduce_sum3A_364 : vector<1xf32> to vector<1x1xf32>
    %eq3A_366 = arith.constant 5 : i32
    %eq3A_367 = vector.broadcast %eq3A_366 : i32 to vector<1x16xi32>
    %eq3A_368 = arith.cmpi eq, %iota3A, %eq3A_367 : vector<1x16xi32>
    %min3A_369 = vector.broadcast %broadcast_in_dim3A_344 : vector<16x1xf32> to vector<16x16xf32>
    %min3A_370 = arith.minimumf %select_n3A_318, %min3A_369 : vector<16x16xf32>
    %broadcast_in_dim3A_371 = vector.shape_cast %eq3A_368 : vector<1x16xi1> to vector<1x16xi1>
    %broadcast_in_dim3A_372 = vector.broadcast %broadcast_in_dim3A_371 : vector<1x16xi1> to vector<16x16xi1>
    %select_n3A_373 = arith.select %broadcast_in_dim3A_372, %min3A_370, %select_n3A_318 : vector<16x16xi1>, vector<16x16xf32>
    %max3A_374 = vector.broadcast %broadcast_in_dim3A_352 : vector<16x1xf32> to vector<16x16xf32>
    %max3A_375 = arith.maximumf %select_n3A_323, %max3A_374 : vector<16x16xf32>
    %broadcast_in_dim3A_376 = vector.shape_cast %eq3A_368 : vector<1x16xi1> to vector<1x16xi1>
    %broadcast_in_dim3A_377 = vector.broadcast %broadcast_in_dim3A_376 : vector<1x16xi1> to vector<16x16xi1>
    %select_n3A_378 = arith.select %broadcast_in_dim3A_377, %max3A_375, %select_n3A_323 : vector<16x16xi1>, vector<16x16xf32>
    %add3A_379 = vector.broadcast %broadcast_in_dim3A_360 : vector<16x1xf32> to vector<16x16xf32>
    %add3A_380 = arith.addf %select_n3A_328, %add3A_379 : vector<16x16xf32>
    %broadcast_in_dim3A_381 = vector.shape_cast %eq3A_368 : vector<1x16xi1> to vector<1x16xi1>
    %broadcast_in_dim3A_382 = vector.broadcast %broadcast_in_dim3A_381 : vector<1x16xi1> to vector<16x16xi1>
    %select_n3A_383 = arith.select %broadcast_in_dim3A_382, %add3A_380, %select_n3A_328 : vector<16x16xi1>, vector<16x16xf32>
    %add3A_384 = vector.broadcast %broadcast_in_dim3A_365 : vector<1x1xf32> to vector<8x16xf32>
    %add3A_385 = arith.addf %select_n3A_333, %add3A_384 : vector<8x16xf32>
    %broadcast_in_dim3A_386 = vector.shape_cast %eq3A_368 : vector<1x16xi1> to vector<1x16xi1>
    %broadcast_in_dim3A_387 = vector.broadcast %broadcast_in_dim3A_386 : vector<1x16xi1> to vector<8x16xi1>
    %select_n3A_388 = arith.select %broadcast_in_dim3A_387, %add3A_385, %select_n3A_333 : vector<8x16xi1>, vector<8x16xf32>
    %eq3A_389 = arith.constant 6 : i32
    %eq3A_390 = vector.broadcast %eq3A_389 : i32 to vector<1x2048xi32>
    %eq3A_391 = arith.cmpi eq, %get3A_52, %eq3A_390 : vector<1x2048xi32>
    %jit3A_392 = arith.constant 0x7F800000 : f32
    %broadcast_in_dim3A_393 = vector.shape_cast %eq3A_391 : vector<1x2048xi1> to vector<1x2048xi1>
    %broadcast_in_dim3A_394 = vector.broadcast %broadcast_in_dim3A_393 : vector<1x2048xi1> to vector<16x2048xi1>
    %broadcast_in_dim3A_395 = vector.broadcast %jit3A_392 : f32 to vector<16x2048xf32>
    %select_n3A_396 = arith.select %broadcast_in_dim3A_394, %select_n3A_49, %broadcast_in_dim3A_395 : vector<16x2048xi1>, vector<16x2048xf32>
    %reduce_min3A_397 = arith.constant dense<0x7F800000> : vector<16xf32>
    %reduce_min3A_398 = vector.multi_reduction <minimumf>, %select_n3A_396, %reduce_min3A_397 [1] : vector<16x2048xf32> to vector<16xf32>
    %broadcast_in_dim3A_399 = vector.shape_cast %reduce_min3A_398 : vector<16xf32> to vector<16x1xf32>
    %jit3A_400 = arith.constant 0xFF800000 : f32
    %broadcast_in_dim3A_401 = vector.shape_cast %eq3A_391 : vector<1x2048xi1> to vector<1x2048xi1>
    %broadcast_in_dim3A_402 = vector.broadcast %broadcast_in_dim3A_401 : vector<1x2048xi1> to vector<16x2048xi1>
    %broadcast_in_dim3A_403 = vector.broadcast %jit3A_400 : f32 to vector<16x2048xf32>
    %select_n3A_404 = arith.select %broadcast_in_dim3A_402, %select_n3A_49, %broadcast_in_dim3A_403 : vector<16x2048xi1>, vector<16x2048xf32>
    %reduce_max3A_405 = arith.constant dense<0xFF800000> : vector<16xf32>
    %reduce_max3A_406 = vector.multi_reduction <maximumf>, %select_n3A_404, %reduce_max3A_405 [1] : vector<16x2048xf32> to vector<16xf32>
    %broadcast_in_dim3A_407 = vector.shape_cast %reduce_max3A_406 : vector<16xf32> to vector<16x1xf32>
    %jit3A_408 = arith.constant 0.000000e+00 : f32
    %broadcast_in_dim3A_409 = vector.shape_cast %eq3A_391 : vector<1x2048xi1> to vector<1x2048xi1>
    %broadcast_in_dim3A_410 = vector.broadcast %broadcast_in_dim3A_409 : vector<1x2048xi1> to vector<16x2048xi1>
    %broadcast_in_dim3A_411 = vector.broadcast %jit3A_408 : f32 to vector<16x2048xf32>
    %select_n3A_412 = arith.select %broadcast_in_dim3A_410, %select_n3A_49, %broadcast_in_dim3A_411 : vector<16x2048xi1>, vector<16x2048xf32>
    %reduce_sum3A_413 = arith.constant dense<0.000000e+00> : vector<16xf32>
    %reduce_sum3A_414 = vector.multi_reduction <add>, %select_n3A_412, %reduce_sum3A_413 [1] : vector<16x2048xf32> to vector<16xf32>
    %broadcast_in_dim3A_415 = vector.shape_cast %reduce_sum3A_414 : vector<16xf32> to vector<16x1xf32>
    %convert_element_type3A_416 = arith.extui %eq3A_391 : vector<1x2048xi1> to vector<1x2048xi32>
    %convert_element_type3A_417 = arith.sitofp %convert_element_type3A_416 : vector<1x2048xi32> to vector<1x2048xf32>
    %reduce_sum3A_418 = arith.constant dense<0.000000e+00> : vector<1xf32>
    %reduce_sum3A_419 = vector.multi_reduction <add>, %convert_element_type3A_417, %reduce_sum3A_418 [1] : vector<1x2048xf32> to vector<1xf32>
    %broadcast_in_dim3A_420 = vector.shape_cast %reduce_sum3A_419 : vector<1xf32> to vector<1x1xf32>
    %eq3A_421 = arith.constant 6 : i32
    %eq3A_422 = vector.broadcast %eq3A_421 : i32 to vector<1x16xi32>
    %eq3A_423 = arith.cmpi eq, %iota3A, %eq3A_422 : vector<1x16xi32>
    %min3A_424 = vector.broadcast %broadcast_in_dim3A_399 : vector<16x1xf32> to vector<16x16xf32>
    %min3A_425 = arith.minimumf %select_n3A_373, %min3A_424 : vector<16x16xf32>
    %broadcast_in_dim3A_426 = vector.shape_cast %eq3A_423 : vector<1x16xi1> to vector<1x16xi1>
    %broadcast_in_dim3A_427 = vector.broadcast %broadcast_in_dim3A_426 : vector<1x16xi1> to vector<16x16xi1>
    %select_n3A_428 = arith.select %broadcast_in_dim3A_427, %min3A_425, %select_n3A_373 : vector<16x16xi1>, vector<16x16xf32>
    %max3A_429 = vector.broadcast %broadcast_in_dim3A_407 : vector<16x1xf32> to vector<16x16xf32>
    %max3A_430 = arith.maximumf %select_n3A_378, %max3A_429 : vector<16x16xf32>
    %broadcast_in_dim3A_431 = vector.shape_cast %eq3A_423 : vector<1x16xi1> to vector<1x16xi1>
    %broadcast_in_dim3A_432 = vector.broadcast %broadcast_in_dim3A_431 : vector<1x16xi1> to vector<16x16xi1>
    %select_n3A_433 = arith.select %broadcast_in_dim3A_432, %max3A_430, %select_n3A_378 : vector<16x16xi1>, vector<16x16xf32>
    %add3A_434 = vector.broadcast %broadcast_in_dim3A_415 : vector<16x1xf32> to vector<16x16xf32>
    %add3A_435 = arith.addf %select_n3A_383, %add3A_434 : vector<16x16xf32>
    %broadcast_in_dim3A_436 = vector.shape_cast %eq3A_423 : vector<1x16xi1> to vector<1x16xi1>
    %broadcast_in_dim3A_437 = vector.broadcast %broadcast_in_dim3A_436 : vector<1x16xi1> to vector<16x16xi1>
    %select_n3A_438 = arith.select %broadcast_in_dim3A_437, %add3A_435, %select_n3A_383 : vector<16x16xi1>, vector<16x16xf32>
    %add3A_439 = vector.broadcast %broadcast_in_dim3A_420 : vector<1x1xf32> to vector<8x16xf32>
    %add3A_440 = arith.addf %select_n3A_388, %add3A_439 : vector<8x16xf32>
    %broadcast_in_dim3A_441 = vector.shape_cast %eq3A_423 : vector<1x16xi1> to vector<1x16xi1>
    %broadcast_in_dim3A_442 = vector.broadcast %broadcast_in_dim3A_441 : vector<1x16xi1> to vector<8x16xi1>
    %select_n3A_443 = arith.select %broadcast_in_dim3A_442, %add3A_440, %select_n3A_388 : vector<8x16xi1>, vector<8x16xf32>
    %eq3A_444 = arith.constant 7 : i32
    %eq3A_445 = vector.broadcast %eq3A_444 : i32 to vector<1x2048xi32>
    %eq3A_446 = arith.cmpi eq, %get3A_52, %eq3A_445 : vector<1x2048xi32>
    %jit3A_447 = arith.constant 0x7F800000 : f32
    %broadcast_in_dim3A_448 = vector.shape_cast %eq3A_446 : vector<1x2048xi1> to vector<1x2048xi1>
    %broadcast_in_dim3A_449 = vector.broadcast %broadcast_in_dim3A_448 : vector<1x2048xi1> to vector<16x2048xi1>
    %broadcast_in_dim3A_450 = vector.broadcast %jit3A_447 : f32 to vector<16x2048xf32>
    %select_n3A_451 = arith.select %broadcast_in_dim3A_449, %select_n3A_49, %broadcast_in_dim3A_450 : vector<16x2048xi1>, vector<16x2048xf32>
    %reduce_min3A_452 = arith.constant dense<0x7F800000> : vector<16xf32>
    %reduce_min3A_453 = vector.multi_reduction <minimumf>, %select_n3A_451, %reduce_min3A_452 [1] : vector<16x2048xf32> to vector<16xf32>
    %broadcast_in_dim3A_454 = vector.shape_cast %reduce_min3A_453 : vector<16xf32> to vector<16x1xf32>
    %jit3A_455 = arith.constant 0xFF800000 : f32
    %broadcast_in_dim3A_456 = vector.shape_cast %eq3A_446 : vector<1x2048xi1> to vector<1x2048xi1>
    %broadcast_in_dim3A_457 = vector.broadcast %broadcast_in_dim3A_456 : vector<1x2048xi1> to vector<16x2048xi1>
    %broadcast_in_dim3A_458 = vector.broadcast %jit3A_455 : f32 to vector<16x2048xf32>
    %select_n3A_459 = arith.select %broadcast_in_dim3A_457, %select_n3A_49, %broadcast_in_dim3A_458 : vector<16x2048xi1>, vector<16x2048xf32>
    %reduce_max3A_460 = arith.constant dense<0xFF800000> : vector<16xf32>
    %reduce_max3A_461 = vector.multi_reduction <maximumf>, %select_n3A_459, %reduce_max3A_460 [1] : vector<16x2048xf32> to vector<16xf32>
    %broadcast_in_dim3A_462 = vector.shape_cast %reduce_max3A_461 : vector<16xf32> to vector<16x1xf32>
    %jit3A_463 = arith.constant 0.000000e+00 : f32
    %broadcast_in_dim3A_464 = vector.shape_cast %eq3A_446 : vector<1x2048xi1> to vector<1x2048xi1>
    %broadcast_in_dim3A_465 = vector.broadcast %broadcast_in_dim3A_464 : vector<1x2048xi1> to vector<16x2048xi1>
    %broadcast_in_dim3A_466 = vector.broadcast %jit3A_463 : f32 to vector<16x2048xf32>
    %select_n3A_467 = arith.select %broadcast_in_dim3A_465, %select_n3A_49, %broadcast_in_dim3A_466 : vector<16x2048xi1>, vector<16x2048xf32>
    %reduce_sum3A_468 = arith.constant dense<0.000000e+00> : vector<16xf32>
    %reduce_sum3A_469 = vector.multi_reduction <add>, %select_n3A_467, %reduce_sum3A_468 [1] : vector<16x2048xf32> to vector<16xf32>
    %broadcast_in_dim3A_470 = vector.shape_cast %reduce_sum3A_469 : vector<16xf32> to vector<16x1xf32>
    %convert_element_type3A_471 = arith.extui %eq3A_446 : vector<1x2048xi1> to vector<1x2048xi32>
    %convert_element_type3A_472 = arith.sitofp %convert_element_type3A_471 : vector<1x2048xi32> to vector<1x2048xf32>
    %reduce_sum3A_473 = arith.constant dense<0.000000e+00> : vector<1xf32>
    %reduce_sum3A_474 = vector.multi_reduction <add>, %convert_element_type3A_472, %reduce_sum3A_473 [1] : vector<1x2048xf32> to vector<1xf32>
    %broadcast_in_dim3A_475 = vector.shape_cast %reduce_sum3A_474 : vector<1xf32> to vector<1x1xf32>
    %eq3A_476 = arith.constant 7 : i32
    %eq3A_477 = vector.broadcast %eq3A_476 : i32 to vector<1x16xi32>
    %eq3A_478 = arith.cmpi eq, %iota3A, %eq3A_477 : vector<1x16xi32>
    %min3A_479 = vector.broadcast %broadcast_in_dim3A_454 : vector<16x1xf32> to vector<16x16xf32>
    %min3A_480 = arith.minimumf %select_n3A_428, %min3A_479 : vector<16x16xf32>
    %broadcast_in_dim3A_481 = vector.shape_cast %eq3A_478 : vector<1x16xi1> to vector<1x16xi1>
    %broadcast_in_dim3A_482 = vector.broadcast %broadcast_in_dim3A_481 : vector<1x16xi1> to vector<16x16xi1>
    %select_n3A_483 = arith.select %broadcast_in_dim3A_482, %min3A_480, %select_n3A_428 : vector<16x16xi1>, vector<16x16xf32>
    %max3A_484 = vector.broadcast %broadcast_in_dim3A_462 : vector<16x1xf32> to vector<16x16xf32>
    %max3A_485 = arith.maximumf %select_n3A_433, %max3A_484 : vector<16x16xf32>
    %broadcast_in_dim3A_486 = vector.shape_cast %eq3A_478 : vector<1x16xi1> to vector<1x16xi1>
    %broadcast_in_dim3A_487 = vector.broadcast %broadcast_in_dim3A_486 : vector<1x16xi1> to vector<16x16xi1>
    %select_n3A_488 = arith.select %broadcast_in_dim3A_487, %max3A_485, %select_n3A_433 : vector<16x16xi1>, vector<16x16xf32>
    %add3A_489 = vector.broadcast %broadcast_in_dim3A_470 : vector<16x1xf32> to vector<16x16xf32>
    %add3A_490 = arith.addf %select_n3A_438, %add3A_489 : vector<16x16xf32>
    %broadcast_in_dim3A_491 = vector.shape_cast %eq3A_478 : vector<1x16xi1> to vector<1x16xi1>
    %broadcast_in_dim3A_492 = vector.broadcast %broadcast_in_dim3A_491 : vector<1x16xi1> to vector<16x16xi1>
    %select_n3A_493 = arith.select %broadcast_in_dim3A_492, %add3A_490, %select_n3A_438 : vector<16x16xi1>, vector<16x16xf32>
    %add3A_494 = vector.broadcast %broadcast_in_dim3A_475 : vector<1x1xf32> to vector<8x16xf32>
    %add3A_495 = arith.addf %select_n3A_443, %add3A_494 : vector<8x16xf32>
    %broadcast_in_dim3A_496 = vector.shape_cast %eq3A_478 : vector<1x16xi1> to vector<1x16xi1>
    %broadcast_in_dim3A_497 = vector.broadcast %broadcast_in_dim3A_496 : vector<1x16xi1> to vector<8x16xi1>
    %select_n3A_498 = arith.select %broadcast_in_dim3A_497, %add3A_495, %select_n3A_443 : vector<8x16xi1>, vector<8x16xf32>
    %eq3A_499 = arith.constant 8 : i32
    %eq3A_500 = vector.broadcast %eq3A_499 : i32 to vector<1x2048xi32>
    %eq3A_501 = arith.cmpi eq, %get3A_52, %eq3A_500 : vector<1x2048xi32>
    %jit3A_502 = arith.constant 0x7F800000 : f32
    %broadcast_in_dim3A_503 = vector.shape_cast %eq3A_501 : vector<1x2048xi1> to vector<1x2048xi1>
    %broadcast_in_dim3A_504 = vector.broadcast %broadcast_in_dim3A_503 : vector<1x2048xi1> to vector<16x2048xi1>
    %broadcast_in_dim3A_505 = vector.broadcast %jit3A_502 : f32 to vector<16x2048xf32>
    %select_n3A_506 = arith.select %broadcast_in_dim3A_504, %select_n3A_49, %broadcast_in_dim3A_505 : vector<16x2048xi1>, vector<16x2048xf32>
    %reduce_min3A_507 = arith.constant dense<0x7F800000> : vector<16xf32>
    %reduce_min3A_508 = vector.multi_reduction <minimumf>, %select_n3A_506, %reduce_min3A_507 [1] : vector<16x2048xf32> to vector<16xf32>
    %broadcast_in_dim3A_509 = vector.shape_cast %reduce_min3A_508 : vector<16xf32> to vector<16x1xf32>
    %jit3A_510 = arith.constant 0xFF800000 : f32
    %broadcast_in_dim3A_511 = vector.shape_cast %eq3A_501 : vector<1x2048xi1> to vector<1x2048xi1>
    %broadcast_in_dim3A_512 = vector.broadcast %broadcast_in_dim3A_511 : vector<1x2048xi1> to vector<16x2048xi1>
    %broadcast_in_dim3A_513 = vector.broadcast %jit3A_510 : f32 to vector<16x2048xf32>
    %select_n3A_514 = arith.select %broadcast_in_dim3A_512, %select_n3A_49, %broadcast_in_dim3A_513 : vector<16x2048xi1>, vector<16x2048xf32>
    %reduce_max3A_515 = arith.constant dense<0xFF800000> : vector<16xf32>
    %reduce_max3A_516 = vector.multi_reduction <maximumf>, %select_n3A_514, %reduce_max3A_515 [1] : vector<16x2048xf32> to vector<16xf32>
    %broadcast_in_dim3A_517 = vector.shape_cast %reduce_max3A_516 : vector<16xf32> to vector<16x1xf32>
    %jit3A_518 = arith.constant 0.000000e+00 : f32
    %broadcast_in_dim3A_519 = vector.shape_cast %eq3A_501 : vector<1x2048xi1> to vector<1x2048xi1>
    %broadcast_in_dim3A_520 = vector.broadcast %broadcast_in_dim3A_519 : vector<1x2048xi1> to vector<16x2048xi1>
    %broadcast_in_dim3A_521 = vector.broadcast %jit3A_518 : f32 to vector<16x2048xf32>
    %select_n3A_522 = arith.select %broadcast_in_dim3A_520, %select_n3A_49, %broadcast_in_dim3A_521 : vector<16x2048xi1>, vector<16x2048xf32>
    %reduce_sum3A_523 = arith.constant dense<0.000000e+00> : vector<16xf32>
    %reduce_sum3A_524 = vector.multi_reduction <add>, %select_n3A_522, %reduce_sum3A_523 [1] : vector<16x2048xf32> to vector<16xf32>
    %broadcast_in_dim3A_525 = vector.shape_cast %reduce_sum3A_524 : vector<16xf32> to vector<16x1xf32>
    %convert_element_type3A_526 = arith.extui %eq3A_501 : vector<1x2048xi1> to vector<1x2048xi32>
    %convert_element_type3A_527 = arith.sitofp %convert_element_type3A_526 : vector<1x2048xi32> to vector<1x2048xf32>
    %reduce_sum3A_528 = arith.constant dense<0.000000e+00> : vector<1xf32>
    %reduce_sum3A_529 = vector.multi_reduction <add>, %convert_element_type3A_527, %reduce_sum3A_528 [1] : vector<1x2048xf32> to vector<1xf32>
    %broadcast_in_dim3A_530 = vector.shape_cast %reduce_sum3A_529 : vector<1xf32> to vector<1x1xf32>
    %eq3A_531 = arith.constant 8 : i32
    %eq3A_532 = vector.broadcast %eq3A_531 : i32 to vector<1x16xi32>
    %eq3A_533 = arith.cmpi eq, %iota3A, %eq3A_532 : vector<1x16xi32>
    %min3A_534 = vector.broadcast %broadcast_in_dim3A_509 : vector<16x1xf32> to vector<16x16xf32>
    %min3A_535 = arith.minimumf %select_n3A_483, %min3A_534 : vector<16x16xf32>
    %broadcast_in_dim3A_536 = vector.shape_cast %eq3A_533 : vector<1x16xi1> to vector<1x16xi1>
    %broadcast_in_dim3A_537 = vector.broadcast %broadcast_in_dim3A_536 : vector<1x16xi1> to vector<16x16xi1>
    %select_n3A_538 = arith.select %broadcast_in_dim3A_537, %min3A_535, %select_n3A_483 : vector<16x16xi1>, vector<16x16xf32>
    %max3A_539 = vector.broadcast %broadcast_in_dim3A_517 : vector<16x1xf32> to vector<16x16xf32>
    %max3A_540 = arith.maximumf %select_n3A_488, %max3A_539 : vector<16x16xf32>
    %broadcast_in_dim3A_541 = vector.shape_cast %eq3A_533 : vector<1x16xi1> to vector<1x16xi1>
    %broadcast_in_dim3A_542 = vector.broadcast %broadcast_in_dim3A_541 : vector<1x16xi1> to vector<16x16xi1>
    %select_n3A_543 = arith.select %broadcast_in_dim3A_542, %max3A_540, %select_n3A_488 : vector<16x16xi1>, vector<16x16xf32>
    %add3A_544 = vector.broadcast %broadcast_in_dim3A_525 : vector<16x1xf32> to vector<16x16xf32>
    %add3A_545 = arith.addf %select_n3A_493, %add3A_544 : vector<16x16xf32>
    %broadcast_in_dim3A_546 = vector.shape_cast %eq3A_533 : vector<1x16xi1> to vector<1x16xi1>
    %broadcast_in_dim3A_547 = vector.broadcast %broadcast_in_dim3A_546 : vector<1x16xi1> to vector<16x16xi1>
    %select_n3A_548 = arith.select %broadcast_in_dim3A_547, %add3A_545, %select_n3A_493 : vector<16x16xi1>, vector<16x16xf32>
    %add3A_549 = vector.broadcast %broadcast_in_dim3A_530 : vector<1x1xf32> to vector<8x16xf32>
    %add3A_550 = arith.addf %select_n3A_498, %add3A_549 : vector<8x16xf32>
    %broadcast_in_dim3A_551 = vector.shape_cast %eq3A_533 : vector<1x16xi1> to vector<1x16xi1>
    %broadcast_in_dim3A_552 = vector.broadcast %broadcast_in_dim3A_551 : vector<1x16xi1> to vector<8x16xi1>
    %select_n3A_553 = arith.select %broadcast_in_dim3A_552, %add3A_550, %select_n3A_498 : vector<8x16xi1>, vector<8x16xf32>
    %eq3A_554 = arith.constant 9 : i32
    %eq3A_555 = vector.broadcast %eq3A_554 : i32 to vector<1x2048xi32>
    %eq3A_556 = arith.cmpi eq, %get3A_52, %eq3A_555 : vector<1x2048xi32>
    %jit3A_557 = arith.constant 0x7F800000 : f32
    %broadcast_in_dim3A_558 = vector.shape_cast %eq3A_556 : vector<1x2048xi1> to vector<1x2048xi1>
    %broadcast_in_dim3A_559 = vector.broadcast %broadcast_in_dim3A_558 : vector<1x2048xi1> to vector<16x2048xi1>
    %broadcast_in_dim3A_560 = vector.broadcast %jit3A_557 : f32 to vector<16x2048xf32>
    %select_n3A_561 = arith.select %broadcast_in_dim3A_559, %select_n3A_49, %broadcast_in_dim3A_560 : vector<16x2048xi1>, vector<16x2048xf32>
    %reduce_min3A_562 = arith.constant dense<0x7F800000> : vector<16xf32>
    %reduce_min3A_563 = vector.multi_reduction <minimumf>, %select_n3A_561, %reduce_min3A_562 [1] : vector<16x2048xf32> to vector<16xf32>
    %broadcast_in_dim3A_564 = vector.shape_cast %reduce_min3A_563 : vector<16xf32> to vector<16x1xf32>
    %jit3A_565 = arith.constant 0xFF800000 : f32
    %broadcast_in_dim3A_566 = vector.shape_cast %eq3A_556 : vector<1x2048xi1> to vector<1x2048xi1>
    %broadcast_in_dim3A_567 = vector.broadcast %broadcast_in_dim3A_566 : vector<1x2048xi1> to vector<16x2048xi1>
    %broadcast_in_dim3A_568 = vector.broadcast %jit3A_565 : f32 to vector<16x2048xf32>
    %select_n3A_569 = arith.select %broadcast_in_dim3A_567, %select_n3A_49, %broadcast_in_dim3A_568 : vector<16x2048xi1>, vector<16x2048xf32>
    %reduce_max3A_570 = arith.constant dense<0xFF800000> : vector<16xf32>
    %reduce_max3A_571 = vector.multi_reduction <maximumf>, %select_n3A_569, %reduce_max3A_570 [1] : vector<16x2048xf32> to vector<16xf32>
    %broadcast_in_dim3A_572 = vector.shape_cast %reduce_max3A_571 : vector<16xf32> to vector<16x1xf32>
    %jit3A_573 = arith.constant 0.000000e+00 : f32
    %broadcast_in_dim3A_574 = vector.shape_cast %eq3A_556 : vector<1x2048xi1> to vector<1x2048xi1>
    %broadcast_in_dim3A_575 = vector.broadcast %broadcast_in_dim3A_574 : vector<1x2048xi1> to vector<16x2048xi1>
    %broadcast_in_dim3A_576 = vector.broadcast %jit3A_573 : f32 to vector<16x2048xf32>
    %select_n3A_577 = arith.select %broadcast_in_dim3A_575, %select_n3A_49, %broadcast_in_dim3A_576 : vector<16x2048xi1>, vector<16x2048xf32>
    %reduce_sum3A_578 = arith.constant dense<0.000000e+00> : vector<16xf32>
    %reduce_sum3A_579 = vector.multi_reduction <add>, %select_n3A_577, %reduce_sum3A_578 [1] : vector<16x2048xf32> to vector<16xf32>
    %broadcast_in_dim3A_580 = vector.shape_cast %reduce_sum3A_579 : vector<16xf32> to vector<16x1xf32>
    %convert_element_type3A_581 = arith.extui %eq3A_556 : vector<1x2048xi1> to vector<1x2048xi32>
    %convert_element_type3A_582 = arith.sitofp %convert_element_type3A_581 : vector<1x2048xi32> to vector<1x2048xf32>
    %reduce_sum3A_583 = arith.constant dense<0.000000e+00> : vector<1xf32>
    %reduce_sum3A_584 = vector.multi_reduction <add>, %convert_element_type3A_582, %reduce_sum3A_583 [1] : vector<1x2048xf32> to vector<1xf32>
    %broadcast_in_dim3A_585 = vector.shape_cast %reduce_sum3A_584 : vector<1xf32> to vector<1x1xf32>
    %eq3A_586 = arith.constant 9 : i32
    %eq3A_587 = vector.broadcast %eq3A_586 : i32 to vector<1x16xi32>
    %eq3A_588 = arith.cmpi eq, %iota3A, %eq3A_587 : vector<1x16xi32>
    %min3A_589 = vector.broadcast %broadcast_in_dim3A_564 : vector<16x1xf32> to vector<16x16xf32>
    %min3A_590 = arith.minimumf %select_n3A_538, %min3A_589 : vector<16x16xf32>
    %broadcast_in_dim3A_591 = vector.shape_cast %eq3A_588 : vector<1x16xi1> to vector<1x16xi1>
    %broadcast_in_dim3A_592 = vector.broadcast %broadcast_in_dim3A_591 : vector<1x16xi1> to vector<16x16xi1>
    %select_n3A_593 = arith.select %broadcast_in_dim3A_592, %min3A_590, %select_n3A_538 : vector<16x16xi1>, vector<16x16xf32>
    %max3A_594 = vector.broadcast %broadcast_in_dim3A_572 : vector<16x1xf32> to vector<16x16xf32>
    %max3A_595 = arith.maximumf %select_n3A_543, %max3A_594 : vector<16x16xf32>
    %broadcast_in_dim3A_596 = vector.shape_cast %eq3A_588 : vector<1x16xi1> to vector<1x16xi1>
    %broadcast_in_dim3A_597 = vector.broadcast %broadcast_in_dim3A_596 : vector<1x16xi1> to vector<16x16xi1>
    %select_n3A_598 = arith.select %broadcast_in_dim3A_597, %max3A_595, %select_n3A_543 : vector<16x16xi1>, vector<16x16xf32>
    %add3A_599 = vector.broadcast %broadcast_in_dim3A_580 : vector<16x1xf32> to vector<16x16xf32>
    %add3A_600 = arith.addf %select_n3A_548, %add3A_599 : vector<16x16xf32>
    %broadcast_in_dim3A_601 = vector.shape_cast %eq3A_588 : vector<1x16xi1> to vector<1x16xi1>
    %broadcast_in_dim3A_602 = vector.broadcast %broadcast_in_dim3A_601 : vector<1x16xi1> to vector<16x16xi1>
    %select_n3A_603 = arith.select %broadcast_in_dim3A_602, %add3A_600, %select_n3A_548 : vector<16x16xi1>, vector<16x16xf32>
    %add3A_604 = vector.broadcast %broadcast_in_dim3A_585 : vector<1x1xf32> to vector<8x16xf32>
    %add3A_605 = arith.addf %select_n3A_553, %add3A_604 : vector<8x16xf32>
    %broadcast_in_dim3A_606 = vector.shape_cast %eq3A_588 : vector<1x16xi1> to vector<1x16xi1>
    %broadcast_in_dim3A_607 = vector.broadcast %broadcast_in_dim3A_606 : vector<1x16xi1> to vector<8x16xi1>
    %select_n3A_608 = arith.select %broadcast_in_dim3A_607, %add3A_605, %select_n3A_553 : vector<8x16xi1>, vector<8x16xf32>
    %eq3A_609 = arith.constant 10 : i32
    %eq3A_610 = vector.broadcast %eq3A_609 : i32 to vector<1x2048xi32>
    %eq3A_611 = arith.cmpi eq, %get3A_52, %eq3A_610 : vector<1x2048xi32>
    %jit3A_612 = arith.constant 0x7F800000 : f32
    %broadcast_in_dim3A_613 = vector.shape_cast %eq3A_611 : vector<1x2048xi1> to vector<1x2048xi1>
    %broadcast_in_dim3A_614 = vector.broadcast %broadcast_in_dim3A_613 : vector<1x2048xi1> to vector<16x2048xi1>
    %broadcast_in_dim3A_615 = vector.broadcast %jit3A_612 : f32 to vector<16x2048xf32>
    %select_n3A_616 = arith.select %broadcast_in_dim3A_614, %select_n3A_49, %broadcast_in_dim3A_615 : vector<16x2048xi1>, vector<16x2048xf32>
    %reduce_min3A_617 = arith.constant dense<0x7F800000> : vector<16xf32>
    %reduce_min3A_618 = vector.multi_reduction <minimumf>, %select_n3A_616, %reduce_min3A_617 [1] : vector<16x2048xf32> to vector<16xf32>
    %broadcast_in_dim3A_619 = vector.shape_cast %reduce_min3A_618 : vector<16xf32> to vector<16x1xf32>
    %jit3A_620 = arith.constant 0xFF800000 : f32
    %broadcast_in_dim3A_621 = vector.shape_cast %eq3A_611 : vector<1x2048xi1> to vector<1x2048xi1>
    %broadcast_in_dim3A_622 = vector.broadcast %broadcast_in_dim3A_621 : vector<1x2048xi1> to vector<16x2048xi1>
    %broadcast_in_dim3A_623 = vector.broadcast %jit3A_620 : f32 to vector<16x2048xf32>
    %select_n3A_624 = arith.select %broadcast_in_dim3A_622, %select_n3A_49, %broadcast_in_dim3A_623 : vector<16x2048xi1>, vector<16x2048xf32>
    %reduce_max3A_625 = arith.constant dense<0xFF800000> : vector<16xf32>
    %reduce_max3A_626 = vector.multi_reduction <maximumf>, %select_n3A_624, %reduce_max3A_625 [1] : vector<16x2048xf32> to vector<16xf32>
    %broadcast_in_dim3A_627 = vector.shape_cast %reduce_max3A_626 : vector<16xf32> to vector<16x1xf32>
    %jit3A_628 = arith.constant 0.000000e+00 : f32
    %broadcast_in_dim3A_629 = vector.shape_cast %eq3A_611 : vector<1x2048xi1> to vector<1x2048xi1>
    %broadcast_in_dim3A_630 = vector.broadcast %broadcast_in_dim3A_629 : vector<1x2048xi1> to vector<16x2048xi1>
    %broadcast_in_dim3A_631 = vector.broadcast %jit3A_628 : f32 to vector<16x2048xf32>
    %select_n3A_632 = arith.select %broadcast_in_dim3A_630, %select_n3A_49, %broadcast_in_dim3A_631 : vector<16x2048xi1>, vector<16x2048xf32>
    %reduce_sum3A_633 = arith.constant dense<0.000000e+00> : vector<16xf32>
    %reduce_sum3A_634 = vector.multi_reduction <add>, %select_n3A_632, %reduce_sum3A_633 [1] : vector<16x2048xf32> to vector<16xf32>
    %broadcast_in_dim3A_635 = vector.shape_cast %reduce_sum3A_634 : vector<16xf32> to vector<16x1xf32>
    %convert_element_type3A_636 = arith.extui %eq3A_611 : vector<1x2048xi1> to vector<1x2048xi32>
    %convert_element_type3A_637 = arith.sitofp %convert_element_type3A_636 : vector<1x2048xi32> to vector<1x2048xf32>
    %reduce_sum3A_638 = arith.constant dense<0.000000e+00> : vector<1xf32>
    %reduce_sum3A_639 = vector.multi_reduction <add>, %convert_element_type3A_637, %reduce_sum3A_638 [1] : vector<1x2048xf32> to vector<1xf32>
    %broadcast_in_dim3A_640 = vector.shape_cast %reduce_sum3A_639 : vector<1xf32> to vector<1x1xf32>
    %eq3A_641 = arith.constant 10 : i32
    %eq3A_642 = vector.broadcast %eq3A_641 : i32 to vector<1x16xi32>
    %eq3A_643 = arith.cmpi eq, %iota3A, %eq3A_642 : vector<1x16xi32>
    %min3A_644 = vector.broadcast %broadcast_in_dim3A_619 : vector<16x1xf32> to vector<16x16xf32>
    %min3A_645 = arith.minimumf %select_n3A_593, %min3A_644 : vector<16x16xf32>
    %broadcast_in_dim3A_646 = vector.shape_cast %eq3A_643 : vector<1x16xi1> to vector<1x16xi1>
    %broadcast_in_dim3A_647 = vector.broadcast %broadcast_in_dim3A_646 : vector<1x16xi1> to vector<16x16xi1>
    %select_n3A_648 = arith.select %broadcast_in_dim3A_647, %min3A_645, %select_n3A_593 : vector<16x16xi1>, vector<16x16xf32>
    %max3A_649 = vector.broadcast %broadcast_in_dim3A_627 : vector<16x1xf32> to vector<16x16xf32>
    %max3A_650 = arith.maximumf %select_n3A_598, %max3A_649 : vector<16x16xf32>
    %broadcast_in_dim3A_651 = vector.shape_cast %eq3A_643 : vector<1x16xi1> to vector<1x16xi1>
    %broadcast_in_dim3A_652 = vector.broadcast %broadcast_in_dim3A_651 : vector<1x16xi1> to vector<16x16xi1>
    %select_n3A_653 = arith.select %broadcast_in_dim3A_652, %max3A_650, %select_n3A_598 : vector<16x16xi1>, vector<16x16xf32>
    %add3A_654 = vector.broadcast %broadcast_in_dim3A_635 : vector<16x1xf32> to vector<16x16xf32>
    %add3A_655 = arith.addf %select_n3A_603, %add3A_654 : vector<16x16xf32>
    %broadcast_in_dim3A_656 = vector.shape_cast %eq3A_643 : vector<1x16xi1> to vector<1x16xi1>
    %broadcast_in_dim3A_657 = vector.broadcast %broadcast_in_dim3A_656 : vector<1x16xi1> to vector<16x16xi1>
    %select_n3A_658 = arith.select %broadcast_in_dim3A_657, %add3A_655, %select_n3A_603 : vector<16x16xi1>, vector<16x16xf32>
    %add3A_659 = vector.broadcast %broadcast_in_dim3A_640 : vector<1x1xf32> to vector<8x16xf32>
    %add3A_660 = arith.addf %select_n3A_608, %add3A_659 : vector<8x16xf32>
    %broadcast_in_dim3A_661 = vector.shape_cast %eq3A_643 : vector<1x16xi1> to vector<1x16xi1>
    %broadcast_in_dim3A_662 = vector.broadcast %broadcast_in_dim3A_661 : vector<1x16xi1> to vector<8x16xi1>
    %select_n3A_663 = arith.select %broadcast_in_dim3A_662, %add3A_660, %select_n3A_608 : vector<8x16xi1>, vector<8x16xf32>
    %eq3A_664 = arith.constant 11 : i32
    %eq3A_665 = vector.broadcast %eq3A_664 : i32 to vector<1x2048xi32>
    %eq3A_666 = arith.cmpi eq, %get3A_52, %eq3A_665 : vector<1x2048xi32>
    %jit3A_667 = arith.constant 0x7F800000 : f32
    %broadcast_in_dim3A_668 = vector.shape_cast %eq3A_666 : vector<1x2048xi1> to vector<1x2048xi1>
    %broadcast_in_dim3A_669 = vector.broadcast %broadcast_in_dim3A_668 : vector<1x2048xi1> to vector<16x2048xi1>
    %broadcast_in_dim3A_670 = vector.broadcast %jit3A_667 : f32 to vector<16x2048xf32>
    %select_n3A_671 = arith.select %broadcast_in_dim3A_669, %select_n3A_49, %broadcast_in_dim3A_670 : vector<16x2048xi1>, vector<16x2048xf32>
    %reduce_min3A_672 = arith.constant dense<0x7F800000> : vector<16xf32>
    %reduce_min3A_673 = vector.multi_reduction <minimumf>, %select_n3A_671, %reduce_min3A_672 [1] : vector<16x2048xf32> to vector<16xf32>
    %broadcast_in_dim3A_674 = vector.shape_cast %reduce_min3A_673 : vector<16xf32> to vector<16x1xf32>
    %jit3A_675 = arith.constant 0xFF800000 : f32
    %broadcast_in_dim3A_676 = vector.shape_cast %eq3A_666 : vector<1x2048xi1> to vector<1x2048xi1>
    %broadcast_in_dim3A_677 = vector.broadcast %broadcast_in_dim3A_676 : vector<1x2048xi1> to vector<16x2048xi1>
    %broadcast_in_dim3A_678 = vector.broadcast %jit3A_675 : f32 to vector<16x2048xf32>
    %select_n3A_679 = arith.select %broadcast_in_dim3A_677, %select_n3A_49, %broadcast_in_dim3A_678 : vector<16x2048xi1>, vector<16x2048xf32>
    %reduce_max3A_680 = arith.constant dense<0xFF800000> : vector<16xf32>
    %reduce_max3A_681 = vector.multi_reduction <maximumf>, %select_n3A_679, %reduce_max3A_680 [1] : vector<16x2048xf32> to vector<16xf32>
    %broadcast_in_dim3A_682 = vector.shape_cast %reduce_max3A_681 : vector<16xf32> to vector<16x1xf32>
    %jit3A_683 = arith.constant 0.000000e+00 : f32
    %broadcast_in_dim3A_684 = vector.shape_cast %eq3A_666 : vector<1x2048xi1> to vector<1x2048xi1>
    %broadcast_in_dim3A_685 = vector.broadcast %broadcast_in_dim3A_684 : vector<1x2048xi1> to vector<16x2048xi1>
    %broadcast_in_dim3A_686 = vector.broadcast %jit3A_683 : f32 to vector<16x2048xf32>
    %select_n3A_687 = arith.select %broadcast_in_dim3A_685, %select_n3A_49, %broadcast_in_dim3A_686 : vector<16x2048xi1>, vector<16x2048xf32>
    %reduce_sum3A_688 = arith.constant dense<0.000000e+00> : vector<16xf32>
    %reduce_sum3A_689 = vector.multi_reduction <add>, %select_n3A_687, %reduce_sum3A_688 [1] : vector<16x2048xf32> to vector<16xf32>
    %broadcast_in_dim3A_690 = vector.shape_cast %reduce_sum3A_689 : vector<16xf32> to vector<16x1xf32>
    %convert_element_type3A_691 = arith.extui %eq3A_666 : vector<1x2048xi1> to vector<1x2048xi32>
    %convert_element_type3A_692 = arith.sitofp %convert_element_type3A_691 : vector<1x2048xi32> to vector<1x2048xf32>
    %reduce_sum3A_693 = arith.constant dense<0.000000e+00> : vector<1xf32>
    %reduce_sum3A_694 = vector.multi_reduction <add>, %convert_element_type3A_692, %reduce_sum3A_693 [1] : vector<1x2048xf32> to vector<1xf32>
    %broadcast_in_dim3A_695 = vector.shape_cast %reduce_sum3A_694 : vector<1xf32> to vector<1x1xf32>
    %eq3A_696 = arith.constant 11 : i32
    %eq3A_697 = vector.broadcast %eq3A_696 : i32 to vector<1x16xi32>
    %eq3A_698 = arith.cmpi eq, %iota3A, %eq3A_697 : vector<1x16xi32>
    %min3A_699 = vector.broadcast %broadcast_in_dim3A_674 : vector<16x1xf32> to vector<16x16xf32>
    %min3A_700 = arith.minimumf %select_n3A_648, %min3A_699 : vector<16x16xf32>
    %broadcast_in_dim3A_701 = vector.shape_cast %eq3A_698 : vector<1x16xi1> to vector<1x16xi1>
    %broadcast_in_dim3A_702 = vector.broadcast %broadcast_in_dim3A_701 : vector<1x16xi1> to vector<16x16xi1>
    %select_n3A_703 = arith.select %broadcast_in_dim3A_702, %min3A_700, %select_n3A_648 : vector<16x16xi1>, vector<16x16xf32>
    %max3A_704 = vector.broadcast %broadcast_in_dim3A_682 : vector<16x1xf32> to vector<16x16xf32>
    %max3A_705 = arith.maximumf %select_n3A_653, %max3A_704 : vector<16x16xf32>
    %broadcast_in_dim3A_706 = vector.shape_cast %eq3A_698 : vector<1x16xi1> to vector<1x16xi1>
    %broadcast_in_dim3A_707 = vector.broadcast %broadcast_in_dim3A_706 : vector<1x16xi1> to vector<16x16xi1>
    %select_n3A_708 = arith.select %broadcast_in_dim3A_707, %max3A_705, %select_n3A_653 : vector<16x16xi1>, vector<16x16xf32>
    %add3A_709 = vector.broadcast %broadcast_in_dim3A_690 : vector<16x1xf32> to vector<16x16xf32>
    %add3A_710 = arith.addf %select_n3A_658, %add3A_709 : vector<16x16xf32>
    %broadcast_in_dim3A_711 = vector.shape_cast %eq3A_698 : vector<1x16xi1> to vector<1x16xi1>
    %broadcast_in_dim3A_712 = vector.broadcast %broadcast_in_dim3A_711 : vector<1x16xi1> to vector<16x16xi1>
    %select_n3A_713 = arith.select %broadcast_in_dim3A_712, %add3A_710, %select_n3A_658 : vector<16x16xi1>, vector<16x16xf32>
    %add3A_714 = vector.broadcast %broadcast_in_dim3A_695 : vector<1x1xf32> to vector<8x16xf32>
    %add3A_715 = arith.addf %select_n3A_663, %add3A_714 : vector<8x16xf32>
    %broadcast_in_dim3A_716 = vector.shape_cast %eq3A_698 : vector<1x16xi1> to vector<1x16xi1>
    %broadcast_in_dim3A_717 = vector.broadcast %broadcast_in_dim3A_716 : vector<1x16xi1> to vector<8x16xi1>
    %select_n3A_718 = arith.select %broadcast_in_dim3A_717, %add3A_715, %select_n3A_663 : vector<8x16xi1>, vector<8x16xf32>
    %eq3A_719 = arith.constant 12 : i32
    %eq3A_720 = vector.broadcast %eq3A_719 : i32 to vector<1x2048xi32>
    %eq3A_721 = arith.cmpi eq, %get3A_52, %eq3A_720 : vector<1x2048xi32>
    %jit3A_722 = arith.constant 0x7F800000 : f32
    %broadcast_in_dim3A_723 = vector.shape_cast %eq3A_721 : vector<1x2048xi1> to vector<1x2048xi1>
    %broadcast_in_dim3A_724 = vector.broadcast %broadcast_in_dim3A_723 : vector<1x2048xi1> to vector<16x2048xi1>
    %broadcast_in_dim3A_725 = vector.broadcast %jit3A_722 : f32 to vector<16x2048xf32>
    %select_n3A_726 = arith.select %broadcast_in_dim3A_724, %select_n3A_49, %broadcast_in_dim3A_725 : vector<16x2048xi1>, vector<16x2048xf32>
    %reduce_min3A_727 = arith.constant dense<0x7F800000> : vector<16xf32>
    %reduce_min3A_728 = vector.multi_reduction <minimumf>, %select_n3A_726, %reduce_min3A_727 [1] : vector<16x2048xf32> to vector<16xf32>
    %broadcast_in_dim3A_729 = vector.shape_cast %reduce_min3A_728 : vector<16xf32> to vector<16x1xf32>
    %jit3A_730 = arith.constant 0xFF800000 : f32
    %broadcast_in_dim3A_731 = vector.shape_cast %eq3A_721 : vector<1x2048xi1> to vector<1x2048xi1>
    %broadcast_in_dim3A_732 = vector.broadcast %broadcast_in_dim3A_731 : vector<1x2048xi1> to vector<16x2048xi1>
    %broadcast_in_dim3A_733 = vector.broadcast %jit3A_730 : f32 to vector<16x2048xf32>
    %select_n3A_734 = arith.select %broadcast_in_dim3A_732, %select_n3A_49, %broadcast_in_dim3A_733 : vector<16x2048xi1>, vector<16x2048xf32>
    %reduce_max3A_735 = arith.constant dense<0xFF800000> : vector<16xf32>
    %reduce_max3A_736 = vector.multi_reduction <maximumf>, %select_n3A_734, %reduce_max3A_735 [1] : vector<16x2048xf32> to vector<16xf32>
    %broadcast_in_dim3A_737 = vector.shape_cast %reduce_max3A_736 : vector<16xf32> to vector<16x1xf32>
    %jit3A_738 = arith.constant 0.000000e+00 : f32
    %broadcast_in_dim3A_739 = vector.shape_cast %eq3A_721 : vector<1x2048xi1> to vector<1x2048xi1>
    %broadcast_in_dim3A_740 = vector.broadcast %broadcast_in_dim3A_739 : vector<1x2048xi1> to vector<16x2048xi1>
    %broadcast_in_dim3A_741 = vector.broadcast %jit3A_738 : f32 to vector<16x2048xf32>
    %select_n3A_742 = arith.select %broadcast_in_dim3A_740, %select_n3A_49, %broadcast_in_dim3A_741 : vector<16x2048xi1>, vector<16x2048xf32>
    %reduce_sum3A_743 = arith.constant dense<0.000000e+00> : vector<16xf32>
    %reduce_sum3A_744 = vector.multi_reduction <add>, %select_n3A_742, %reduce_sum3A_743 [1] : vector<16x2048xf32> to vector<16xf32>
    %broadcast_in_dim3A_745 = vector.shape_cast %reduce_sum3A_744 : vector<16xf32> to vector<16x1xf32>
    %convert_element_type3A_746 = arith.extui %eq3A_721 : vector<1x2048xi1> to vector<1x2048xi32>
    %convert_element_type3A_747 = arith.sitofp %convert_element_type3A_746 : vector<1x2048xi32> to vector<1x2048xf32>
    %reduce_sum3A_748 = arith.constant dense<0.000000e+00> : vector<1xf32>
    %reduce_sum3A_749 = vector.multi_reduction <add>, %convert_element_type3A_747, %reduce_sum3A_748 [1] : vector<1x2048xf32> to vector<1xf32>
    %broadcast_in_dim3A_750 = vector.shape_cast %reduce_sum3A_749 : vector<1xf32> to vector<1x1xf32>
    %eq3A_751 = arith.constant 12 : i32
    %eq3A_752 = vector.broadcast %eq3A_751 : i32 to vector<1x16xi32>
    %eq3A_753 = arith.cmpi eq, %iota3A, %eq3A_752 : vector<1x16xi32>
    %min3A_754 = vector.broadcast %broadcast_in_dim3A_729 : vector<16x1xf32> to vector<16x16xf32>
    %min3A_755 = arith.minimumf %select_n3A_703, %min3A_754 : vector<16x16xf32>
    %broadcast_in_dim3A_756 = vector.shape_cast %eq3A_753 : vector<1x16xi1> to vector<1x16xi1>
    %broadcast_in_dim3A_757 = vector.broadcast %broadcast_in_dim3A_756 : vector<1x16xi1> to vector<16x16xi1>
    %select_n3A_758 = arith.select %broadcast_in_dim3A_757, %min3A_755, %select_n3A_703 : vector<16x16xi1>, vector<16x16xf32>
    %max3A_759 = vector.broadcast %broadcast_in_dim3A_737 : vector<16x1xf32> to vector<16x16xf32>
    %max3A_760 = arith.maximumf %select_n3A_708, %max3A_759 : vector<16x16xf32>
    %broadcast_in_dim3A_761 = vector.shape_cast %eq3A_753 : vector<1x16xi1> to vector<1x16xi1>
    %broadcast_in_dim3A_762 = vector.broadcast %broadcast_in_dim3A_761 : vector<1x16xi1> to vector<16x16xi1>
    %select_n3A_763 = arith.select %broadcast_in_dim3A_762, %max3A_760, %select_n3A_708 : vector<16x16xi1>, vector<16x16xf32>
    %add3A_764 = vector.broadcast %broadcast_in_dim3A_745 : vector<16x1xf32> to vector<16x16xf32>
    %add3A_765 = arith.addf %select_n3A_713, %add3A_764 : vector<16x16xf32>
    %broadcast_in_dim3A_766 = vector.shape_cast %eq3A_753 : vector<1x16xi1> to vector<1x16xi1>
    %broadcast_in_dim3A_767 = vector.broadcast %broadcast_in_dim3A_766 : vector<1x16xi1> to vector<16x16xi1>
    %select_n3A_768 = arith.select %broadcast_in_dim3A_767, %add3A_765, %select_n3A_713 : vector<16x16xi1>, vector<16x16xf32>
    %add3A_769 = vector.broadcast %broadcast_in_dim3A_750 : vector<1x1xf32> to vector<8x16xf32>
    %add3A_770 = arith.addf %select_n3A_718, %add3A_769 : vector<8x16xf32>
    %broadcast_in_dim3A_771 = vector.shape_cast %eq3A_753 : vector<1x16xi1> to vector<1x16xi1>
    %broadcast_in_dim3A_772 = vector.broadcast %broadcast_in_dim3A_771 : vector<1x16xi1> to vector<8x16xi1>
    %select_n3A_773 = arith.select %broadcast_in_dim3A_772, %add3A_770, %select_n3A_718 : vector<8x16xi1>, vector<8x16xf32>
    %eq3A_774 = arith.constant 13 : i32
    %eq3A_775 = vector.broadcast %eq3A_774 : i32 to vector<1x2048xi32>
    %eq3A_776 = arith.cmpi eq, %get3A_52, %eq3A_775 : vector<1x2048xi32>
    %jit3A_777 = arith.constant 0x7F800000 : f32
    %broadcast_in_dim3A_778 = vector.shape_cast %eq3A_776 : vector<1x2048xi1> to vector<1x2048xi1>
    %broadcast_in_dim3A_779 = vector.broadcast %broadcast_in_dim3A_778 : vector<1x2048xi1> to vector<16x2048xi1>
    %broadcast_in_dim3A_780 = vector.broadcast %jit3A_777 : f32 to vector<16x2048xf32>
    %select_n3A_781 = arith.select %broadcast_in_dim3A_779, %select_n3A_49, %broadcast_in_dim3A_780 : vector<16x2048xi1>, vector<16x2048xf32>
    %reduce_min3A_782 = arith.constant dense<0x7F800000> : vector<16xf32>
    %reduce_min3A_783 = vector.multi_reduction <minimumf>, %select_n3A_781, %reduce_min3A_782 [1] : vector<16x2048xf32> to vector<16xf32>
    %broadcast_in_dim3A_784 = vector.shape_cast %reduce_min3A_783 : vector<16xf32> to vector<16x1xf32>
    %jit3A_785 = arith.constant 0xFF800000 : f32
    %broadcast_in_dim3A_786 = vector.shape_cast %eq3A_776 : vector<1x2048xi1> to vector<1x2048xi1>
    %broadcast_in_dim3A_787 = vector.broadcast %broadcast_in_dim3A_786 : vector<1x2048xi1> to vector<16x2048xi1>
    %broadcast_in_dim3A_788 = vector.broadcast %jit3A_785 : f32 to vector<16x2048xf32>
    %select_n3A_789 = arith.select %broadcast_in_dim3A_787, %select_n3A_49, %broadcast_in_dim3A_788 : vector<16x2048xi1>, vector<16x2048xf32>
    %reduce_max3A_790 = arith.constant dense<0xFF800000> : vector<16xf32>
    %reduce_max3A_791 = vector.multi_reduction <maximumf>, %select_n3A_789, %reduce_max3A_790 [1] : vector<16x2048xf32> to vector<16xf32>
    %broadcast_in_dim3A_792 = vector.shape_cast %reduce_max3A_791 : vector<16xf32> to vector<16x1xf32>
    %jit3A_793 = arith.constant 0.000000e+00 : f32
    %broadcast_in_dim3A_794 = vector.shape_cast %eq3A_776 : vector<1x2048xi1> to vector<1x2048xi1>
    %broadcast_in_dim3A_795 = vector.broadcast %broadcast_in_dim3A_794 : vector<1x2048xi1> to vector<16x2048xi1>
    %broadcast_in_dim3A_796 = vector.broadcast %jit3A_793 : f32 to vector<16x2048xf32>
    %select_n3A_797 = arith.select %broadcast_in_dim3A_795, %select_n3A_49, %broadcast_in_dim3A_796 : vector<16x2048xi1>, vector<16x2048xf32>
    %reduce_sum3A_798 = arith.constant dense<0.000000e+00> : vector<16xf32>
    %reduce_sum3A_799 = vector.multi_reduction <add>, %select_n3A_797, %reduce_sum3A_798 [1] : vector<16x2048xf32> to vector<16xf32>
    %broadcast_in_dim3A_800 = vector.shape_cast %reduce_sum3A_799 : vector<16xf32> to vector<16x1xf32>
    %convert_element_type3A_801 = arith.extui %eq3A_776 : vector<1x2048xi1> to vector<1x2048xi32>
    %convert_element_type3A_802 = arith.sitofp %convert_element_type3A_801 : vector<1x2048xi32> to vector<1x2048xf32>
    %reduce_sum3A_803 = arith.constant dense<0.000000e+00> : vector<1xf32>
    %reduce_sum3A_804 = vector.multi_reduction <add>, %convert_element_type3A_802, %reduce_sum3A_803 [1] : vector<1x2048xf32> to vector<1xf32>
    %broadcast_in_dim3A_805 = vector.shape_cast %reduce_sum3A_804 : vector<1xf32> to vector<1x1xf32>
    %eq3A_806 = arith.constant 13 : i32
    %eq3A_807 = vector.broadcast %eq3A_806 : i32 to vector<1x16xi32>
    %eq3A_808 = arith.cmpi eq, %iota3A, %eq3A_807 : vector<1x16xi32>
    %min3A_809 = vector.broadcast %broadcast_in_dim3A_784 : vector<16x1xf32> to vector<16x16xf32>
    %min3A_810 = arith.minimumf %select_n3A_758, %min3A_809 : vector<16x16xf32>
    %broadcast_in_dim3A_811 = vector.shape_cast %eq3A_808 : vector<1x16xi1> to vector<1x16xi1>
    %broadcast_in_dim3A_812 = vector.broadcast %broadcast_in_dim3A_811 : vector<1x16xi1> to vector<16x16xi1>
    %select_n3A_813 = arith.select %broadcast_in_dim3A_812, %min3A_810, %select_n3A_758 : vector<16x16xi1>, vector<16x16xf32>
    %max3A_814 = vector.broadcast %broadcast_in_dim3A_792 : vector<16x1xf32> to vector<16x16xf32>
    %max3A_815 = arith.maximumf %select_n3A_763, %max3A_814 : vector<16x16xf32>
    %broadcast_in_dim3A_816 = vector.shape_cast %eq3A_808 : vector<1x16xi1> to vector<1x16xi1>
    %broadcast_in_dim3A_817 = vector.broadcast %broadcast_in_dim3A_816 : vector<1x16xi1> to vector<16x16xi1>
    %select_n3A_818 = arith.select %broadcast_in_dim3A_817, %max3A_815, %select_n3A_763 : vector<16x16xi1>, vector<16x16xf32>
    %add3A_819 = vector.broadcast %broadcast_in_dim3A_800 : vector<16x1xf32> to vector<16x16xf32>
    %add3A_820 = arith.addf %select_n3A_768, %add3A_819 : vector<16x16xf32>
    %broadcast_in_dim3A_821 = vector.shape_cast %eq3A_808 : vector<1x16xi1> to vector<1x16xi1>
    %broadcast_in_dim3A_822 = vector.broadcast %broadcast_in_dim3A_821 : vector<1x16xi1> to vector<16x16xi1>
    %select_n3A_823 = arith.select %broadcast_in_dim3A_822, %add3A_820, %select_n3A_768 : vector<16x16xi1>, vector<16x16xf32>
    %add3A_824 = vector.broadcast %broadcast_in_dim3A_805 : vector<1x1xf32> to vector<8x16xf32>
    %add3A_825 = arith.addf %select_n3A_773, %add3A_824 : vector<8x16xf32>
    %broadcast_in_dim3A_826 = vector.shape_cast %eq3A_808 : vector<1x16xi1> to vector<1x16xi1>
    %broadcast_in_dim3A_827 = vector.broadcast %broadcast_in_dim3A_826 : vector<1x16xi1> to vector<8x16xi1>
    %select_n3A_828 = arith.select %broadcast_in_dim3A_827, %add3A_825, %select_n3A_773 : vector<8x16xi1>, vector<8x16xf32>
    %eq3A_829 = arith.constant 14 : i32
    %eq3A_830 = vector.broadcast %eq3A_829 : i32 to vector<1x2048xi32>
    %eq3A_831 = arith.cmpi eq, %get3A_52, %eq3A_830 : vector<1x2048xi32>
    %jit3A_832 = arith.constant 0x7F800000 : f32
    %broadcast_in_dim3A_833 = vector.shape_cast %eq3A_831 : vector<1x2048xi1> to vector<1x2048xi1>
    %broadcast_in_dim3A_834 = vector.broadcast %broadcast_in_dim3A_833 : vector<1x2048xi1> to vector<16x2048xi1>
    %broadcast_in_dim3A_835 = vector.broadcast %jit3A_832 : f32 to vector<16x2048xf32>
    %select_n3A_836 = arith.select %broadcast_in_dim3A_834, %select_n3A_49, %broadcast_in_dim3A_835 : vector<16x2048xi1>, vector<16x2048xf32>
    %reduce_min3A_837 = arith.constant dense<0x7F800000> : vector<16xf32>
    %reduce_min3A_838 = vector.multi_reduction <minimumf>, %select_n3A_836, %reduce_min3A_837 [1] : vector<16x2048xf32> to vector<16xf32>
    %broadcast_in_dim3A_839 = vector.shape_cast %reduce_min3A_838 : vector<16xf32> to vector<16x1xf32>
    %jit3A_840 = arith.constant 0xFF800000 : f32
    %broadcast_in_dim3A_841 = vector.shape_cast %eq3A_831 : vector<1x2048xi1> to vector<1x2048xi1>
    %broadcast_in_dim3A_842 = vector.broadcast %broadcast_in_dim3A_841 : vector<1x2048xi1> to vector<16x2048xi1>
    %broadcast_in_dim3A_843 = vector.broadcast %jit3A_840 : f32 to vector<16x2048xf32>
    %select_n3A_844 = arith.select %broadcast_in_dim3A_842, %select_n3A_49, %broadcast_in_dim3A_843 : vector<16x2048xi1>, vector<16x2048xf32>
    %reduce_max3A_845 = arith.constant dense<0xFF800000> : vector<16xf32>
    %reduce_max3A_846 = vector.multi_reduction <maximumf>, %select_n3A_844, %reduce_max3A_845 [1] : vector<16x2048xf32> to vector<16xf32>
    %broadcast_in_dim3A_847 = vector.shape_cast %reduce_max3A_846 : vector<16xf32> to vector<16x1xf32>
    %jit3A_848 = arith.constant 0.000000e+00 : f32
    %broadcast_in_dim3A_849 = vector.shape_cast %eq3A_831 : vector<1x2048xi1> to vector<1x2048xi1>
    %broadcast_in_dim3A_850 = vector.broadcast %broadcast_in_dim3A_849 : vector<1x2048xi1> to vector<16x2048xi1>
    %broadcast_in_dim3A_851 = vector.broadcast %jit3A_848 : f32 to vector<16x2048xf32>
    %select_n3A_852 = arith.select %broadcast_in_dim3A_850, %select_n3A_49, %broadcast_in_dim3A_851 : vector<16x2048xi1>, vector<16x2048xf32>
    %reduce_sum3A_853 = arith.constant dense<0.000000e+00> : vector<16xf32>
    %reduce_sum3A_854 = vector.multi_reduction <add>, %select_n3A_852, %reduce_sum3A_853 [1] : vector<16x2048xf32> to vector<16xf32>
    %broadcast_in_dim3A_855 = vector.shape_cast %reduce_sum3A_854 : vector<16xf32> to vector<16x1xf32>
    %convert_element_type3A_856 = arith.extui %eq3A_831 : vector<1x2048xi1> to vector<1x2048xi32>
    %convert_element_type3A_857 = arith.sitofp %convert_element_type3A_856 : vector<1x2048xi32> to vector<1x2048xf32>
    %reduce_sum3A_858 = arith.constant dense<0.000000e+00> : vector<1xf32>
    %reduce_sum3A_859 = vector.multi_reduction <add>, %convert_element_type3A_857, %reduce_sum3A_858 [1] : vector<1x2048xf32> to vector<1xf32>
    %broadcast_in_dim3A_860 = vector.shape_cast %reduce_sum3A_859 : vector<1xf32> to vector<1x1xf32>
    %eq3A_861 = arith.constant 14 : i32
    %eq3A_862 = vector.broadcast %eq3A_861 : i32 to vector<1x16xi32>
    %eq3A_863 = arith.cmpi eq, %iota3A, %eq3A_862 : vector<1x16xi32>
    %min3A_864 = vector.broadcast %broadcast_in_dim3A_839 : vector<16x1xf32> to vector<16x16xf32>
    %min3A_865 = arith.minimumf %select_n3A_813, %min3A_864 : vector<16x16xf32>
    %broadcast_in_dim3A_866 = vector.shape_cast %eq3A_863 : vector<1x16xi1> to vector<1x16xi1>
    %broadcast_in_dim3A_867 = vector.broadcast %broadcast_in_dim3A_866 : vector<1x16xi1> to vector<16x16xi1>
    %select_n3A_868 = arith.select %broadcast_in_dim3A_867, %min3A_865, %select_n3A_813 : vector<16x16xi1>, vector<16x16xf32>
    %max3A_869 = vector.broadcast %broadcast_in_dim3A_847 : vector<16x1xf32> to vector<16x16xf32>
    %max3A_870 = arith.maximumf %select_n3A_818, %max3A_869 : vector<16x16xf32>
    %broadcast_in_dim3A_871 = vector.shape_cast %eq3A_863 : vector<1x16xi1> to vector<1x16xi1>
    %broadcast_in_dim3A_872 = vector.broadcast %broadcast_in_dim3A_871 : vector<1x16xi1> to vector<16x16xi1>
    %select_n3A_873 = arith.select %broadcast_in_dim3A_872, %max3A_870, %select_n3A_818 : vector<16x16xi1>, vector<16x16xf32>
    %add3A_874 = vector.broadcast %broadcast_in_dim3A_855 : vector<16x1xf32> to vector<16x16xf32>
    %add3A_875 = arith.addf %select_n3A_823, %add3A_874 : vector<16x16xf32>
    %broadcast_in_dim3A_876 = vector.shape_cast %eq3A_863 : vector<1x16xi1> to vector<1x16xi1>
    %broadcast_in_dim3A_877 = vector.broadcast %broadcast_in_dim3A_876 : vector<1x16xi1> to vector<16x16xi1>
    %select_n3A_878 = arith.select %broadcast_in_dim3A_877, %add3A_875, %select_n3A_823 : vector<16x16xi1>, vector<16x16xf32>
    %add3A_879 = vector.broadcast %broadcast_in_dim3A_860 : vector<1x1xf32> to vector<8x16xf32>
    %add3A_880 = arith.addf %select_n3A_828, %add3A_879 : vector<8x16xf32>
    %broadcast_in_dim3A_881 = vector.shape_cast %eq3A_863 : vector<1x16xi1> to vector<1x16xi1>
    %broadcast_in_dim3A_882 = vector.broadcast %broadcast_in_dim3A_881 : vector<1x16xi1> to vector<8x16xi1>
    %select_n3A_883 = arith.select %broadcast_in_dim3A_882, %add3A_880, %select_n3A_828 : vector<8x16xi1>, vector<8x16xf32>
    %eq3A_884 = arith.constant 15 : i32
    %eq3A_885 = vector.broadcast %eq3A_884 : i32 to vector<1x2048xi32>
    %eq3A_886 = arith.cmpi eq, %get3A_52, %eq3A_885 : vector<1x2048xi32>
    %jit3A_887 = arith.constant 0x7F800000 : f32
    %broadcast_in_dim3A_888 = vector.shape_cast %eq3A_886 : vector<1x2048xi1> to vector<1x2048xi1>
    %broadcast_in_dim3A_889 = vector.broadcast %broadcast_in_dim3A_888 : vector<1x2048xi1> to vector<16x2048xi1>
    %broadcast_in_dim3A_890 = vector.broadcast %jit3A_887 : f32 to vector<16x2048xf32>
    %select_n3A_891 = arith.select %broadcast_in_dim3A_889, %select_n3A_49, %broadcast_in_dim3A_890 : vector<16x2048xi1>, vector<16x2048xf32>
    %reduce_min3A_892 = arith.constant dense<0x7F800000> : vector<16xf32>
    %reduce_min3A_893 = vector.multi_reduction <minimumf>, %select_n3A_891, %reduce_min3A_892 [1] : vector<16x2048xf32> to vector<16xf32>
    %broadcast_in_dim3A_894 = vector.shape_cast %reduce_min3A_893 : vector<16xf32> to vector<16x1xf32>
    %jit3A_895 = arith.constant 0xFF800000 : f32
    %broadcast_in_dim3A_896 = vector.shape_cast %eq3A_886 : vector<1x2048xi1> to vector<1x2048xi1>
    %broadcast_in_dim3A_897 = vector.broadcast %broadcast_in_dim3A_896 : vector<1x2048xi1> to vector<16x2048xi1>
    %broadcast_in_dim3A_898 = vector.broadcast %jit3A_895 : f32 to vector<16x2048xf32>
    %select_n3A_899 = arith.select %broadcast_in_dim3A_897, %select_n3A_49, %broadcast_in_dim3A_898 : vector<16x2048xi1>, vector<16x2048xf32>
    %reduce_max3A_900 = arith.constant dense<0xFF800000> : vector<16xf32>
    %reduce_max3A_901 = vector.multi_reduction <maximumf>, %select_n3A_899, %reduce_max3A_900 [1] : vector<16x2048xf32> to vector<16xf32>
    %broadcast_in_dim3A_902 = vector.shape_cast %reduce_max3A_901 : vector<16xf32> to vector<16x1xf32>
    %jit3A_903 = arith.constant 0.000000e+00 : f32
    %broadcast_in_dim3A_904 = vector.shape_cast %eq3A_886 : vector<1x2048xi1> to vector<1x2048xi1>
    %broadcast_in_dim3A_905 = vector.broadcast %broadcast_in_dim3A_904 : vector<1x2048xi1> to vector<16x2048xi1>
    %broadcast_in_dim3A_906 = vector.broadcast %jit3A_903 : f32 to vector<16x2048xf32>
    %select_n3A_907 = arith.select %broadcast_in_dim3A_905, %select_n3A_49, %broadcast_in_dim3A_906 : vector<16x2048xi1>, vector<16x2048xf32>
    %reduce_sum3A_908 = arith.constant dense<0.000000e+00> : vector<16xf32>
    %reduce_sum3A_909 = vector.multi_reduction <add>, %select_n3A_907, %reduce_sum3A_908 [1] : vector<16x2048xf32> to vector<16xf32>
    %broadcast_in_dim3A_910 = vector.shape_cast %reduce_sum3A_909 : vector<16xf32> to vector<16x1xf32>
    %convert_element_type3A_911 = arith.extui %eq3A_886 : vector<1x2048xi1> to vector<1x2048xi32>
    %convert_element_type3A_912 = arith.sitofp %convert_element_type3A_911 : vector<1x2048xi32> to vector<1x2048xf32>
    %reduce_sum3A_913 = arith.constant dense<0.000000e+00> : vector<1xf32>
    %reduce_sum3A_914 = vector.multi_reduction <add>, %convert_element_type3A_912, %reduce_sum3A_913 [1] : vector<1x2048xf32> to vector<1xf32>
    %broadcast_in_dim3A_915 = vector.shape_cast %reduce_sum3A_914 : vector<1xf32> to vector<1x1xf32>
    %eq3A_916 = arith.constant 15 : i32
    %eq3A_917 = vector.broadcast %eq3A_916 : i32 to vector<1x16xi32>
    %eq3A_918 = arith.cmpi eq, %iota3A, %eq3A_917 : vector<1x16xi32>
    %min3A_919 = vector.broadcast %broadcast_in_dim3A_894 : vector<16x1xf32> to vector<16x16xf32>
    %min3A_920 = arith.minimumf %select_n3A_868, %min3A_919 : vector<16x16xf32>
    %broadcast_in_dim3A_921 = vector.shape_cast %eq3A_918 : vector<1x16xi1> to vector<1x16xi1>
    %broadcast_in_dim3A_922 = vector.broadcast %broadcast_in_dim3A_921 : vector<1x16xi1> to vector<16x16xi1>
    %select_n3A_923 = arith.select %broadcast_in_dim3A_922, %min3A_920, %select_n3A_868 : vector<16x16xi1>, vector<16x16xf32>
    %max3A_924 = vector.broadcast %broadcast_in_dim3A_902 : vector<16x1xf32> to vector<16x16xf32>
    %max3A_925 = arith.maximumf %select_n3A_873, %max3A_924 : vector<16x16xf32>
    %broadcast_in_dim3A_926 = vector.shape_cast %eq3A_918 : vector<1x16xi1> to vector<1x16xi1>
    %broadcast_in_dim3A_927 = vector.broadcast %broadcast_in_dim3A_926 : vector<1x16xi1> to vector<16x16xi1>
    %select_n3A_928 = arith.select %broadcast_in_dim3A_927, %max3A_925, %select_n3A_873 : vector<16x16xi1>, vector<16x16xf32>
    %add3A_929 = vector.broadcast %broadcast_in_dim3A_910 : vector<16x1xf32> to vector<16x16xf32>
    %add3A_930 = arith.addf %select_n3A_878, %add3A_929 : vector<16x16xf32>
    %broadcast_in_dim3A_931 = vector.shape_cast %eq3A_918 : vector<1x16xi1> to vector<1x16xi1>
    %broadcast_in_dim3A_932 = vector.broadcast %broadcast_in_dim3A_931 : vector<1x16xi1> to vector<16x16xi1>
    %select_n3A_933 = arith.select %broadcast_in_dim3A_932, %add3A_930, %select_n3A_878 : vector<16x16xi1>, vector<16x16xf32>
    %add3A_934 = vector.broadcast %broadcast_in_dim3A_915 : vector<1x1xf32> to vector<8x16xf32>
    %add3A_935 = arith.addf %select_n3A_883, %add3A_934 : vector<8x16xf32>
    %broadcast_in_dim3A_936 = vector.shape_cast %eq3A_918 : vector<1x16xi1> to vector<1x16xi1>
    %broadcast_in_dim3A_937 = vector.broadcast %broadcast_in_dim3A_936 : vector<1x16xi1> to vector<8x16xi1>
    %select_n3A_938 = arith.select %broadcast_in_dim3A_937, %add3A_935, %select_n3A_883 : vector<8x16xi1>, vector<8x16xf32>
    %swap3A = arith.constant 0 : index
    %swap3A_939 = arith.constant 0 : index
    %swap3A_940 = vector.load %arg18[%swap3A, %swap3A_939] : memref<16x16xf32, #tpu.memory_space<vmem>>, vector<16x16xf32>
    tpu.vector_store %arg18[%swap3A, %swap3A_939], %select_n3A_923 {strides = array<i32>} : memref<16x16xf32, #tpu.memory_space<vmem>>, vector<16x16xf32>,
    %swap3A_941 = arith.constant 0 : index
    %swap3A_942 = arith.constant 0 : index
    %swap3A_943 = vector.load %arg19[%swap3A_941, %swap3A_942] : memref<16x16xf32, #tpu.memory_space<vmem>>, vector<16x16xf32>
    tpu.vector_store %arg19[%swap3A_941, %swap3A_942], %select_n3A_928 {strides = array<i32>} : memref<16x16xf32, #tpu.memory_space<vmem>>, vector<16x16xf32>,
    %swap3A_944 = arith.constant 0 : index
    %swap3A_945 = arith.constant 0 : index
    %swap3A_946 = vector.load %arg20[%swap3A_944, %swap3A_945] : memref<16x16xf32, #tpu.memory_space<vmem>>, vector<16x16xf32>
    tpu.vector_store %arg20[%swap3A_944, %swap3A_945], %select_n3A_933 {strides = array<i32>} : memref<16x16xf32, #tpu.memory_space<vmem>>, vector<16x16xf32>,
    %swap3A_947 = arith.constant 0 : index
    %swap3A_948 = arith.constant 0 : index
    %swap3A_949 = vector.load %arg21[%swap3A_947, %swap3A_948] : memref<8x16xf32, #tpu.memory_space<vmem>>, vector<8x16xf32>
    tpu.vector_store %arg21[%swap3A_947, %swap3A_948], %select_n3A_938 {strides = array<i32>} : memref<8x16xf32, #tpu.memory_space<vmem>>, vector<8x16xf32>,
    %eq3A_950 = arith.constant 4 : i32
    %eq3A_951 = arith.cmpi eq, %arg0, %eq3A_950 : i32
    %convert_element_type3A_952 = arith.extui %eq3A_951 : i1 to i32
    %cond3A_953 = arith.constant 0 : i32
    %cond3A_954 = arith.cmpi ne, %convert_element_type3A_952, %cond3A_953 : i32
    scf.if %cond3A_954 {
      %get3A_955 = arith.constant 0 : index
      %get3A_956 = arith.constant 0 : index
      %get3A_957 = vector.load %arg21[%get3A_955, %get3A_956] : memref<8x16xf32, #tpu.memory_space<vmem>>, vector<1x16xf32>
      %max3A_958 = arith.constant 1.000000e+00 : f32
      %max3A_959 = vector.broadcast %max3A_958 : f32 to vector<1x16xf32>
      %max3A_960 = arith.maximumf %get3A_957, %max3A_959 : vector<1x16xf32>
      %div3A = arith.constant 1.000000e+00 : f32
      %div3A_961 = vector.broadcast %div3A : f32 to vector<1x16xf32>
      %div3A_962 = arith.divf %div3A_961, %max3A_960 : vector<1x16xf32>
      %get3A_963 = arith.constant 0 : index
      %get3A_964 = arith.constant 0 : index
      %get3A_965 = vector.load %arg20[%get3A_963, %get3A_964] : memref<16x16xf32, #tpu.memory_space<vmem>>, vector<16x16xf32>
      %mul3A_966 = vector.broadcast %div3A_962 : vector<1x16xf32> to vector<16x16xf32>
      %mul3A_967 = arith.mulf %get3A_965, %mul3A_966 : vector<16x16xf32>
      %get3A_968 = arith.constant 0 : index
      %get3A_969 = arith.constant 0 : index
      %get3A_970 = vector.load %arg11[%get3A_968, %get3A_969] : memref<128x16xf32, #tpu.memory_space<vmem>>, vector<128x16xf32>
      %get3A_971 = arith.constant 0 : index
      %get3A_972 = arith.constant 0 : index
      %get3A_973 = vector.load %arg18[%get3A_971, %get3A_972] : memref<16x16xf32, #tpu.memory_space<vmem>>, vector<16x16xf32>
      %dot_general3A_974 = arith.constant dense<0.000000e+00> : vector<128x16xf32>
      %dot_general3A_975 = tpu.matmul %get3A_970, %get3A_973, %dot_general3A_974 {dimension_numbers = #tpu.dot_dimension_numbers<[1], [0], [0], [1], [0, 0, 1, 1], [], []>, transpose_lhs_hint = false} : vector<128x16xf32>, vector<16x16xf32>, vector<128x16xf32> -> vector<128x16xf32>
      %get3A_976 = arith.constant 0 : index
      %get3A_977 = arith.constant 0 : index
      %get3A_978 = vector.load %arg12[%get3A_976, %get3A_977] : memref<128x16xf32, #tpu.memory_space<vmem>>, vector<128x16xf32>
      %get3A_979 = arith.constant 0 : index
      %get3A_980 = arith.constant 0 : index
      %get3A_981 = vector.load %arg19[%get3A_979, %get3A_980] : memref<16x16xf32, #tpu.memory_space<vmem>>, vector<16x16xf32>
      %dot_general3A_982 = arith.constant dense<0.000000e+00> : vector<128x16xf32>
      %dot_general3A_983 = tpu.matmul %get3A_978, %get3A_981, %dot_general3A_982 {dimension_numbers = #tpu.dot_dimension_numbers<[1], [0], [0], [1], [0, 0, 1, 1], [], []>, transpose_lhs_hint = false} : vector<128x16xf32>, vector<16x16xf32>, vector<128x16xf32> -> vector<128x16xf32>
      %add3A_984 = arith.addf %dot_general3A_975, %dot_general3A_983 : vector<128x16xf32>
      %get3A_985 = arith.constant 0 : index
      %get3A_986 = arith.constant 0 : index
      %get3A_987 = vector.load %arg13[%get3A_985, %get3A_986] : memref<128x16xf32, #tpu.memory_space<vmem>>, vector<128x16xf32>
      %dot_general3A_988 = arith.constant dense<0.000000e+00> : vector<128x16xf32>
      %dot_general3A_989 = tpu.matmul %get3A_987, %mul3A_967, %dot_general3A_988 {dimension_numbers = #tpu.dot_dimension_numbers<[1], [0], [0], [1], [0, 0, 1, 1], [], []>, transpose_lhs_hint = false} : vector<128x16xf32>, vector<16x16xf32>, vector<128x16xf32> -> vector<128x16xf32>
      %add3A_990 = arith.addf %add3A_984, %dot_general3A_989 : vector<128x16xf32>
      %get3A_991 = arith.constant 0 : index
      %get3A_992 = arith.constant 0 : index
      %get3A_993 = vector.load %arg14[%get3A_991, %get3A_992] : memref<128x1xf32, #tpu.memory_space<vmem>>, vector<128x1xf32>
      %add3A_994 = vector.broadcast %get3A_993 : vector<128x1xf32> to vector<128x16xf32>
      %add3A_995 = arith.addf %add3A_990, %add3A_994 : vector<128x16xf32>
      %jit3A_996 = arith.constant 0.00999999977 : f32
      %ge3A_997 = arith.constant 0.000000e+00 : f32
      %ge3A_998 = vector.broadcast %ge3A_997 : f32 to vector<128x16xf32>
      %ge3A_999 = arith.cmpf oge, %add3A_995, %ge3A_998 : vector<128x16xf32>
      %mul3A_1000 = vector.broadcast %jit3A_996 : f32 to vector<128x16xf32>
      %mul3A_1001 = arith.mulf %mul3A_1000, %add3A_995 : vector<128x16xf32>
      %select_n3A_1002 = arith.select %ge3A_999, %add3A_995, %mul3A_1001 : vector<128x16xi1>, vector<128x16xf32>
      %get3A_1003 = arith.constant 0 : index
      %get3A_1004 = arith.constant 0 : index
      %get3A_1005 = vector.load %arg15[%get3A_1003, %get3A_1004] : memref<10x128xf32, #tpu.memory_space<vmem>>, vector<10x128xf32>
      %dot_general3A_1006 = arith.constant dense<0.000000e+00> : vector<10x16xf32>
      %dot_general3A_1007 = tpu.matmul %get3A_1005, %select_n3A_1002, %dot_general3A_1006 {dimension_numbers = #tpu.dot_dimension_numbers<[1], [0], [0], [1], [0, 0, 1, 1], [], []>, transpose_lhs_hint = false} : vector<10x128xf32>, vector<128x16xf32>, vector<10x16xf32> -> vector<10x16xf32>
      %get3A_1008 = arith.constant 0 : index
      %get3A_1009 = arith.constant 0 : index
      %get3A_1010 = vector.load %arg16[%get3A_1008, %get3A_1009] : memref<10x1xf32, #tpu.memory_space<vmem>>, vector<10x1xf32>
      %add3A_1011 = vector.broadcast %get3A_1010 : vector<10x1xf32> to vector<10x16xf32>
      %add3A_1012 = arith.addf %dot_general3A_1007, %add3A_1011 : vector<10x16xf32>
      %swap3A_1013 = arith.constant 0 : index
      %swap3A_1014 = arith.constant 0 : index
      %swap3A_1015 = vector.load %arg17[%swap3A_1013, %swap3A_1014] : memref<10x16xf32, #tpu.memory_space<vmem>>, vector<10x16xf32>
      tpu.vector_store %arg17[%swap3A_1013, %swap3A_1014], %add3A_1012 {strides = array<i32>} : memref<10x16xf32, #tpu.memory_space<vmem>>, vector<10x16xf32>,
    } else {
    }
    return
  }
  func.func @transform_0(%arg0: i32) -> (i32, i32) {
    %c0_i32 = arith.constant 0 : i32
    %c0_i32_0 = arith.constant 0 : i32
    return %c0_i32, %arg0 : i32, i32
  }
  func.func @transform_1(%arg0: i32) -> (i32, i32) {
    %c0_i32 = arith.constant 0 : i32
    %c0_i32_0 = arith.constant 0 : i32
    return %c0_i32, %arg0 : i32, i32
  }
  func.func @transform_2(%arg0: i32) -> (i32, i32) {
    %c0_i32 = arith.constant 0 : i32
    %c0_i32_0 = arith.constant 0 : i32
    return %c0_i32, %arg0 : i32, i32
  }
  func.func @transform_3(%arg0: i32) -> (i32, i32) {
    %c0_i32 = arith.constant 0 : i32
    %c0_i32_0 = arith.constant 0 : i32
    return %c0_i32, %arg0 : i32, i32
  }
  func.func @transform_4(%arg0: i32) -> (i32, i32) {
    %c0_i32 = arith.constant 0 : i32
    %c0_i32_0 = arith.constant 0 : i32
    %c0_i32_1 = arith.constant 0 : i32
    return %c0_i32, %c0_i32_0 : i32, i32
  }
  func.func @transform_5(%arg0: i32) -> (i32, i32) {
    %c0_i32 = arith.constant 0 : i32
    %c0_i32_0 = arith.constant 0 : i32
    %c0_i32_1 = arith.constant 0 : i32
    return %c0_i32, %c0_i32_0 : i32, i32
  }
  func.func @transform_6(%arg0: i32) -> (i32, i32) {
    %c0_i32 = arith.constant 0 : i32
    %c0_i32_0 = arith.constant 0 : i32
    %c0_i32_1 = arith.constant 0 : i32
    return %c0_i32, %c0_i32_0 : i32, i32
  }
  func.func @transform_7(%arg0: i32) -> (i32, i32) {
    %c0_i32 = arith.constant 0 : i32
    %c0_i32_0 = arith.constant 0 : i32
    %c0_i32_1 = arith.constant 0 : i32
    return %c0_i32, %c0_i32_0 : i32, i32
  }
  func.func @transform_8(%arg0: i32) -> (i32, i32) {
    %c0_i32 = arith.constant 0 : i32
    %c0_i32_0 = arith.constant 0 : i32
    %c0_i32_1 = arith.constant 0 : i32
    return %c0_i32, %c0_i32_0 : i32, i32
  }
  func.func @transform_9(%arg0: i32) -> (i32, i32) {
    %c0_i32 = arith.constant 0 : i32
    %c0_i32_0 = arith.constant 0 : i32
    %c0_i32_1 = arith.constant 0 : i32
    return %c0_i32, %c0_i32_0 : i32, i32
  }
  func.func @transform_10(%arg0: i32) -> (i32, i32) {
    %c0_i32 = arith.constant 0 : i32
    %c0_i32_0 = arith.constant 0 : i32
    %c0_i32_1 = arith.constant 0 : i32
    return %c0_i32, %c0_i32_0 : i32, i32
  }
  func.func @transform_11(%arg0: i32) -> (i32, i32) {
    %c0_i32 = arith.constant 0 : i32
    %c0_i32_0 = arith.constant 0 : i32
    %c0_i32_1 = arith.constant 0 : i32
    return %c0_i32, %c0_i32_0 : i32, i32
  }
  func.func @transform_12(%arg0: i32) -> (i32, i32) {
    %c0_i32 = arith.constant 0 : i32
    %c0_i32_0 = arith.constant 0 : i32
    %c0_i32_1 = arith.constant 0 : i32
    return %c0_i32, %c0_i32_0 : i32, i32
  }
  func.func @transform_13(%arg0: i32) -> (i32, i32) {
    %c0_i32 = arith.constant 0 : i32
    %c0_i32_0 = arith.constant 0 : i32
    %c0_i32_1 = arith.constant 0 : i32
    return %c0_i32, %c0_i32_0 : i32, i32
  }
  func.func @transform_14(%arg0: i32) -> (i32, i32) {
    %c0_i32 = arith.constant 0 : i32
    %c0_i32_0 = arith.constant 0 : i32
    %c0_i32_1 = arith.constant 0 : i32
    return %c0_i32, %c0_i32_0 : i32, i32
  }
  func.func @transform_15(%arg0: i32) -> (i32, i32) {
    %c0_i32 = arith.constant 0 : i32
    %c0_i32_0 = arith.constant 0 : i32
    %c0_i32_1 = arith.constant 0 : i32
    return %c0_i32, %c0_i32_0 : i32, i32
  }
  func.func @transform_16(%arg0: i32) -> (i32, i32) {
    %c0_i32 = arith.constant 0 : i32
    %c0_i32_0 = arith.constant 0 : i32
    %c0_i32_1 = arith.constant 0 : i32
    return %c0_i32, %c0_i32_0 : i32, i32
  }
}

</mosaic_0001>

<sc_bundles>
// kernel: kernel.12.cloned.1.call-start
scs
__scs_entry_jumppad:
0x0: {  	(pc) =	sbr.rel $0x88, $3  }
0x1: {  	(tag) =	ssettag $0x0;
	lr =	simm.s32 $0x1  }
0x2: {  	[smem:$0x3F8F] =	sst lr;
	_ =	strace $0xD0000000  }
0x3: {  	_ = 	snop  }
0x4: {  	_ = 	snop  }
0x5: {  	_ = 	snop  }
0x6: {  	_ = 	snop  }
0x7: {  	_ = 	snop  }
__scs_overlays_trampoline_lowered:
0x8: {  	[smem:$0x3F9E] =	sst s0  }
0x9: {  	[smem:$0x3F9F] =	sst s1  }
0xa: {  	[smem:$0x3FA0] =	sst s2  }
0xb: {  	[smem:$0x3FA1] =	sst s3  }
0xc: {  	[smem:$0x3FA2] =	sst s4  }
0xd: {  	[smem:$0x3FA3] =	sst s5  }
0xe: {  	[smem:$0x3FA4] =	sst s6  }
0xf: {  	[smem:$0x3FA5] =	sst s7  }
0x10: {  	[smem:$0x3FA6] =	sst s8  }
0x11: {  	[smem:$0x3FA7] =	sst s9;
	s0 =	simm.s32 @!p0 $0x0  }
0x12: {  	s1 =	sld [smem:$0x3F8D];
	s0 =	simm.s32 @p0 $0x1  }
0x13: {  	[smem:$0x3FA8] =	sst s0;
	s0 =	simm.s32 @!p1 $0x0  }
0x14: {  	s2 =	sld [smem:$0x3F8C];
	s0 =	simm.s32 @p1 $0x1  }
0x15: {  	[smem:$0x3FA9] =	sst s0;
	s0 =	simm.s32 @!p2 $0x0  }
0x16: {  	s3 =	sld [smem:$0x3FDB];
	s0 =	simm.s32 @p2 $0x1  }
0x17: {  	s4 =	simm.s32 $0x1BF5;
	[smem:$0x3FAB] =	sst s0  }
0x18: {  	s0 =	sld [smem:$0x3F8E];
	_ =	swait.ge [sflag:s4], $0x0  }
0x19: {  	s7 =	sld [smem:$0x3F8F]  }
0x1a: {  	s8 =	sadd.s32 $0xFFFFE003, lr  }
0x1b: {  	s9 =	sadd.s32 $0xFFFFFEF7, lr;
	s5 =	simm.s32 $0xFFFFFFFF;
	p2 =	slt.u32 s8, $0xFFFFF086  }
0x1c: {  	p1 =	slt.u32 s9, $0xF7A;
	s5 =	simm.s32 @!p2 $0x0  }
0x1d: {  	s5 =	simm.s32 @p1 $0x1;
	p0 =	seq.s32 s7, s2  }
0x1e: {  	s7 =	smul.u32 @!p0 $0xF7A, s2;
	p2 =	seq.s32 @!p0 s5, $0x0  }
0x1f: {  	s9 =	smul.u32 $0xF7A, s1;
	s8 =	simm.s32 @!p0 $0x1BF5;
	p2 =	por !p2, p0  }
0x20: {  	[sflag:s8] =	ssyncset.s32 @!p0 $0xFFFFF086;
	s6 =	sadd.s32 @!p0 s3, s7;
	s7 =	simm.s32 @!p0 $0x108  }
0x21: {  	s3 =	sadd.s32 s3, s9;
	s6 =	sadd.s32 @!p0 $0x88, s6;
	s7 =	simm.s32 @p2 $0x1082  }
0x22: {  	[simem:s7], [sflag:s8] =	dma.local @!p0 [hbm:s6], $0xF7A  }
0x23: {  	s9 =	sor.u32 $0xD0000000, s2;
	s6 =	simm.s32 $0x108;
	_ =	swait.ge @!p0 [sflag:s8], $0x0  }
0x24: {  	s3 =	sadd.s32 $0x88, s3;
	s6 =	simm.s32 @!p1 $0x1082;
	[sflag:s4] =	ssyncset.s32 $0xFFFFF086  }
0x25: {  	[simem:s6], [sflag:s4] =	dma.local [hbm:s3], $0xF7A  }
0x26: {  	[smem:$0x3F8F] =	sst s1;
	(tag) =	ssettag s2;
	_ =	strace s9  }
0x27: {  	s1 =	sld [smem:$0x3F9F]  }
0x28: {  	s2 =	sld [smem:$0x3FA0]  }
0x29: {  	s4 =	sld [smem:$0x3FA2]  }
0x2a: {  	p0 =	seq.s32 s5, $0x0;
	s5 =	sld [smem:$0x3FA3]  }
0x2b: {  	s6 =	sld [smem:$0x3FA4]  }
0x2c: {  	s7 =	sld [smem:$0x3FA5]  }
0x2d: {  	s3 =	simm.s32 $0x108;
	s8 =	sld [smem:$0x3FA6]  }
0x2e: {  	s3 =	simm.s32 @!p0 $0x1082;
	s9 =	sld [smem:$0x3FA7]  }
0x2f: {  	lr =	sadd.s32 s0, s3;
	s0 =	sld [smem:$0x3F9E]  }
0x30: {  	s3 =	sld [smem:$0x3FA1]  }
0x31: {  	[smem:$0x3FAA] =	sst s10  }
0x32: {  	s10 =	sld [smem:$0x3FA8];
	_ =	sdelay $0x3  }
0x33: {  	p0 =	seq.s32 s10, $0x1;
	s10 =	sld [smem:$0x3FAA];
	_ =	sdelay $0x3  }
0x34: {  	[smem:$0x3FAA] =	sst s10  }
0x35: {  	s10 =	sld [smem:$0x3FA9];
	_ =	sdelay $0x3  }
0x36: {  	p1 =	seq.s32 s10, $0x1;
	s10 =	sld [smem:$0x3FAA];
	_ =	sdelay $0x3  }
0x37: {  	[smem:$0x3FAA] =	sst s10  }
0x38: {  	s10 =	sld [smem:$0x3FAB]  }
0x39: {  	_ = 	snop;
	(pc) =	sbr.ind lr, $3  }
0x3a: {  	_ = 	snop  }
0x3b: {  	_ = 	snop  }
0x3c: {  	p2 =	seq.s32 s10, $0x1;
	s10 =	sld [smem:$0x3FAA]  }
0x3d: {  	_ =	shalt  }
0x3e: {  	_ =	shalt  }
0x3f: {  	_ =	shalt  }
0x40: {  	_ =	shalt  }
0x41: {  	_ =	shalt  }
0x42: {  	_ =	shalt  }
0x43: {  	_ =	shalt  }
0x44: {  	_ =	shalt  }
0x45: {  	_ =	shalt  }
0x46: {  	_ =	shalt  }
0x47: {  	_ =	shalt  }
0x48: {  	_ =	shalt  }
0x49: {  	_ =	shalt  }
0x4a: {  	_ =	shalt  }
0x4b: {  	_ =	shalt  }
0x4c: {  	_ =	shalt  }
0x4d: {  	_ =	shalt  }
0x4e: {  	_ =	shalt  }
0x4f: {  	_ =	shalt  }
0x50: {  	_ =	shalt  }
0x51: {  	_ =	shalt  }
0x52: {  	_ =	shalt  }
0x53: {  	_ =	shalt  }
0x54: {  	_ =	shalt  }
0x55: {  	_ =	shalt  }
0x56: {  	_ =	shalt  }
0x57: {  	_ =	shalt  }
0x58: {  	_ =	shalt  }
0x59: {  	_ =	shalt  }
0x5a: {  	_ =	shalt  }
0x5b: {  	_ =	shalt  }
0x5c: {  	_ =	shalt  }
0x5d: {  	_ =	shalt  }
0x5e: {  	_ =	shalt  }
0x5f: {  	_ =	shalt  }
0x60: {  	_ =	shalt  }
0x61: {  	_ =	shalt  }
0x62: {  	_ =	shalt  }
0x63: {  	_ =	shalt  }
0x64: {  	_ =	shalt  }
0x65: {  	_ =	shalt  }
0x66: {  	_ =	shalt  }
0x67: {  	_ =	shalt  }
0x68: {  	_ =	shalt  }
0x69: {  	_ =	shalt  }
0x6a: {  	_ =	shalt  }
0x6b: {  	_ =	shalt  }
0x6c: {  	_ =	shalt  }
0x6d: {  	_ =	shalt  }
0x6e: {  	_ =	shalt  }
0x6f: {  	_ =	shalt  }
0x70: {  	_ =	shalt  }
0x71: {  	_ =	shalt  }
0x72: {  	_ =	shalt  }
0x73: {  	_ =	shalt  }
0x74: {  	_ =	shalt  }
0x75: {  	_ =	shalt  }
0x76: {  	_ =	shalt  }
0x77: {  	_ =	shalt  }
0x78: {  	_ =	shalt  }
0x79: {  	_ =	shalt  }
0x7a: {  	_ =	shalt  }
0x7b: {  	_ =	shalt  }
0x7c: {  	_ =	shalt  }
0x7d: {  	_ =	shalt  }
0x7e: {  	_ =	shalt  }
0x7f: {  	_ =	shalt  }
0x80: {  	_ =	shalt  }
0x81: {  	_ =	shalt  }
0x82: {  	_ =	shalt  }
0x83: {  	_ =	shalt  }
0x84: {  	_ =	shalt  }
0x85: {  	_ =	shalt  }
0x86: {  	_ =	shalt  }
0x87: {  	_ =	shalt  }
.Lfunc_end0:
.L_simem_size_0:
called_computation_lowered:
.L_overlay_start_0:
0x88: {  	s2 =	sld [smem:$0x3FD9]  }
0x89: {  	s3 =	sld [smem:$0x3FFE];
	_ =	sdelay $0x1  }
0x8a: {  	s1 =	srdreg.scid  }
0x8b: {  	s0 =	sand.u32 $0x1, s1  }
0x8c: {  	s16 =	sshll.u32 s0, $0xA;
	s2 =	sadd.s32 s3, s2  }
0x8d: {  	s2 =	sadd.s32 s2, s16  }
0x8e: {  	[smem:$0x3FB6] =	sst s2  }
0x8f: {  	_ = 	snop  }
0x90: {  	(tm) =	ssettm $0x1  }
0x91: {  	s17 =	sld [smem:$0x3FFB];
	_ =	sdelay $0x3  }
0x92: {  	_ =	strace s17  }
0x93: {  	s2 =	sld [smem:$0x3FFC];
	_ =	sdelay $0x3  }
0x94: {  	_ =	strace s2  }
0x95: {  	s2 =	sld [smem:$0x3FFD];
	_ =	sdelay $0x3  }
0x96: {  	_ =	strace s2  }
0x97: {  	_ =	strace $0x8FFFFFFF  }
0x98: {  	s18 =	sld [smem:$0x3FDB];
	_ =	sdelay $0x1  }
0x99: {  	s19 =	simm.s32 $_scs_section_size  }
0x9a: {  	s4 =	simm.s32 $_size__tile_overlayer_lowered;
	s5 =	simm.s32 $_tile_overlayer_lowered  }
0x9b: {  	s22 =	simm.s32 $0x1BFF;
	s21 =	sshll.u32 s5, $0x1;
	s2 =	sadd.s32 s19, s18  }
0x9c: {  	s6 =	simm.s32 $0x0;
	s20 =	sshll.u32 s4, $0x1;
	s4 =	sadd.s32 s21, s2  }
0x9d: {  	[timem:s6], [sflag:s22] =	dma.local [hbm:s4], s20  }
0x9e: {  	_ =	swait.ge [sflag:s22], s20  }
0x9f: {  	s3 =	ssub.s32 $0x0, s20;
	[sflag:s22] =	ssyncset.done $0x0  }
0xa0: {  	[sflag:s22] =	ssyncadd.s32 s3;
	_ =	sdelay $0x1  }
0xa1: {  	s23 =	simm.s32 $0x1B8B  }
0xa2: {  	_ =	swait.ge [sflag:s23], $0x1  }
0xa3: {  	[sflag:s23] =	ssyncset.done $0x0  }
0xa4: {  	s25 =	simm.s32 $0x1B8E;
	s24 =	sld [smem:$0x3FFE];
	[sflag:s23] =	ssyncadd.s32 $0xFFFFFFFF  }
0xa5: {  	s26 =	simm.s32 $execute0_lowered;
	[smem:$0x3FD2] =	sst s25  }
0xa6: {  	s4 =	sshll.u32 s26, $0x1;
	_ =	strace $0x80000046;
	[dreg:$0x1] =	wrdreg $0xFFFFFFFF  }
0xa7: {  	s28 =	simm.s32 $_size_execute0_lowered;
	s2 =	sadd.s32 s2, s4;
	[dreg:$0x0] =	wrdreg $0x0  }
0xa8: {  	s4 =	sshll.u32 s28, $0x1;
	[dreg:$0x2] =	wrdreg s2  }
0xa9: {  	[dreg:$0x3] =	wrdreg s4  }
0xaa: {  	[dreg:$0x4] =	wrdreg $0xC0  }
0xab: {  	_ =	task [dreg:s6], $0x5FFFF  }
0xac: {  	[dreg:$0x1] =	wrdreg $0xFFFFFFFF  }
0xad: {  	[dreg:$0x0] =	wrdreg $0x60  }
0xae: {  	[dreg:$0x2] =	wrdreg s24  }
0xaf: {  	[dreg:$0x3] =	wrdreg $0x9  }
0xb0: {  	_ =	task.clear_ibuf [dreg:s6], $0x4FFFF;
	_ =	strace $0x90000046  }
0xb1: {  	s29 =	simm.s32 $0x9;
	_ =	strace $0x80000048  }
0xb2: {  	_ =	swait.ge [sflag:s29], $0x1  }
0xb3: {  	[sflag:s29] =	ssyncadd.s32 $0xFFFFFFFF  }
0xb4: {  	_ =	strace $0x90000048  }
0xb5: {  	_ =	sfence  }
0xb6: {  	s30 =	sld [smem:$0x0];
	_ =	sdelay $0x2  }
0xb7: {  	s31 =	sshll.u32 s1, $0xD;
	s1 =	sshrl.u32 s1, $0x2  }
0xb8: {  	s3 =	sand.u32 $0x4000, s31;
	s1 =	sadd.s32 s1, s30  }
0xb9: {  	s0 =	sor.u32 s3, s0;
	s1 =	sshll.u32 s1, $0x11  }
0xba: {  	s0 =	sor.u32 s1, s0  }
0xbb: {  	s0 =	sadd.s32 $0x8F2B, s0  }
0xbc: {  	[sflag:s0] =	ssyncadd.remote.s32 $0x1  }
0xbd: {  	_ =	sfence.sel $0xFFFF  }
0xbe: {  	[dreg:$0x0] =	wrdreg $0xFFFFFFFF;
	(pc) =	sbr.abs _section_cstart, $3  }
0xbf: {  	[dreg:$0x1] =	wrdreg $0xFFFFFFFF  }
0xc0: {  	_ =	task.clear_ibuf [dreg:s6], $0x2FFFF;
	_ =	strace $0x9FFFFFFF  }
0xc1: {  	(tm) =	ssettm $0x7FFFFFFF  }
tec
execute0_lowered:
.L_overlay_start_1:
0x0: {  	(tag) =	ssettag $0x1  }
0x1: {  	s1 =	srdreg.scid;
	s0 =	stileid.u32  }
0x2: {  	s28 =	sand.u32 $0x1, s1;
	s31 =	sshll.u32 s0, $0x1  }
0x3: {  	s29 =	sor.u32 s28, s31  }
0x4: {  	s26 =	rddreg [dreg:$0x0];
	s3 =	smul.u32 $0xA0, s29  }
0x5: {  	s2 =	simm.s32 $0x0;
	s1 =	rddreg [dreg:$0x1]  }
0x6: {  	[smem:$0x7FF] =	sst s2;
	s3 =	sadd.s32 s3, s26  }
0x7: {  	_ =	strace $0x80000047;
	s4 =	sadd.s32 $0x3600, s3;
	s3 =	simm.s32 $0x2  }
0x8: {  	[tilespmem:s2], [sflag:$0x2] =	stream.linear.gather [hbm4b:s4+s2], $0x500, $0x38;
	[tilespmem:$0x5500] =	vst v63  }
0x9: {  	_ =	swait.ge [sflag:s3], $0x500  }
0xa: {  	s6 =	simm.s32 $0x80;
	[sflag:s3] =	ssyncset.done $0x0  }
0xb: {  	s7 =	simm.s32 $0x500;
	s5 =	sadd.s32 $0x4A00, s26;
	[sflag:s3] =	ssyncadd.s32 $0xFFFFFB00  }
0xc: {  	[tilespmem:s7], [sflag:$0x1] =	stream.indirect.gather [hbm4b:s5+s6], $0x10, s2, s6, $0xb8;
	[tilespmem:$0x5500] =	vst v63  }
0xd: {  	s8 =	simm.s32 $0xD00  }
0xe: {  	[tilespmem:s8], [sflag:$0x1] =	stream.indirect.gather [hbm4b:s5+s6], $0x10, s6, s6, $0xb8;
	[tilespmem:$0x5500] =	vst v63  }
0xf: {  	s9 =	simm.s32 $0x100;
	s10 =	simm.s32 $0x1500  }
0x10: {  	[tilespmem:s10], [sflag:$0x1] =	stream.indirect.gather [hbm4b:s5+s6], $0x10, s9, s6, $0xb8;
	[tilespmem:$0x5500] =	vst v63  }
0x11: {  	s11 =	simm.s32 $0x180;
	s12 =	simm.s32 $0x1D00  }
0x12: {  	[tilespmem:s12], [sflag:$0x1] =	stream.indirect.gather [hbm4b:s5+s6], $0x10, s11, s6, $0xb8;
	[tilespmem:$0x5500] =	vst v63  }
0x13: {  	s13 =	simm.s32 $0x200;
	s14 =	simm.s32 $0x2500  }
0x14: {  	[tilespmem:s14], [sflag:$0x1] =	stream.indirect.gather [hbm4b:s5+s6], $0x10, s13, s6, $0xb8;
	[tilespmem:$0x5500] =	vst v63  }
0x15: {  	s15 =	simm.s32 $0x280;
	s16 =	simm.s32 $0x2D00  }
0x16: {  	[tilespmem:s16], [sflag:$0x1] =	stream.indirect.gather [hbm4b:s5+s6], $0x10, s15, s6, $0xb8;
	[tilespmem:$0x5500] =	vst v63  }
0x17: {  	s17 =	simm.s32 $0x300;
	s18 =	simm.s32 $0x3500  }
0x18: {  	[tilespmem:s18], [sflag:$0x1] =	stream.indirect.gather [hbm4b:s5+s6], $0x10, s17, s6, $0xb8;
	[tilespmem:$0x5500] =	vst v63  }
0x19: {  	s19 =	simm.s32 $0x380;
	s20 =	simm.s32 $0x3D00  }
0x1a: {  	[tilespmem:s20], [sflag:$0x1] =	stream.indirect.gather [hbm4b:s5+s6], $0x10, s19, s6, $0xb8;
	[tilespmem:$0x5500] =	vst v63  }
0x1b: {  	s21 =	simm.s32 $0x400;
	s22 =	simm.s32 $0x4500  }
0x1c: {  	[tilespmem:s22], [sflag:$0x1] =	stream.indirect.gather [hbm4b:s5+s6], $0x10, s21, s6, $0xb8;
	[tilespmem:$0x5500] =	vst v63  }
0x1d: {  	s23 =	simm.s32 $0x480;
	s24 =	simm.s32 $0x4D00;
	s25 =	simm.s32 $0x1  }
0x1e: {  	[tilespmem:s24], [sflag:$0x1] =	stream.indirect.gather [hbm4b:s5+s6], $0x10, s23, s6, $0xb8;
	[tilespmem:$0x5500] =	vst v63  }
0x1f: {  	_ =	swait.ge [sflag:s25], $0x800  }
0x20: {  	[sflag:s25] =	ssyncset.done $0x0  }
0x21: {  	[sflag:s25] =	ssyncadd.s32 $0xFFFFF800  }
0x22: {  	_ =	swait.ge [sflag:s25], $0x800  }
0x23: {  	[sflag:s25] =	ssyncset.done $0x0  }
0x24: {  	[sflag:s25] =	ssyncadd.s32 $0xFFFFF800  }
0x25: {  	_ =	swait.ge [sflag:s25], $0x800  }
0x26: {  	[sflag:s25] =	ssyncset.done $0x0  }
0x27: {  	[sflag:s25] =	ssyncadd.s32 $0xFFFFF800  }
0x28: {  	_ =	swait.ge [sflag:s25], $0x800  }
0x29: {  	[sflag:s25] =	ssyncset.done $0x0  }
0x2a: {  	[sflag:s25] =	ssyncadd.s32 $0xFFFFF800  }
0x2b: {  	_ =	swait.ge [sflag:s25], $0x800  }
0x2c: {  	[sflag:s25] =	ssyncset.done $0x0  }
0x2d: {  	[sflag:s25] =	ssyncadd.s32 $0xFFFFF800  }
0x2e: {  	_ =	swait.ge [sflag:s25], $0x800  }
0x2f: {  	[sflag:s25] =	ssyncset.done $0x0  }
0x30: {  	[sflag:s25] =	ssyncadd.s32 $0xFFFFF800  }
0x31: {  	_ =	swait.ge [sflag:s25], $0x800  }
0x32: {  	[sflag:s25] =	ssyncset.done $0x0  }
0x33: {  	[sflag:s25] =	ssyncadd.s32 $0xFFFFF800  }
0x34: {  	_ =	swait.ge [sflag:s25], $0x800  }
0x35: {  	[sflag:s25] =	ssyncset.done $0x0  }
0x36: {  	s28 =	ssub.s32 $0x2, s28;
	[sflag:s25] =	ssyncadd.s32 $0xFFFFF800  }
0x37: {  	s30 =	sshrl.u32 s28, $0x1;
	_ =	swait.ge [sflag:s25], $0x800  }
0x38: {  	s28 =	ssub.s32 s28, s30;
	[sflag:s25] =	ssyncset.done $0x0  }
0x39: {  	s29 =	smul.u32 $0xA00, s29;
	s28 =	smax.u32 s28, $0x1;
	[sflag:s25] =	ssyncadd.s32 $0xFFFFF800  }
0x3a: {  	p0 =	sne.s32 s28, $0x1;
	_ =	swait.ge [sflag:s25], $0x800  }
.Ltmp0:
0x3b: {  	s26 =	sadd.s32 s29, s26;
	[sflag:s25] =	ssyncset.done $0x0;
	(pc) =	sbr.rel @!p0 .LBB2_2-.Ltmp0, $4  }
0x3c: {  	s26 =	sadd.s32 $0x9A00, s26;
	[sflag:s25] =	ssyncadd.s32 $0xFFFFF800  }
0x3d: {  	[hbm4b:s26+s2] =	stream.linear.scatter [tilespmem:s7], [sflag:$0x2], $0x5000, $0x38;
	[tilespmem:$0x5500] =	vst v63  }
0x3e: {  	_ =	swait.ge [sflag:s3], $0x5000  }
0x3f: {  	s28 =	sadd.s32 $0xFFFFFFFF, s28;
	[sflag:s3] =	ssyncset.done $0x0  }
.LBB2_1:
0x40: {  	p0 =	sne.s32 s28, $0x1;
	s28 =	sadd.s32 $0xFFFFFFFF, s28;
	[sflag:s3] =	ssyncadd.s32 $0xFFFFB000  }
0x41: {  	[tilespmem:s2], [sflag:$0x2] =	stream.linear.gather [hbm4b:s4+s2], $0x500, $0x38;
	[tilespmem:$0x5500] =	vst v63  }
0x42: {  	_ =	swait.ge [sflag:s3], $0x500  }
0x43: {  	[sflag:s3] =	ssyncset.done $0x0  }
0x44: {  	[sflag:s3] =	ssyncadd.s32 $0xFFFFFB00  }
0x45: {  	[tilespmem:s7], [sflag:$0x1] =	stream.indirect.gather [hbm4b:s5+s6], $0x10, s2, s6, $0xb8;
	[tilespmem:$0x5500] =	vst v63  }
0x46: {  	_ = 	snop  }
0x47: {  	[tilespmem:s8], [sflag:$0x1] =	stream.indirect.gather [hbm4b:s5+s6], $0x10, s6, s6, $0xb8;
	[tilespmem:$0x5500] =	vst v63  }
0x48: {  	_ = 	snop  }
0x49: {  	[tilespmem:s10], [sflag:$0x1] =	stream.indirect.gather [hbm4b:s5+s6], $0x10, s9, s6, $0xb8;
	[tilespmem:$0x5500] =	vst v63  }
0x4a: {  	_ = 	snop  }
0x4b: {  	[tilespmem:s12], [sflag:$0x1] =	stream.indirect.gather [hbm4b:s5+s6], $0x10, s11, s6, $0xb8;
	[tilespmem:$0x5500] =	vst v63  }
0x4c: {  	_ = 	snop  }
0x4d: {  	[tilespmem:s14], [sflag:$0x1] =	stream.indirect.gather [hbm4b:s5+s6], $0x10, s13, s6, $0xb8;
	[tilespmem:$0x5500] =	vst v63  }
0x4e: {  	_ = 	snop  }
0x4f: {  	[tilespmem:s16], [sflag:$0x1] =	stream.indirect.gather [hbm4b:s5+s6], $0x10, s15, s6, $0xb8;
	[tilespmem:$0x5500] =	vst v63  }
0x50: {  	_ = 	snop  }
0x51: {  	[tilespmem:s18], [sflag:$0x1] =	stream.indirect.gather [hbm4b:s5+s6], $0x10, s17, s6, $0xb8;
	[tilespmem:$0x5500] =	vst v63  }
0x52: {  	_ = 	snop  }
0x53: {  	[tilespmem:s20], [sflag:$0x1] =	stream.indirect.gather [hbm4b:s5+s6], $0x10, s19, s6, $0xb8;
	[tilespmem:$0x5500] =	vst v63  }
0x54: {  	_ = 	snop  }
0x55: {  	[tilespmem:s22], [sflag:$0x1] =	stream.indirect.gather [hbm4b:s5+s6], $0x10, s21, s6, $0xb8;
	[tilespmem:$0x5500] =	vst v63  }
0x56: {  	_ = 	snop  }
0x57: {  	[tilespmem:s24], [sflag:$0x1] =	stream.indirect.gather [hbm4b:s5+s6], $0x10, s23, s6, $0xb8;
	[tilespmem:$0x5500] =	vst v63  }
0x58: {  	_ =	swait.ge [sflag:s25], $0x800  }
0x59: {  	[sflag:s25] =	ssyncset.done $0x0  }
0x5a: {  	[sflag:s25] =	ssyncadd.s32 $0xFFFFF800  }
0x5b: {  	_ =	swait.ge [sflag:s25], $0x800  }
0x5c: {  	[sflag:s25] =	ssyncset.done $0x0  }
0x5d: {  	[sflag:s25] =	ssyncadd.s32 $0xFFFFF800  }
0x5e: {  	_ =	swait.ge [sflag:s25], $0x800  }
0x5f: {  	[sflag:s25] =	ssyncset.done $0x0  }
0x60: {  	[sflag:s25] =	ssyncadd.s32 $0xFFFFF800  }
0x61: {  	_ =	swait.ge [sflag:s25], $0x800  }
0x62: {  	[sflag:s25] =	ssyncset.done $0x0  }
0x63: {  	[sflag:s25] =	ssyncadd.s32 $0xFFFFF800  }
0x64: {  	_ =	swait.ge [sflag:s25], $0x800  }
0x65: {  	[sflag:s25] =	ssyncset.done $0x0  }
0x66: {  	[sflag:s25] =	ssyncadd.s32 $0xFFFFF800  }
0x67: {  	_ =	swait.ge [sflag:s25], $0x800  }
0x68: {  	[sflag:s25] =	ssyncset.done $0x0  }
0x69: {  	[sflag:s25] =	ssyncadd.s32 $0xFFFFF800  }
0x6a: {  	_ =	swait.ge [sflag:s25], $0x800  }
0x6b: {  	[sflag:s25] =	ssyncset.done $0x0  }
0x6c: {  	[sflag:s25] =	ssyncadd.s32 $0xFFFFF800  }
0x6d: {  	_ =	swait.ge [sflag:s25], $0x800  }
0x6e: {  	[sflag:s25] =	ssyncset.done $0x0  }
0x6f: {  	[sflag:s25] =	ssyncadd.s32 $0xFFFFF800  }
0x70: {  	_ =	swait.ge [sflag:s25], $0x800  }
0x71: {  	[sflag:s25] =	ssyncset.done $0x0  }
0x72: {  	[sflag:s25] =	ssyncadd.s32 $0xFFFFF800  }
0x73: {  	_ =	swait.ge [sflag:s25], $0x800  }
.Ltmp1:
0x74: {  	[sflag:s25] =	ssyncset.done $0x0;
	(pc) =	sbr.rel @p0 .LBB2_1-.Ltmp1, $4  }
0x75: {  	[sflag:s25] =	ssyncadd.s32 $0xFFFFF800  }
0x76: {  	[hbm4b:s26+s2] =	stream.linear.scatter [tilespmem:s7], [sflag:$0x2], $0x5000, $0x38;
	[tilespmem:$0x5500] =	vst v63  }
0x77: {  	_ =	swait.ge [sflag:s3], $0x5000  }
0x78: {  	[sflag:s3] =	ssyncset.done $0x0  }
.LBB2_2:
0x79: {  	[sflag:s3] =	ssyncadd.s32 $0xFFFFB000  }
0x7a: {  	_ =	sfence.sel $0x180000  }
0x7b: {  	[bflag:$0x0] =	sbarrier.arrive $0xFFFF  }
0x7c: {  	p0 =	sne.s32 s0, $0x0;
	_ =	strace $0x90000047  }
0x7d: {  	s0 =	sadd.s32 @!p0 $0x100000, s1;
	[bflag:$0x2] =	sbarrier.arrive $0xFFFF  }
0x7e: {  	[sflag:s0] =	ssyncadd.tile.s32 @!p0 $0x1;
	_ =	shalt  }
.Lfunc_end2:
_tile_overlayer_lowered:
.L_overlay_start_2:
0x7f: {  	(tag) =	ssettag $0x2  }
0x80: {  	s0 =	rddreg [dreg:$0x0];
	s2 =	stileid.u32  }
0x81: {  	s1 =	rddreg [dreg:$0x1];
	p0 =	sne.s32 s2, $0x0  }
0x82: {  	s3 =	rddreg [dreg:$0x2];
	[bflag:$0x3] =	sbarrier.arrive $0xFFFF;
	s2 =	simm.s32 @!p0 $0x1C02  }
0x83: {  	[timem:s3], [sflag:s2] =	dma.local @!p0 [hbm:s0], s1  }
0x84: {  	s0 =	simm.s32 @!p0 $0x2  }
0x85: {  	_ =	swait.ge @!p0 [sflag:s0], s1  }
0x86: {  	s1 =	ssub.s32 @!p0 $0x0, s1;
	[sflag:s0] =	ssyncset.done @!p0 $0x0  }
0x87: {  	[sflag:s0] =	ssyncadd.s32 @!p0 s1  }
0x88: {  	[bflag:$0x3] =	sbarrier.arrive $0xFFFF  }
0x89: {  	_ =	shalt  }

// kernel: kernel.15.cloned.1.call-start
scs
__scs_entry_jumppad:
0x0: {  	(pc) =	sbr.rel $0x88, $3  }
0x1: {  	(tag) =	ssettag $0x0;
	lr =	simm.s32 $0x1  }
0x2: {  	[smem:$0x3F8F] =	sst lr;
	_ =	strace $0xD0000000  }
0x3: {  	_ = 	snop  }
0x4: {  	_ = 	snop  }
0x5: {  	_ = 	snop  }
0x6: {  	_ = 	snop  }
0x7: {  	_ = 	snop  }
__scs_overlays_trampoline_lowered:
0x8: {  	[smem:$0x3F9E] =	sst s0  }
0x9: {  	[smem:$0x3F9F] =	sst s1  }
0xa: {  	[smem:$0x3FA0] =	sst s2  }
0xb: {  	[smem:$0x3FA1] =	sst s3  }
0xc: {  	[smem:$0x3FA2] =	sst s4  }
0xd: {  	[smem:$0x3FA3] =	sst s5  }
0xe: {  	[smem:$0x3FA4] =	sst s6  }
0xf: {  	[smem:$0x3FA5] =	sst s7  }
0x10: {  	[smem:$0x3FA6] =	sst s8  }
0x11: {  	[smem:$0x3FA7] =	sst s9;
	s0 =	simm.s32 @!p0 $0x0  }
0x12: {  	s1 =	sld [smem:$0x3F8D];
	s0 =	simm.s32 @p0 $0x1  }
0x13: {  	[smem:$0x3FA8] =	sst s0;
	s0 =	simm.s32 @!p1 $0x0  }
0x14: {  	s2 =	sld [smem:$0x3F8C];
	s0 =	simm.s32 @p1 $0x1  }
0x15: {  	[smem:$0x3FA9] =	sst s0;
	s0 =	simm.s32 @!p2 $0x0  }
0x16: {  	s3 =	sld [smem:$0x3FDB];
	s0 =	simm.s32 @p2 $0x1  }
0x17: {  	s4 =	simm.s32 $0x1BF5;
	[smem:$0x3FAB] =	sst s0  }
0x18: {  	s0 =	sld [smem:$0x3F8E];
	_ =	swait.ge [sflag:s4], $0x0  }
0x19: {  	s7 =	sld [smem:$0x3F8F]  }
0x1a: {  	s8 =	sadd.s32 $0xFFFFE003, lr  }
0x1b: {  	s9 =	sadd.s32 $0xFFFFFEF7, lr;
	s5 =	simm.s32 $0xFFFFFFFF;
	p2 =	slt.u32 s8, $0xFFFFF086  }
0x1c: {  	p1 =	slt.u32 s9, $0xF7A;
	s5 =	simm.s32 @!p2 $0x0  }
0x1d: {  	s5 =	simm.s32 @p1 $0x1;
	p0 =	seq.s32 s7, s2  }
0x1e: {  	s7 =	smul.u32 @!p0 $0xF7A, s2;
	p2 =	seq.s32 @!p0 s5, $0x0  }
0x1f: {  	s9 =	smul.u32 $0xF7A, s1;
	s8 =	simm.s32 @!p0 $0x1BF5;
	p2 =	por !p2, p0  }
0x20: {  	[sflag:s8] =	ssyncset.s32 @!p0 $0xFFFFF086;
	s6 =	sadd.s32 @!p0 s3, s7;
	s7 =	simm.s32 @!p0 $0x108  }
0x21: {  	s3 =	sadd.s32 s3, s9;
	s6 =	sadd.s32 @!p0 $0x88, s6;
	s7 =	simm.s32 @p2 $0x1082  }
0x22: {  	[simem:s7], [sflag:s8] =	dma.local @!p0 [hbm:s6], $0xF7A  }
0x23: {  	s9 =	sor.u32 $0xD0000000, s2;
	s6 =	simm.s32 $0x108;
	_ =	swait.ge @!p0 [sflag:s8], $0x0  }
0x24: {  	s3 =	sadd.s32 $0x88, s3;
	s6 =	simm.s32 @!p1 $0x1082;
	[sflag:s4] =	ssyncset.s32 $0xFFFFF086  }
0x25: {  	[simem:s6], [sflag:s4] =	dma.local [hbm:s3], $0xF7A  }
0x26: {  	[smem:$0x3F8F] =	sst s1;
	(tag) =	ssettag s2;
	_ =	strace s9  }
0x27: {  	s1 =	sld [smem:$0x3F9F]  }
0x28: {  	s2 =	sld [smem:$0x3FA0]  }
0x29: {  	s4 =	sld [smem:$0x3FA2]  }
0x2a: {  	p0 =	seq.s32 s5, $0x0;
	s5 =	sld [smem:$0x3FA3]  }
0x2b: {  	s6 =	sld [smem:$0x3FA4]  }
0x2c: {  	s7 =	sld [smem:$0x3FA5]  }
0x2d: {  	s3 =	simm.s32 $0x108;
	s8 =	sld [smem:$0x3FA6]  }
0x2e: {  	s3 =	simm.s32 @!p0 $0x1082;
	s9 =	sld [smem:$0x3FA7]  }
0x2f: {  	lr =	sadd.s32 s0, s3;
	s0 =	sld [smem:$0x3F9E]  }
0x30: {  	s3 =	sld [smem:$0x3FA1]  }
0x31: {  	[smem:$0x3FAA] =	sst s10  }
0x32: {  	s10 =	sld [smem:$0x3FA8];
	_ =	sdelay $0x3  }
0x33: {  	p0 =	seq.s32 s10, $0x1;
	s10 =	sld [smem:$0x3FAA];
	_ =	sdelay $0x3  }
0x34: {  	[smem:$0x3FAA] =	sst s10  }
0x35: {  	s10 =	sld [smem:$0x3FA9];
	_ =	sdelay $0x3  }
0x36: {  	p1 =	seq.s32 s10, $0x1;
	s10 =	sld [smem:$0x3FAA];
	_ =	sdelay $0x3  }
0x37: {  	[smem:$0x3FAA] =	sst s10  }
0x38: {  	s10 =	sld [smem:$0x3FAB]  }
0x39: {  	_ = 	snop;
	(pc) =	sbr.ind lr, $3  }
0x3a: {  	_ = 	snop  }
0x3b: {  	_ = 	snop  }
0x3c: {  	p2 =	seq.s32 s10, $0x1;
	s10 =	sld [smem:$0x3FAA]  }
0x3d: {  	_ =	shalt  }
0x3e: {  	_ =	shalt  }
0x3f: {  	_ =	shalt  }
0x40: {  	_ =	shalt  }
0x41: {  	_ =	shalt  }
0x42: {  	_ =	shalt  }
0x43: {  	_ =	shalt  }
0x44: {  	_ =	shalt  }
0x45: {  	_ =	shalt  }
0x46: {  	_ =	shalt  }
0x47: {  	_ =	shalt  }
0x48: {  	_ =	shalt  }
0x49: {  	_ =	shalt  }
0x4a: {  	_ =	shalt  }
0x4b: {  	_ =	shalt  }
0x4c: {  	_ =	shalt  }
0x4d: {  	_ =	shalt  }
0x4e: {  	_ =	shalt  }
0x4f: {  	_ =	shalt  }
0x50: {  	_ =	shalt  }
0x51: {  	_ =	shalt  }
0x52: {  	_ =	shalt  }
0x53: {  	_ =	shalt  }
0x54: {  	_ =	shalt  }
0x55: {  	_ =	shalt  }
0x56: {  	_ =	shalt  }
0x57: {  	_ =	shalt  }
0x58: {  	_ =	shalt  }
0x59: {  	_ =	shalt  }
0x5a: {  	_ =	shalt  }
0x5b: {  	_ =	shalt  }
0x5c: {  	_ =	shalt  }
0x5d: {  	_ =	shalt  }
0x5e: {  	_ =	shalt  }
0x5f: {  	_ =	shalt  }
0x60: {  	_ =	shalt  }
0x61: {  	_ =	shalt  }
0x62: {  	_ =	shalt  }
0x63: {  	_ =	shalt  }
0x64: {  	_ =	shalt  }
0x65: {  	_ =	shalt  }
0x66: {  	_ =	shalt  }
0x67: {  	_ =	shalt  }
0x68: {  	_ =	shalt  }
0x69: {  	_ =	shalt  }
0x6a: {  	_ =	shalt  }
0x6b: {  	_ =	shalt  }
0x6c: {  	_ =	shalt  }
0x6d: {  	_ =	shalt  }
0x6e: {  	_ =	shalt  }
0x6f: {  	_ =	shalt  }
0x70: {  	_ =	shalt  }
0x71: {  	_ =	shalt  }
0x72: {  	_ =	shalt  }
0x73: {  	_ =	shalt  }
0x74: {  	_ =	shalt  }
0x75: {  	_ =	shalt  }
0x76: {  	_ =	shalt  }
0x77: {  	_ =	shalt  }
0x78: {  	_ =	shalt  }
0x79: {  	_ =	shalt  }
0x7a: {  	_ =	shalt  }
0x7b: {  	_ =	shalt  }
0x7c: {  	_ =	shalt  }
0x7d: {  	_ =	shalt  }
0x7e: {  	_ =	shalt  }
0x7f: {  	_ =	shalt  }
0x80: {  	_ =	shalt  }
0x81: {  	_ =	shalt  }
0x82: {  	_ =	shalt  }
0x83: {  	_ =	shalt  }
0x84: {  	_ =	shalt  }
0x85: {  	_ =	shalt  }
0x86: {  	_ =	shalt  }
0x87: {  	_ =	shalt  }
.Lfunc_end0:
.L_simem_size_0:
called_computation.1_lowered:
.L_overlay_start_0:
0x88: {  	s2 =	sld [smem:$0x3FD9]  }
0x89: {  	s3 =	sld [smem:$0x3FFE];
	_ =	sdelay $0x1  }
0x8a: {  	s1 =	srdreg.scid  }
0x8b: {  	s0 =	sand.u32 $0x1, s1  }
0x8c: {  	s16 =	sshll.u32 s0, $0xA;
	s2 =	sadd.s32 s3, s2  }
0x8d: {  	s2 =	sadd.s32 s2, s16  }
0x8e: {  	[smem:$0x3FB6] =	sst s2  }
0x8f: {  	_ = 	snop  }
0x90: {  	(tm) =	ssettm $0x1  }
0x91: {  	s17 =	sld [smem:$0x3FFB];
	_ =	sdelay $0x3  }
0x92: {  	_ =	strace s17  }
0x93: {  	s2 =	sld [smem:$0x3FFC];
	_ =	sdelay $0x3  }
0x94: {  	_ =	strace s2  }
0x95: {  	s2 =	sld [smem:$0x3FFD];
	_ =	sdelay $0x3  }
0x96: {  	_ =	strace s2  }
0x97: {  	_ =	strace $0x8FFFFFFF  }
0x98: {  	s18 =	sld [smem:$0x3FDB];
	_ =	sdelay $0x1  }
0x99: {  	s19 =	simm.s32 $_scs_section_size  }
0x9a: {  	s4 =	simm.s32 $_size__tile_overlayer_lowered;
	s5 =	simm.s32 $_tile_overlayer_lowered  }
0x9b: {  	s22 =	simm.s32 $0x1BFF;
	s21 =	sshll.u32 s5, $0x1;
	s2 =	sadd.s32 s19, s18  }
0x9c: {  	s6 =	simm.s32 $0x0;
	s20 =	sshll.u32 s4, $0x1;
	s4 =	sadd.s32 s21, s2  }
0x9d: {  	[timem:s6], [sflag:s22] =	dma.local [hbm:s4], s20  }
0x9e: {  	_ =	swait.ge [sflag:s22], s20  }
0x9f: {  	s3 =	ssub.s32 $0x0, s20;
	[sflag:s22] =	ssyncset.done $0x0  }
0xa0: {  	[sflag:s22] =	ssyncadd.s32 s3;
	_ =	sdelay $0x1  }
0xa1: {  	s23 =	simm.s32 $0x1B8B  }
0xa2: {  	_ =	swait.ge [sflag:s23], $0x1  }
0xa3: {  	[sflag:s23] =	ssyncset.done $0x0  }
0xa4: {  	s25 =	simm.s32 $0x1B8E;
	s24 =	sld [smem:$0x3FFE];
	[sflag:s23] =	ssyncadd.s32 $0xFFFFFFFF  }
0xa5: {  	s26 =	simm.s32 $execute0_lowered;
	[smem:$0x3FD2] =	sst s25  }
0xa6: {  	s4 =	sshll.u32 s26, $0x1;
	_ =	strace $0x80000049;
	[dreg:$0x1] =	wrdreg $0xFFFFFFFF  }
0xa7: {  	s28 =	simm.s32 $_size_execute0_lowered;
	s2 =	sadd.s32 s2, s4;
	[dreg:$0x0] =	wrdreg $0x0  }
0xa8: {  	s4 =	sshll.u32 s28, $0x1;
	[dreg:$0x2] =	wrdreg s2  }
0xa9: {  	[dreg:$0x3] =	wrdreg s4  }
0xaa: {  	[dreg:$0x4] =	wrdreg $0xC0  }
0xab: {  	_ =	task [dreg:s6], $0x5FFFF  }
0xac: {  	[dreg:$0x1] =	wrdreg $0xFFFFFFFF  }
0xad: {  	[dreg:$0x0] =	wrdreg $0x60  }
0xae: {  	[dreg:$0x2] =	wrdreg s24  }
0xaf: {  	[dreg:$0x3] =	wrdreg $0x9  }
0xb0: {  	_ =	task.clear_ibuf [dreg:s6], $0x4FFFF;
	_ =	strace $0x90000049  }
0xb1: {  	s29 =	simm.s32 $0x9;
	_ =	strace $0x8000004B  }
0xb2: {  	_ =	swait.ge [sflag:s29], $0x1  }
0xb3: {  	[sflag:s29] =	ssyncadd.s32 $0xFFFFFFFF  }
0xb4: {  	_ =	strace $0x9000004B  }
0xb5: {  	_ =	sfence  }
0xb6: {  	s30 =	sld [smem:$0x0];
	_ =	sdelay $0x2  }
0xb7: {  	s31 =	sshll.u32 s1, $0xD;
	s1 =	sshrl.u32 s1, $0x2  }
0xb8: {  	s3 =	sand.u32 $0x4000, s31;
	s1 =	sadd.s32 s1, s30  }
0xb9: {  	s0 =	sor.u32 s3, s0;
	s1 =	sshll.u32 s1, $0x11  }
0xba: {  	s0 =	sor.u32 s1, s0  }
0xbb: {  	s0 =	sadd.s32 $0x8F2B, s0  }
0xbc: {  	[sflag:s0] =	ssyncadd.remote.s32 $0x1  }
0xbd: {  	_ =	sfence.sel $0xFFFF  }
0xbe: {  	[dreg:$0x0] =	wrdreg $0xFFFFFFFF;
	(pc) =	sbr.abs _section_cstart, $3  }
0xbf: {  	[dreg:$0x1] =	wrdreg $0xFFFFFFFF  }
0xc0: {  	_ =	task.clear_ibuf [dreg:s6], $0x2FFFF;
	_ =	strace $0x9FFFFFFF  }
0xc1: {  	(tm) =	ssettm $0x7FFFFFFF  }
tec
execute0_lowered:
.L_overlay_start_1:
0x0: {  	(tag) =	ssettag $0x1  }
0x1: {  	s1 =	srdreg.scid;
	s0 =	stileid.u32  }
0x2: {  	s28 =	sand.u32 $0x1, s1;
	s31 =	sshll.u32 s0, $0x1  }
0x3: {  	s29 =	sor.u32 s28, s31  }
0x4: {  	s26 =	rddreg [dreg:$0x0];
	s3 =	smul.u32 $0xA0, s29  }
0x5: {  	s2 =	simm.s32 $0x0;
	s1 =	rddreg [dreg:$0x1]  }
0x6: {  	[smem:$0x7FF] =	sst s2;
	s3 =	sadd.s32 s3, s26  }
0x7: {  	_ =	strace $0x8000004A;
	s4 =	sadd.s32 $0x3600, s3;
	s3 =	simm.s32 $0x2  }
0x8: {  	[tilespmem:s2], [sflag:$0x2] =	stream.linear.gather [hbm4b:s4+s2], $0x500, $0x38;
	[tilespmem:$0x5500] =	vst v63  }
0x9: {  	_ =	swait.ge [sflag:s3], $0x500  }
0xa: {  	s6 =	simm.s32 $0x80;
	[sflag:s3] =	ssyncset.done $0x0  }
0xb: {  	s7 =	simm.s32 $0x500;
	s5 =	sadd.s32 $0x4A00, s26;
	[sflag:s3] =	ssyncadd.s32 $0xFFFFFB00  }
0xc: {  	[tilespmem:s7], [sflag:$0x1] =	stream.indirect.gather [hbm4b:s5+s6], $0x10, s2, s6, $0xb8;
	[tilespmem:$0x5500] =	vst v63  }
0xd: {  	s8 =	simm.s32 $0xD00  }
0xe: {  	[tilespmem:s8], [sflag:$0x1] =	stream.indirect.gather [hbm4b:s5+s6], $0x10, s6, s6, $0xb8;
	[tilespmem:$0x5500] =	vst v63  }
0xf: {  	s9 =	simm.s32 $0x100;
	s10 =	simm.s32 $0x1500  }
0x10: {  	[tilespmem:s10], [sflag:$0x1] =	stream.indirect.gather [hbm4b:s5+s6], $0x10, s9, s6, $0xb8;
	[tilespmem:$0x5500] =	vst v63  }
0x11: {  	s11 =	simm.s32 $0x180;
	s12 =	simm.s32 $0x1D00  }
0x12: {  	[tilespmem:s12], [sflag:$0x1] =	stream.indirect.gather [hbm4b:s5+s6], $0x10, s11, s6, $0xb8;
	[tilespmem:$0x5500] =	vst v63  }
0x13: {  	s13 =	simm.s32 $0x200;
	s14 =	simm.s32 $0x2500  }
0x14: {  	[tilespmem:s14], [sflag:$0x1] =	stream.indirect.gather [hbm4b:s5+s6], $0x10, s13, s6, $0xb8;
	[tilespmem:$0x5500] =	vst v63  }
0x15: {  	s15 =	simm.s32 $0x280;
	s16 =	simm.s32 $0x2D00  }
0x16: {  	[tilespmem:s16], [sflag:$0x1] =	stream.indirect.gather [hbm4b:s5+s6], $0x10, s15, s6, $0xb8;
	[tilespmem:$0x5500] =	vst v63  }
0x17: {  	s17 =	simm.s32 $0x300;
	s18 =	simm.s32 $0x3500  }
0x18: {  	[tilespmem:s18], [sflag:$0x1] =	stream.indirect.gather [hbm4b:s5+s6], $0x10, s17, s6, $0xb8;
	[tilespmem:$0x5500] =	vst v63  }
0x19: {  	s19 =	simm.s32 $0x380;
	s20 =	simm.s32 $0x3D00  }
0x1a: {  	[tilespmem:s20], [sflag:$0x1] =	stream.indirect.gather [hbm4b:s5+s6], $0x10, s19, s6, $0xb8;
	[tilespmem:$0x5500] =	vst v63  }
0x1b: {  	s21 =	simm.s32 $0x400;
	s22 =	simm.s32 $0x4500  }
0x1c: {  	[tilespmem:s22], [sflag:$0x1] =	stream.indirect.gather [hbm4b:s5+s6], $0x10, s21, s6, $0xb8;
	[tilespmem:$0x5500] =	vst v63  }
0x1d: {  	s23 =	simm.s32 $0x480;
	s24 =	simm.s32 $0x4D00;
	s25 =	simm.s32 $0x1  }
0x1e: {  	[tilespmem:s24], [sflag:$0x1] =	stream.indirect.gather [hbm4b:s5+s6], $0x10, s23, s6, $0xb8;
	[tilespmem:$0x5500] =	vst v63  }
0x1f: {  	_ =	swait.ge [sflag:s25], $0x800  }
0x20: {  	[sflag:s25] =	ssyncset.done $0x0  }
0x21: {  	[sflag:s25] =	ssyncadd.s32 $0xFFFFF800  }
0x22: {  	_ =	swait.ge [sflag:s25], $0x800  }
0x23: {  	[sflag:s25] =	ssyncset.done $0x0  }
0x24: {  	[sflag:s25] =	ssyncadd.s32 $0xFFFFF800  }
0x25: {  	_ =	swait.ge [sflag:s25], $0x800  }
0x26: {  	[sflag:s25] =	ssyncset.done $0x0  }
0x27: {  	[sflag:s25] =	ssyncadd.s32 $0xFFFFF800  }
0x28: {  	_ =	swait.ge [sflag:s25], $0x800  }
0x29: {  	[sflag:s25] =	ssyncset.done $0x0  }
0x2a: {  	[sflag:s25] =	ssyncadd.s32 $0xFFFFF800  }
0x2b: {  	_ =	swait.ge [sflag:s25], $0x800  }
0x2c: {  	[sflag:s25] =	ssyncset.done $0x0  }
0x2d: {  	[sflag:s25] =	ssyncadd.s32 $0xFFFFF800  }
0x2e: {  	_ =	swait.ge [sflag:s25], $0x800  }
0x2f: {  	[sflag:s25] =	ssyncset.done $0x0  }
0x30: {  	[sflag:s25] =	ssyncadd.s32 $0xFFFFF800  }
0x31: {  	_ =	swait.ge [sflag:s25], $0x800  }
0x32: {  	[sflag:s25] =	ssyncset.done $0x0  }
0x33: {  	[sflag:s25] =	ssyncadd.s32 $0xFFFFF800  }
0x34: {  	_ =	swait.ge [sflag:s25], $0x800  }
0x35: {  	[sflag:s25] =	ssyncset.done $0x0  }
0x36: {  	s28 =	ssub.s32 $0x2, s28;
	[sflag:s25] =	ssyncadd.s32 $0xFFFFF800  }
0x37: {  	s30 =	sshrl.u32 s28, $0x1;
	_ =	swait.ge [sflag:s25], $0x800  }
0x38: {  	s28 =	ssub.s32 s28, s30;
	[sflag:s25] =	ssyncset.done $0x0  }
0x39: {  	s29 =	smul.u32 $0xA00, s29;
	s28 =	smax.u32 s28, $0x1;
	[sflag:s25] =	ssyncadd.s32 $0xFFFFF800  }
0x3a: {  	p0 =	sne.s32 s28, $0x1;
	_ =	swait.ge [sflag:s25], $0x800  }
.Ltmp0:
0x3b: {  	s26 =	sadd.s32 s29, s26;
	[sflag:s25] =	ssyncset.done $0x0;
	(pc) =	sbr.rel @!p0 .LBB2_2-.Ltmp0, $4  }
0x3c: {  	s26 =	sadd.s32 $0x9A00, s26;
	[sflag:s25] =	ssyncadd.s32 $0xFFFFF800  }
0x3d: {  	[hbm4b:s26+s2] =	stream.linear.scatter [tilespmem:s7], [sflag:$0x2], $0x5000, $0x38;
	[tilespmem:$0x5500] =	vst v63  }
0x3e: {  	_ =	swait.ge [sflag:s3], $0x5000  }
0x3f: {  	s28 =	sadd.s32 $0xFFFFFFFF, s28;
	[sflag:s3] =	ssyncset.done $0x0  }
.LBB2_1:
0x40: {  	p0 =	sne.s32 s28, $0x1;
	s28 =	sadd.s32 $0xFFFFFFFF, s28;
	[sflag:s3] =	ssyncadd.s32 $0xFFFFB000  }
0x41: {  	[tilespmem:s2], [sflag:$0x2] =	stream.linear.gather [hbm4b:s4+s2], $0x500, $0x38;
	[tilespmem:$0x5500] =	vst v63  }
0x42: {  	_ =	swait.ge [sflag:s3], $0x500  }
0x43: {  	[sflag:s3] =	ssyncset.done $0x0  }
0x44: {  	[sflag:s3] =	ssyncadd.s32 $0xFFFFFB00  }
0x45: {  	[tilespmem:s7], [sflag:$0x1] =	stream.indirect.gather [hbm4b:s5+s6], $0x10, s2, s6, $0xb8;
	[tilespmem:$0x5500] =	vst v63  }
0x46: {  	_ = 	snop  }
0x47: {  	[tilespmem:s8], [sflag:$0x1] =	stream.indirect.gather [hbm4b:s5+s6], $0x10, s6, s6, $0xb8;
	[tilespmem:$0x5500] =	vst v63  }
0x48: {  	_ = 	snop  }
0x49: {  	[tilespmem:s10], [sflag:$0x1] =	stream.indirect.gather [hbm4b:s5+s6], $0x10, s9, s6, $0xb8;
	[tilespmem:$0x5500] =	vst v63  }
0x4a: {  	_ = 	snop  }
0x4b: {  	[tilespmem:s12], [sflag:$0x1] =	stream.indirect.gather [hbm4b:s5+s6], $0x10, s11, s6, $0xb8;
	[tilespmem:$0x5500] =	vst v63  }
0x4c: {  	_ = 	snop  }
0x4d: {  	[tilespmem:s14], [sflag:$0x1] =	stream.indirect.gather [hbm4b:s5+s6], $0x10, s13, s6, $0xb8;
	[tilespmem:$0x5500] =	vst v63  }
0x4e: {  	_ = 	snop  }
0x4f: {  	[tilespmem:s16], [sflag:$0x1] =	stream.indirect.gather [hbm4b:s5+s6], $0x10, s15, s6, $0xb8;
	[tilespmem:$0x5500] =	vst v63  }
0x50: {  	_ = 	snop  }
0x51: {  	[tilespmem:s18], [sflag:$0x1] =	stream.indirect.gather [hbm4b:s5+s6], $0x10, s17, s6, $0xb8;
	[tilespmem:$0x5500] =	vst v63  }
0x52: {  	_ = 	snop  }
0x53: {  	[tilespmem:s20], [sflag:$0x1] =	stream.indirect.gather [hbm4b:s5+s6], $0x10, s19, s6, $0xb8;
	[tilespmem:$0x5500] =	vst v63  }
0x54: {  	_ = 	snop  }
0x55: {  	[tilespmem:s22], [sflag:$0x1] =	stream.indirect.gather [hbm4b:s5+s6], $0x10, s21, s6, $0xb8;
	[tilespmem:$0x5500] =	vst v63  }
0x56: {  	_ = 	snop  }
0x57: {  	[tilespmem:s24], [sflag:$0x1] =	stream.indirect.gather [hbm4b:s5+s6], $0x10, s23, s6, $0xb8;
	[tilespmem:$0x5500] =	vst v63  }
0x58: {  	_ =	swait.ge [sflag:s25], $0x800  }
0x59: {  	[sflag:s25] =	ssyncset.done $0x0  }
0x5a: {  	[sflag:s25] =	ssyncadd.s32 $0xFFFFF800  }
0x5b: {  	_ =	swait.ge [sflag:s25], $0x800  }
0x5c: {  	[sflag:s25] =	ssyncset.done $0x0  }
0x5d: {  	[sflag:s25] =	ssyncadd.s32 $0xFFFFF800  }
0x5e: {  	_ =	swait.ge [sflag:s25], $0x800  }
0x5f: {  	[sflag:s25] =	ssyncset.done $0x0  }
0x60: {  	[sflag:s25] =	ssyncadd.s32 $0xFFFFF800  }
0x61: {  	_ =	swait.ge [sflag:s25], $0x800  }
0x62: {  	[sflag:s25] =	ssyncset.done $0x0  }
0x63: {  	[sflag:s25] =	ssyncadd.s32 $0xFFFFF800  }
0x64: {  	_ =	swait.ge [sflag:s25], $0x800  }
0x65: {  	[sflag:s25] =	ssyncset.done $0x0  }
0x66: {  	[sflag:s25] =	ssyncadd.s32 $0xFFFFF800  }
0x67: {  	_ =	swait.ge [sflag:s25], $0x800  }
0x68: {  	[sflag:s25] =	ssyncset.done $0x0  }
0x69: {  	[sflag:s25] =	ssyncadd.s32 $0xFFFFF800  }
0x6a: {  	_ =	swait.ge [sflag:s25], $0x800  }
0x6b: {  	[sflag:s25] =	ssyncset.done $0x0  }
0x6c: {  	[sflag:s25] =	ssyncadd.s32 $0xFFFFF800  }
0x6d: {  	_ =	swait.ge [sflag:s25], $0x800  }
0x6e: {  	[sflag:s25] =	ssyncset.done $0x0  }
0x6f: {  	[sflag:s25] =	ssyncadd.s32 $0xFFFFF800  }
0x70: {  	_ =	swait.ge [sflag:s25], $0x800  }
0x71: {  	[sflag:s25] =	ssyncset.done $0x0  }
0x72: {  	[sflag:s25] =	ssyncadd.s32 $0xFFFFF800  }
0x73: {  	_ =	swait.ge [sflag:s25], $0x800  }
.Ltmp1:
0x74: {  	[sflag:s25] =	ssyncset.done $0x0;
	(pc) =	sbr.rel @p0 .LBB2_1-.Ltmp1, $4  }
0x75: {  	[sflag:s25] =	ssyncadd.s32 $0xFFFFF800  }
0x76: {  	[hbm4b:s26+s2] =	stream.linear.scatter [tilespmem:s7], [sflag:$0x2], $0x5000, $0x38;
	[tilespmem:$0x5500] =	vst v63  }
0x77: {  	_ =	swait.ge [sflag:s3], $0x5000  }
0x78: {  	[sflag:s3] =	ssyncset.done $0x0  }
.LBB2_2:
0x79: {  	[sflag:s3] =	ssyncadd.s32 $0xFFFFB000  }
0x7a: {  	_ =	sfence.sel $0x180000  }
0x7b: {  	[bflag:$0x0] =	sbarrier.arrive $0xFFFF  }
0x7c: {  	p0 =	sne.s32 s0, $0x0;
	_ =	strace $0x9000004A  }
0x7d: {  	s0 =	sadd.s32 @!p0 $0x100000, s1;
	[bflag:$0x2] =	sbarrier.arrive $0xFFFF  }
0x7e: {  	[sflag:s0] =	ssyncadd.tile.s32 @!p0 $0x1;
	_ =	shalt  }
.Lfunc_end2:
_tile_overlayer_lowered:
.L_overlay_start_2:
0x7f: {  	(tag) =	ssettag $0x2  }
0x80: {  	s0 =	rddreg [dreg:$0x0];
	s2 =	stileid.u32  }
0x81: {  	s1 =	rddreg [dreg:$0x1];
	p0 =	sne.s32 s2, $0x0  }
0x82: {  	s3 =	rddreg [dreg:$0x2];
	[bflag:$0x3] =	sbarrier.arrive $0xFFFF;
	s2 =	simm.s32 @!p0 $0x1C02  }
0x83: {  	[timem:s3], [sflag:s2] =	dma.local @!p0 [hbm:s0], s1  }
0x84: {  	s0 =	simm.s32 @!p0 $0x2  }
0x85: {  	_ =	swait.ge @!p0 [sflag:s0], s1  }
0x86: {  	s1 =	ssub.s32 @!p0 $0x0, s1;
	[sflag:s0] =	ssyncset.done @!p0 $0x0  }
0x87: {  	[sflag:s0] =	ssyncadd.s32 @!p0 s1  }
0x88: {  	[bflag:$0x3] =	sbarrier.arrive $0xFFFF  }
0x89: {  	_ =	shalt  }

</sc_bundles>
